<compile_context>
chip_gen: v7x
topology: tpu7x:2x2x1
jax: 0.10.2.dev20260603
libtpu: 0.0.44.dev20260713+nightly
codegen_flags: <defaults>
</compile_context>

<pallas_src>
import functools

import jax
import jax.numpy as jnp
import numpy as np
from jax import lax
from jax.experimental import pallas as pl
from jax.experimental.pallas import tpu as pltpu
from jax.experimental.pallas import tpu_sc as plsc

_H = _W = 48
_A = 9
_K = 20
_N = _A * _H * _W
_NC, _NS, _L = 2, 16, 16
_NW = _NC * _NS
_CH = 656
_NV = _CH // _L
_POS = 0.7
_NEG = 0.3
_INV_SCALE = 1.0 / 16.0

_MESH = plsc.VectorSubcoreMesh(core_axis_name="c", subcore_axis_name="s",
                               num_cores=_NC, num_subcores=_NS)


@functools.partial(
    pl.kernel,
    out_type=(
        jax.ShapeDtypeStruct((_N,), jnp.float32),
        jax.ShapeDtypeStruct((_N,), jnp.float32),
        jax.ShapeDtypeStruct((_N,), jnp.float32),
        jax.ShapeDtypeStruct((_N,), jnp.float32),
        jax.ShapeDtypeStruct((_N,), jnp.float32),
        jax.ShapeDtypeStruct((_NW * _L,), jnp.int32),
    ),
    mesh=_MESH,
    compiler_params=pltpu.CompilerParams(needs_layout_passes=False),
    scratch_types=(
        pltpu.VMEM((128,), jnp.float32),
        pltpu.VMEM((128,), jnp.float32),
        pltpu.VMEM((96,), jnp.float32),
        pltpu.VMEM((_CH,), jnp.float32),
        pltpu.VMEM((4 * _CH,), jnp.float32),
        pltpu.VMEM((_L,), jnp.int32),
        pltpu.SemaphoreType.DMA,
    ),
)
def _pass_a(gt_hbm, lbl_hbm, tx_hbm, ty_hbm, tw_hbm, th_hbm, cnt_hbm,
            graw_v, gt_v, gd_v, lbl_v, tgt_v, cnt_v, sem):
    wid = lax.axis_index("s") * _NC + lax.axis_index("c")
    base = wid * _CH
    pltpu.sync_copy(gt_hbm, graw_v)
    lane = jnp.arange(_L, dtype=jnp.int32)
    for c in range(4):
        for j in range(2):
            idx = (lane + j * _L) * 4 + c
            gt_v[pl.ds(c * 32 + j * _L, _L)] = plsc.load_gather(graw_v, [idx])
    for j in range(2):
        gx = gt_v[pl.ds(0 * 32 + j * _L, _L)]
        gy = gt_v[pl.ds(1 * 32 + j * _L, _L)]
        gw = gt_v[pl.ds(2 * 32 + j * _L, _L)]
        gh = gt_v[pl.ds(3 * 32 + j * _L, _L)]
        gd_v[pl.ds(0 * 32 + j * _L, _L)] = gx + gw
        gd_v[pl.ds(1 * 32 + j * _L, _L)] = gy + gh
        gd_v[pl.ds(2 * 32 + j * _L, _L)] = gw * gh
    gx_l = [gt_v[pl.ds(0 * 32 + j * _L, _L)] for j in range(2)]
    gy_l = [gt_v[pl.ds(1 * 32 + j * _L, _L)] for j in range(2)]
    gxe_l = [gd_v[pl.ds(0 * 32 + j * _L, _L)] for j in range(2)]
    gye_l = [gd_v[pl.ds(1 * 32 + j * _L, _L)] for j in range(2)]
    ga_l = [gd_v[pl.ds(2 * 32 + j * _L, _L)] for j in range(2)]

    def body(i, pos_run):
        sl = pl.ds(i * _L, _L)
        n = lane + (base + i * _L)
        a_idx = (n * 3641) >> 23
        rr = n - a_idx * 2304
        hh = (rr * 2731) >> 17
        ww = rr - hh * 48
        grp = (a_idx * 11) >> 5
        var = a_idx - grp * 3
        s16 = 32 << var
        aw = (s16 << (grp == 2).astype(jnp.int32)).astype(jnp.float32)
        ah = (s16 << (grp == 1).astype(jnp.int32)).astype(jnp.float32)
        ax0 = ww.astype(jnp.float32) * 16.0 - aw * 0.5
        ay0 = hh.astype(jnp.float32) * 16.0 - ah * 0.5
        axe = ax0 + aw
        aye = ay0 + ah
        area_a = aw * ah
        insb = ((ax0 >= 0.0) & (ay0 >= 0.0) & (axe < 768.0) & (aye < 768.0)
                & (n < _N))
        maxov = jnp.zeros((_L,), jnp.float32)
        arg = jnp.zeros((_L,), jnp.int32)
        for k in range(_K):
            j, e = divmod(k, _L)
            gxk = gx_l[j][e]
            gyk = gy_l[j][e]
            gxek = gxe_l[j][e]
            gyek = gye_l[j][e]
            gak = ga_l[j][e]
            iw = jnp.maximum(jnp.minimum(axe, gxek) - jnp.maximum(ax0, gxk), 0.0)
            ih = jnp.maximum(jnp.minimum(aye, gyek) - jnp.maximum(ay0, gyk), 0.0)
            inter = iw * ih
            ov = inter / (area_a + gak - inter)
            upd = ov > maxov
            arg = jnp.where(upd, k, arg)
            maxov = jnp.maximum(maxov, ov)
        pos = insb & (maxov > _POS)
        lbl = jnp.where(insb & (maxov >= _POS), 1.0, -1.0).astype(jnp.float32)
        lbl = jnp.where(insb & (maxov <= _NEG), 0.0, lbl)
        pos_run = pos_run + jnp.sum(pos.astype(jnp.int32))
        gsx = plsc.load_gather(gt_v.at[pl.ds(0, 32)], [arg])
        gsy = plsc.load_gather(gt_v.at[pl.ds(32, 32)], [arg])
        gsw = plsc.load_gather(gt_v.at[pl.ds(64, 32)], [arg])
        gsh = plsc.load_gather(gt_v.at[pl.ds(96, 32)], [arg])
        tx = jnp.where(insb, (ax0 - gsx) * _INV_SCALE, 0.0)
        ty = jnp.where(insb, (ay0 - gsy) * _INV_SCALE, 0.0)
        tw = jnp.where(insb, (aw - gsw) * _INV_SCALE, 0.0)
        th = jnp.where(insb, (ah - gsh) * _INV_SCALE, 0.0)
        lbl_v[sl] = lbl
        tgt_v[pl.ds(0 * _CH + i * _L, _L)] = tx
        tgt_v[pl.ds(1 * _CH + i * _L, _L)] = ty
        tgt_v[pl.ds(2 * _CH + i * _L, _L)] = tw
        tgt_v[pl.ds(3 * _CH + i * _L, _L)] = th
        return pos_run

    pos_run = lax.fori_loop(0, _NV, body, jnp.int32(0))
    cnt_v[...] = jnp.where(lane == 1, pos_run, 0).astype(jnp.int32)
    last = _N - (_NW - 1) * _CH
    t_hbms = (tx_hbm, ty_hbm, tw_hbm, th_hbm)

    @pl.when(wid < _NW - 1)
    def _():
        cps = [pltpu.async_copy(lbl_v, lbl_hbm.at[pl.ds(base, _CH)], sem)]
        for c in range(4):
            cps.append(pltpu.async_copy(tgt_v.at[pl.ds(c * _CH, _CH)],
                                        t_hbms[c].at[pl.ds(base, _CH)], sem))
        cps.append(pltpu.async_copy(cnt_v, cnt_hbm.at[pl.ds(wid * _L, _L)], sem))
        for cp in cps:
            cp.wait()

    @pl.when(wid == _NW - 1)
    def _():
        cps = [pltpu.async_copy(lbl_v.at[pl.ds(0, last)],
                                lbl_hbm.at[pl.ds(base, last)], sem)]
        for c in range(4):
            cps.append(pltpu.async_copy(tgt_v.at[pl.ds(c * _CH, last)],
                                        t_hbms[c].at[pl.ds(base, last)], sem))
        cps.append(pltpu.async_copy(cnt_v, cnt_hbm.at[pl.ds(wid * _L, _L)], sem))
        for cp in cps:
            cp.wait()


_R = _N // 128
_UPPER = np.triu(np.ones((128, 128), np.float32))
_LSTRICT = np.tril(np.ones((_R, _R), np.float32), k=-1)


def _combine_tc(lbl_ref, cnt_ref, u_ref, l_ref, out_ref):
    lbl = lbl_ref[...]
    isneg = (lbl == 0.0).astype(jnp.float32)
    incl = jnp.dot(isneg, u_ref[...], preferred_element_type=jnp.float32)
    rowsum = incl[:, 127:128]
    rowpre = jnp.dot(l_ref[...], rowsum, preferred_element_type=jnp.float32)
    grank = incl + rowpre
    negtot = jnp.sum(isneg)
    cnt = cnt_ref[...]
    posmask = lax.broadcasted_iota(jnp.int32, (4, 128), 1) % 16 == 1
    postot = jnp.sum(jnp.where(posmask, cnt, 0)).astype(jnp.float32)
    cut = jnp.maximum(3.0 * postot, 1.0)
    dis = (isneg > 0.0) & (grank <= negtot - cut) & (negtot > cut)
    out_ref[...] = jnp.where(dis, -1.0, lbl)


def _pass_b(lbl, cnt):
    return pl.pallas_call(
        _combine_tc,
        out_shape=jax.ShapeDtypeStruct((_R, 128), jnp.float32),
    )(lbl.reshape(_R, 128), cnt.reshape(4, 128),
      jnp.asarray(_UPPER), jnp.asarray(_LSTRICT))


def kernel(cls_scores, gt_boxes):
    del cls_scores
    gt_flat = jnp.concatenate([gt_boxes.reshape(-1),
                               jnp.zeros((128 - 4 * _K,), jnp.float32)])
    lbl, tx, ty, tw, th, cnt = _pass_a(gt_flat)
    lblf = _pass_b(lbl, cnt)
    label_op = lblf.reshape(1, _A, _H, _W, 1)
    target_op = jnp.stack([tx, ty, tw, th], axis=-1).reshape(1, _A, _H, _W, 4)
    return (label_op, target_op)

# --- scband reference (transcript-rebuilt; emitter-appended) ---
"""Pipeline reference for scband-anchor-layer-36249523978388 (READ-ONLY COPY).

The authoritative reference and input builder live on the scoring server;
editing this copy changes nothing except your own understanding.
"""

import jax, jax.numpy as jnp
import numpy as np

IMAGE_INPUT_DIMS = 768
NUM_ANCHORS = 9
RPN_POSITIVE_OVERLAP = 0.7
RPN_NEGATIVE_OVERLAP = 0.3
IOU_FACTOR = 16


def _generate_anchors(H, W):
    # 9 anchors per cell, (w, h) in feature-map units; box format (x0, y0, w, h)
    sizes = jnp.array([[2., 2.], [4., 4.], [8., 8.], [2., 4.], [4., 8.], [8., 16.], [4., 2.], [8., 4.], [16., 8.]], dtype=jnp.float32)
    ys, xs = jnp.meshgrid(jnp.arange(H, dtype=jnp.float32), jnp.arange(W, dtype=jnp.float32), indexing='ij')
    w = sizes[:, 0][:, None, None] * jnp.ones((1, H, W), dtype=jnp.float32)
    h = sizes[:, 1][:, None, None] * jnp.ones((1, H, W), dtype=jnp.float32)
    x0 = xs[None, :, :] - w / 2.0
    y0 = ys[None, :, :] - h / 2.0
    return jnp.stack([x0, y0, w, h], axis=-1)  # [A, H, W, 4]


def setup_inputs(seed: int = 0) -> dict:
    key = jax.random.key(seed)
    k1, k2, k3 = jax.random.split(key, 3)
    B, A, H, W, K = 1, NUM_ANCHORS, 48, 48, 20
    cls_scores = jax.random.normal(k1, (B, 2 * A, H, W), dtype=jnp.float32)
    xy = jax.random.uniform(k2, (B, K, 2), minval=0.0, maxval=600.0, dtype=jnp.float32)
    wh = jax.random.uniform(k3, (B, K, 2), minval=20.0, maxval=160.0, dtype=jnp.float32)
    gt_boxes = jnp.concatenate([xy, wh], axis=-1)
    return {"cls_scores": cls_scores, "gt_boxes": gt_boxes}


def reference(cls_scores, gt_boxes):
    B = gt_boxes.shape[0]
    H, W = cls_scores.shape[2], cls_scores.shape[3]
    scale = IMAGE_INPUT_DIMS // H
    anchors = _generate_anchors(H, W)  # [A, H, W, 4]
    A = anchors.shape[0]
    flat = anchors.reshape(-1, 4)  # [N, 4], N = A*H*W
    # clip_boxes: keep anchors fully inside feature map (mask-based equivalent)
    inside = (flat[:, 0] >= 0) & (flat[:, 1] >= 0) & (flat[:, 0] + flat[:, 2] < H) & (flat[:, 1] + flat[:, 3] < W)
    # bbox_overlaps: anchors scaled to image coords by factor, boxes are (x, y, w, h)
    a = flat * float(IOU_FACTOR)
    g = gt_boxes[0]  # [K, 4] (batch assumed 1, as in the original final loop)
    ax0, ay0, aw, ah = a[:, 0:1], a[:, 1:2], a[:, 2:3], a[:, 3:4]
    gx0, gy0, gw, gh = g[None, :, 0], g[None, :, 1], g[None, :, 2], g[None, :, 3]
    iw = jnp.minimum(ax0 + aw, gx0 + gw) - jnp.maximum(ax0, gx0)
    ih = jnp.minimum(ay0 + ah, gy0 + gh) - jnp.maximum(ay0, gy0)
    iw = jnp.maximum(iw, 0.0)
    ih = jnp.maximum(ih, 0.0)
    inter = iw * ih
    union = aw * ah + gw * gh - inter
    overlaps = inter / union  # [N, K]
    overlaps = jnp.where(overlaps == 0.0, 1e-10, overlaps)
    max_overlaps = jnp.max(overlaps, axis=1)
    argmax_overlaps = jnp.argmax(overlaps, axis=1)
    labels = jnp.full((flat.shape[0],), -1.0, dtype=jnp.float32)
    labels = jnp.where(inside & (max_overlaps >= RPN_POSITIVE_OVERLAP), 1.0, labels)
    labels = jnp.where(inside & (max_overlaps <= RPN_NEGATIVE_OVERLAP), 0.0, labels)
    # negative subsampling: original uses np.random.permutation; deterministic rank-based variant
    pos_cnt = jnp.sum(inside & (max_overlaps > RPN_POSITIVE_OVERLAP))
    cutoff = jnp.maximum(1, 3 * pos_cnt)
    is_neg = labels == 0.0
    neg_cnt = jnp.sum(is_neg)
    neg_rank = jnp.cumsum(is_neg.astype(jnp.int32))
    disable = is_neg & (neg_rank <= (neg_cnt - cutoff)) & (neg_cnt > cutoff)
    labels = jnp.where(disable, -1.0, labels)
    # regression targets: anchors - gt[argmax] / scale  (division binds first, as in original)
    targets = flat - g[argmax_overlaps, :] / float(scale)
    label_op = labels.reshape(B, A, H, W, 1)
    target_op = jnp.where(inside[:, None], targets, 0.0).reshape(B, A, H, W, 4)
    return (label_op, target_op)

if __name__ == "__main__":
    import jax
    _d = setup_inputs()
    print(jax.jit(kernel)(*tuple(_d.values())))

</pallas_src>

<mosaic_0001>
#map = affine_map<(d0, d1) -> (0)>
module attributes {stable_mosaic.version = 14 : i64} {
  func.func @_pass_a(%arg0: i32, %arg1: i32, %arg2: memref<128xf32, #tpu.memory_space<hbm>>, %arg3: memref<20736xf32, #tpu.memory_space<hbm>>, %arg4: memref<20736xf32, #tpu.memory_space<hbm>>, %arg5: memref<20736xf32, #tpu.memory_space<hbm>>, %arg6: memref<20736xf32, #tpu.memory_space<hbm>>, %arg7: memref<20736xf32, #tpu.memory_space<hbm>>, %arg8: memref<512xi32, #tpu.memory_space<hbm>>, %arg9: memref<128xf32, #tpu.memory_space<vmem>>, %arg10: memref<128xf32, #tpu.memory_space<vmem>>, %arg11: memref<96xf32, #tpu.memory_space<vmem>>, %arg12: memref<656xf32, #tpu.memory_space<vmem>>, %arg13: memref<2624xf32, #tpu.memory_space<vmem>>, %arg14: memref<16xi32, #tpu.memory_space<vmem>>, %arg15: memref<!tpu.dma_semaphore, #tpu.memory_space<semaphore_mem>>) attributes {dimension_semantics = [#tpu.dimension_semantics<core_parallel>, #tpu.dimension_semantics<subcore_parallel>], iteration_bounds = array<i64: 2, 16>, scalar_prefetch = 0 : i64, scratch_operands = 7 : i64, tpu.core_type = #tpu.core_type<sc_vector_subcore>, window_params = [{transform_indices = #map}, {transform_indices = #map}, {transform_indices = #map}, {transform_indices = #map}, {transform_indices = #map}, {transform_indices = #map}, {transform_indices = #map}]} {
    %mul3A = arith.constant 2 : i32
    %mul3A_0 = arith.muli %arg1, %mul3A : i32
    %add3A = arith.addi %mul3A_0, %arg0 : i32
    %mul3A_1 = arith.constant 656 : i32
    %mul3A_2 = arith.muli %add3A, %mul3A_1 : i32
    "tpu.region"() ({
      %run_scoped3A = tpu.sem_alloc : memref<!tpu.dma_semaphore, #tpu.memory_space<semaphore_mem>>
      tpu.enqueue_dma source(%arg2 : memref<128xf32, #tpu.memory_space<hbm>>) target(%arg9 : memref<128xf32, #tpu.memory_space<vmem>>) target_semaphore(%run_scoped3A : memref<!tpu.dma_semaphore, #tpu.memory_space<semaphore_mem>>)
      tpu.wait_dma2 semaphore(%run_scoped3A : memref<!tpu.dma_semaphore, #tpu.memory_space<semaphore_mem>>) src(%arg2 : memref<128xf32, #tpu.memory_space<hbm>>) dst(%arg9 : memref<128xf32, #tpu.memory_space<vmem>>)
      tpu.yield
    }) : () -> ()
    %iota3A = tpu.iota {dimensions = array<i32: 0>} : vector<16xi32>
    %add3A_3 = arith.constant 0 : i32
    %add3A_4 = vector.broadcast %add3A_3 : i32 to vector<16xi32>
    %add3A_5 = arith.addi %iota3A, %add3A_4 : vector<16xi32>
    %mul3A_6 = arith.constant 4 : i32
    %mul3A_7 = vector.broadcast %mul3A_6 : i32 to vector<16xi32>
    %mul3A_8 = arith.muli %add3A_5, %mul3A_7 : vector<16xi32>
    %add3A_9 = arith.constant 0 : i32
    %add3A_10 = vector.broadcast %add3A_9 : i32 to vector<16xi32>
    %add3A_11 = arith.addi %mul3A_8, %add3A_10 : vector<16xi32>
    %gather3A = tpu.vector_load_idx %arg9[%add3A_11] : memref<128xf32, #tpu.memory_space<vmem>>[vector<16xi32>], vector<16xf32>,
    %swap3A = arith.constant 0 : index
    %swap3A_12 = tpu.vector_load %arg10[%swap3A] {strides = array<i32>} : memref<128xf32, #tpu.memory_space<vmem>>, vector<16xf32>,
    tpu.vector_store %arg10[%swap3A], %gather3A {strides = array<i32>} : memref<128xf32, #tpu.memory_space<vmem>>, vector<16xf32>,
    %add3A_13 = arith.constant 16 : i32
    %add3A_14 = vector.broadcast %add3A_13 : i32 to vector<16xi32>
    %add3A_15 = arith.addi %iota3A, %add3A_14 : vector<16xi32>
    %mul3A_16 = arith.constant 4 : i32
    %mul3A_17 = vector.broadcast %mul3A_16 : i32 to vector<16xi32>
    %mul3A_18 = arith.muli %add3A_15, %mul3A_17 : vector<16xi32>
    %add3A_19 = arith.constant 0 : i32
    %add3A_20 = vector.broadcast %add3A_19 : i32 to vector<16xi32>
    %add3A_21 = arith.addi %mul3A_18, %add3A_20 : vector<16xi32>
    %gather3A_22 = tpu.vector_load_idx %arg9[%add3A_21] : memref<128xf32, #tpu.memory_space<vmem>>[vector<16xi32>], vector<16xf32>,
    %swap3A_23 = arith.constant 16 : index
    %swap3A_24 = tpu.vector_load %arg10[%swap3A_23] {strides = array<i32>} : memref<128xf32, #tpu.memory_space<vmem>>, vector<16xf32>,
    tpu.vector_store %arg10[%swap3A_23], %gather3A_22 {strides = array<i32>} : memref<128xf32, #tpu.memory_space<vmem>>, vector<16xf32>,
    %add3A_25 = arith.constant 0 : i32
    %add3A_26 = vector.broadcast %add3A_25 : i32 to vector<16xi32>
    %add3A_27 = arith.addi %iota3A, %add3A_26 : vector<16xi32>
    %mul3A_28 = arith.constant 4 : i32
    %mul3A_29 = vector.broadcast %mul3A_28 : i32 to vector<16xi32>
    %mul3A_30 = arith.muli %add3A_27, %mul3A_29 : vector<16xi32>
    %add3A_31 = arith.constant 1 : i32
    %add3A_32 = vector.broadcast %add3A_31 : i32 to vector<16xi32>
    %add3A_33 = arith.addi %mul3A_30, %add3A_32 : vector<16xi32>
    %gather3A_34 = tpu.vector_load_idx %arg9[%add3A_33] : memref<128xf32, #tpu.memory_space<vmem>>[vector<16xi32>], vector<16xf32>,
    %swap3A_35 = arith.constant 32 : index
    %swap3A_36 = tpu.vector_load %arg10[%swap3A_35] {strides = array<i32>} : memref<128xf32, #tpu.memory_space<vmem>>, vector<16xf32>,
    tpu.vector_store %arg10[%swap3A_35], %gather3A_34 {strides = array<i32>} : memref<128xf32, #tpu.memory_space<vmem>>, vector<16xf32>,
    %add3A_37 = arith.constant 16 : i32
    %add3A_38 = vector.broadcast %add3A_37 : i32 to vector<16xi32>
    %add3A_39 = arith.addi %iota3A, %add3A_38 : vector<16xi32>
    %mul3A_40 = arith.constant 4 : i32
    %mul3A_41 = vector.broadcast %mul3A_40 : i32 to vector<16xi32>
    %mul3A_42 = arith.muli %add3A_39, %mul3A_41 : vector<16xi32>
    %add3A_43 = arith.constant 1 : i32
    %add3A_44 = vector.broadcast %add3A_43 : i32 to vector<16xi32>
    %add3A_45 = arith.addi %mul3A_42, %add3A_44 : vector<16xi32>
    %gather3A_46 = tpu.vector_load_idx %arg9[%add3A_45] : memref<128xf32, #tpu.memory_space<vmem>>[vector<16xi32>], vector<16xf32>,
    %swap3A_47 = arith.constant 48 : index
    %swap3A_48 = tpu.vector_load %arg10[%swap3A_47] {strides = array<i32>} : memref<128xf32, #tpu.memory_space<vmem>>, vector<16xf32>,
    tpu.vector_store %arg10[%swap3A_47], %gather3A_46 {strides = array<i32>} : memref<128xf32, #tpu.memory_space<vmem>>, vector<16xf32>,
    %add3A_49 = arith.constant 0 : i32
    %add3A_50 = vector.broadcast %add3A_49 : i32 to vector<16xi32>
    %add3A_51 = arith.addi %iota3A, %add3A_50 : vector<16xi32>
    %mul3A_52 = arith.constant 4 : i32
    %mul3A_53 = vector.broadcast %mul3A_52 : i32 to vector<16xi32>
    %mul3A_54 = arith.muli %add3A_51, %mul3A_53 : vector<16xi32>
    %add3A_55 = arith.constant 2 : i32
    %add3A_56 = vector.broadcast %add3A_55 : i32 to vector<16xi32>
    %add3A_57 = arith.addi %mul3A_54, %add3A_56 : vector<16xi32>
    %gather3A_58 = tpu.vector_load_idx %arg9[%add3A_57] : memref<128xf32, #tpu.memory_space<vmem>>[vector<16xi32>], vector<16xf32>,
    %swap3A_59 = arith.constant 64 : index
    %swap3A_60 = tpu.vector_load %arg10[%swap3A_59] {strides = array<i32>} : memref<128xf32, #tpu.memory_space<vmem>>, vector<16xf32>,
    tpu.vector_store %arg10[%swap3A_59], %gather3A_58 {strides = array<i32>} : memref<128xf32, #tpu.memory_space<vmem>>, vector<16xf32>,
    %add3A_61 = arith.constant 16 : i32
    %add3A_62 = vector.broadcast %add3A_61 : i32 to vector<16xi32>
    %add3A_63 = arith.addi %iota3A, %add3A_62 : vector<16xi32>
    %mul3A_64 = arith.constant 4 : i32
    %mul3A_65 = vector.broadcast %mul3A_64 : i32 to vector<16xi32>
    %mul3A_66 = arith.muli %add3A_63, %mul3A_65 : vector<16xi32>
    %add3A_67 = arith.constant 2 : i32
    %add3A_68 = vector.broadcast %add3A_67 : i32 to vector<16xi32>
    %add3A_69 = arith.addi %mul3A_66, %add3A_68 : vector<16xi32>
    %gather3A_70 = tpu.vector_load_idx %arg9[%add3A_69] : memref<128xf32, #tpu.memory_space<vmem>>[vector<16xi32>], vector<16xf32>,
    %swap3A_71 = arith.constant 80 : index
    %swap3A_72 = tpu.vector_load %arg10[%swap3A_71] {strides = array<i32>} : memref<128xf32, #tpu.memory_space<vmem>>, vector<16xf32>,
    tpu.vector_store %arg10[%swap3A_71], %gather3A_70 {strides = array<i32>} : memref<128xf32, #tpu.memory_space<vmem>>, vector<16xf32>,
    %add3A_73 = arith.constant 0 : i32
    %add3A_74 = vector.broadcast %add3A_73 : i32 to vector<16xi32>
    %add3A_75 = arith.addi %iota3A, %add3A_74 : vector<16xi32>
    %mul3A_76 = arith.constant 4 : i32
    %mul3A_77 = vector.broadcast %mul3A_76 : i32 to vector<16xi32>
    %mul3A_78 = arith.muli %add3A_75, %mul3A_77 : vector<16xi32>
    %add3A_79 = arith.constant 3 : i32
    %add3A_80 = vector.broadcast %add3A_79 : i32 to vector<16xi32>
    %add3A_81 = arith.addi %mul3A_78, %add3A_80 : vector<16xi32>
    %gather3A_82 = tpu.vector_load_idx %arg9[%add3A_81] : memref<128xf32, #tpu.memory_space<vmem>>[vector<16xi32>], vector<16xf32>,
    %swap3A_83 = arith.constant 96 : index
    %swap3A_84 = tpu.vector_load %arg10[%swap3A_83] {strides = array<i32>} : memref<128xf32, #tpu.memory_space<vmem>>, vector<16xf32>,
    tpu.vector_store %arg10[%swap3A_83], %gather3A_82 {strides = array<i32>} : memref<128xf32, #tpu.memory_space<vmem>>, vector<16xf32>,
    %add3A_85 = arith.constant 16 : i32
    %add3A_86 = vector.broadcast %add3A_85 : i32 to vector<16xi32>
    %add3A_87 = arith.addi %iota3A, %add3A_86 : vector<16xi32>
    %mul3A_88 = arith.constant 4 : i32
    %mul3A_89 = vector.broadcast %mul3A_88 : i32 to vector<16xi32>
    %mul3A_90 = arith.muli %add3A_87, %mul3A_89 : vector<16xi32>
    %add3A_91 = arith.constant 3 : i32
    %add3A_92 = vector.broadcast %add3A_91 : i32 to vector<16xi32>
    %add3A_93 = arith.addi %mul3A_90, %add3A_92 : vector<16xi32>
    %gather3A_94 = tpu.vector_load_idx %arg9[%add3A_93] : memref<128xf32, #tpu.memory_space<vmem>>[vector<16xi32>], vector<16xf32>,
    %swap3A_95 = arith.constant 112 : index
    %swap3A_96 = tpu.vector_load %arg10[%swap3A_95] {strides = array<i32>} : memref<128xf32, #tpu.memory_space<vmem>>, vector<16xf32>,
    tpu.vector_store %arg10[%swap3A_95], %gather3A_94 {strides = array<i32>} : memref<128xf32, #tpu.memory_space<vmem>>, vector<16xf32>,
    %get3A = arith.constant 0 : index
    %get3A_97 = tpu.vector_load %arg10[%get3A] {strides = array<i32>} : memref<128xf32, #tpu.memory_space<vmem>>, vector<16xf32>,
    %get3A_98 = arith.constant 32 : index
    %get3A_99 = tpu.vector_load %arg10[%get3A_98] {strides = array<i32>} : memref<128xf32, #tpu.memory_space<vmem>>, vector<16xf32>,
    %get3A_100 = arith.constant 64 : index
    %get3A_101 = tpu.vector_load %arg10[%get3A_100] {strides = array<i32>} : memref<128xf32, #tpu.memory_space<vmem>>, vector<16xf32>,
    %get3A_102 = arith.constant 96 : index
    %get3A_103 = tpu.vector_load %arg10[%get3A_102] {strides = array<i32>} : memref<128xf32, #tpu.memory_space<vmem>>, vector<16xf32>,
    %add3A_104 = arith.addf %get3A_97, %get3A_101 : vector<16xf32>
    %swap3A_105 = arith.constant 0 : index
    %swap3A_106 = tpu.vector_load %arg11[%swap3A_105] {strides = array<i32>} : memref<96xf32, #tpu.memory_space<vmem>>, vector<16xf32>,
    tpu.vector_store %arg11[%swap3A_105], %add3A_104 {strides = array<i32>} : memref<96xf32, #tpu.memory_space<vmem>>, vector<16xf32>,
    %add3A_107 = arith.addf %get3A_99, %get3A_103 : vector<16xf32>
    %swap3A_108 = arith.constant 32 : index
    %swap3A_109 = tpu.vector_load %arg11[%swap3A_108] {strides = array<i32>} : memref<96xf32, #tpu.memory_space<vmem>>, vector<16xf32>,
    tpu.vector_store %arg11[%swap3A_108], %add3A_107 {strides = array<i32>} : memref<96xf32, #tpu.memory_space<vmem>>, vector<16xf32>,
    %mul3A_110 = arith.mulf %get3A_101, %get3A_103 : vector<16xf32>
    %swap3A_111 = arith.constant 64 : index
    %swap3A_112 = tpu.vector_load %arg11[%swap3A_111] {strides = array<i32>} : memref<96xf32, #tpu.memory_space<vmem>>, vector<16xf32>,
    tpu.vector_store %arg11[%swap3A_111], %mul3A_110 {strides = array<i32>} : memref<96xf32, #tpu.memory_space<vmem>>, vector<16xf32>,
    %get3A_113 = arith.constant 16 : index
    %get3A_114 = tpu.vector_load %arg10[%get3A_113] {strides = array<i32>} : memref<128xf32, #tpu.memory_space<vmem>>, vector<16xf32>,
    %get3A_115 = arith.constant 48 : index
    %get3A_116 = tpu.vector_load %arg10[%get3A_115] {strides = array<i32>} : memref<128xf32, #tpu.memory_space<vmem>>, vector<16xf32>,
    %get3A_117 = arith.constant 80 : index
    %get3A_118 = tpu.vector_load %arg10[%get3A_117] {strides = array<i32>} : memref<128xf32, #tpu.memory_space<vmem>>, vector<16xf32>,
    %get3A_119 = arith.constant 112 : index
    %get3A_120 = tpu.vector_load %arg10[%get3A_119] {strides = array<i32>} : memref<128xf32, #tpu.memory_space<vmem>>, vector<16xf32>,
    %add3A_121 = arith.addf %get3A_114, %get3A_118 : vector<16xf32>
    %swap3A_122 = arith.constant 16 : index
    %swap3A_123 = tpu.vector_load %arg11[%swap3A_122] {strides = array<i32>} : memref<96xf32, #tpu.memory_space<vmem>>, vector<16xf32>,
    tpu.vector_store %arg11[%swap3A_122], %add3A_121 {strides = array<i32>} : memref<96xf32, #tpu.memory_space<vmem>>, vector<16xf32>,
    %add3A_124 = arith.addf %get3A_116, %get3A_120 : vector<16xf32>
    %swap3A_125 = arith.constant 48 : index
    %swap3A_126 = tpu.vector_load %arg11[%swap3A_125] {strides = array<i32>} : memref<96xf32, #tpu.memory_space<vmem>>, vector<16xf32>,
    tpu.vector_store %arg11[%swap3A_125], %add3A_124 {strides = array<i32>} : memref<96xf32, #tpu.memory_space<vmem>>, vector<16xf32>,
    %mul3A_127 = arith.mulf %get3A_118, %get3A_120 : vector<16xf32>
    %swap3A_128 = arith.constant 80 : index
    %swap3A_129 = tpu.vector_load %arg11[%swap3A_128] {strides = array<i32>} : memref<96xf32, #tpu.memory_space<vmem>>, vector<16xf32>,
    tpu.vector_store %arg11[%swap3A_128], %mul3A_127 {strides = array<i32>} : memref<96xf32, #tpu.memory_space<vmem>>, vector<16xf32>,
    %get3A_130 = arith.constant 0 : index
    %get3A_131 = tpu.vector_load %arg10[%get3A_130] {strides = array<i32>} : memref<128xf32, #tpu.memory_space<vmem>>, vector<16xf32>,
    %get3A_132 = arith.constant 16 : index
    %get3A_133 = tpu.vector_load %arg10[%get3A_132] {strides = array<i32>} : memref<128xf32, #tpu.memory_space<vmem>>, vector<16xf32>,
    %get3A_134 = arith.constant 32 : index
    %get3A_135 = tpu.vector_load %arg10[%get3A_134] {strides = array<i32>} : memref<128xf32, #tpu.memory_space<vmem>>, vector<16xf32>,
    %get3A_136 = arith.constant 48 : index
    %get3A_137 = tpu.vector_load %arg10[%get3A_136] {strides = array<i32>} : memref<128xf32, #tpu.memory_space<vmem>>, vector<16xf32>,
    %get3A_138 = arith.constant 0 : index
    %get3A_139 = tpu.vector_load %arg11[%get3A_138] {strides = array<i32>} : memref<96xf32, #tpu.memory_space<vmem>>, vector<16xf32>,
    %get3A_140 = arith.constant 16 : index
    %get3A_141 = tpu.vector_load %arg11[%get3A_140] {strides = array<i32>} : memref<96xf32, #tpu.memory_space<vmem>>, vector<16xf32>,
    %get3A_142 = arith.constant 32 : index
    %get3A_143 = tpu.vector_load %arg11[%get3A_142] {strides = array<i32>} : memref<96xf32, #tpu.memory_space<vmem>>, vector<16xf32>,
    %get3A_144 = arith.constant 48 : index
    %get3A_145 = tpu.vector_load %arg11[%get3A_144] {strides = array<i32>} : memref<96xf32, #tpu.memory_space<vmem>>, vector<16xf32>,
    %get3A_146 = arith.constant 64 : index
    %get3A_147 = tpu.vector_load %arg11[%get3A_146] {strides = array<i32>} : memref<96xf32, #tpu.memory_space<vmem>>, vector<16xf32>,
    %get3A_148 = arith.constant 80 : index
    %get3A_149 = tpu.vector_load %arg11[%get3A_148] {strides = array<i32>} : memref<96xf32, #tpu.memory_space<vmem>>, vector<16xf32>,
    %scan3A = arith.constant 0 : i32
    %scan3A_150 = arith.constant 0 : i32
    %scan3A_151 = arith.constant 41 : i32
    %scan3A_152 = arith.addi %scan3A_150, %scan3A_151 : i32
    %scan3A_153 = arith.constant 1 : i32
    %scan3A_154 = scf.for %scan3A_168 = %scan3A_150 to %scan3A_152 step %scan3A_153 iter_args(%scan3A_169 = %scan3A) -> (i32)  : i32 {
      %mul3A_170 = arith.constant 16 : i32
      %mul3A_171 = arith.muli %scan3A_168, %mul3A_170 : i32
      %mul3A_172 = arith.constant 16 : i32
      %mul3A_173 = arith.muli %scan3A_168, %mul3A_172 : i32
      %add3A_174 = arith.addi %mul3A_2, %mul3A_173 : i32
      %add3A_175 = vector.broadcast %add3A_174 : i32 to vector<16xi32>
      %add3A_176 = arith.addi %iota3A, %add3A_175 : vector<16xi32>
      %mul3A_177 = arith.constant 3641 : i32
      %mul3A_178 = vector.broadcast %mul3A_177 : i32 to vector<16xi32>
      %mul3A_179 = arith.muli %add3A_176, %mul3A_178 : vector<16xi32>
      %shift_right_arithmetic3A = arith.constant 23 : i32
      %shift_right_arithmetic3A_180 = vector.broadcast %shift_right_arithmetic3A : i32 to vector<16xi32>
      %shift_right_arithmetic3A_181 = arith.shrsi %mul3A_179, %shift_right_arithmetic3A_180 : vector<16xi32>
      %mul3A_182 = arith.constant 2304 : i32
      %mul3A_183 = vector.broadcast %mul3A_182 : i32 to vector<16xi32>
      %mul3A_184 = arith.muli %shift_right_arithmetic3A_181, %mul3A_183 : vector<16xi32>
      %sub3A = arith.subi %add3A_176, %mul3A_184 : vector<16xi32>
      %mul3A_185 = arith.constant 2731 : i32
      %mul3A_186 = vector.broadcast %mul3A_185 : i32 to vector<16xi32>
      %mul3A_187 = arith.muli %sub3A, %mul3A_186 : vector<16xi32>
      %shift_right_arithmetic3A_188 = arith.constant 17 : i32
      %shift_right_arithmetic3A_189 = vector.broadcast %shift_right_arithmetic3A_188 : i32 to vector<16xi32>
      %shift_right_arithmetic3A_190 = arith.shrsi %mul3A_187, %shift_right_arithmetic3A_189 : vector<16xi32>
      %mul3A_191 = arith.constant 48 : i32
      %mul3A_192 = vector.broadcast %mul3A_191 : i32 to vector<16xi32>
      %mul3A_193 = arith.muli %shift_right_arithmetic3A_190, %mul3A_192 : vector<16xi32>
      %sub3A_194 = arith.subi %sub3A, %mul3A_193 : vector<16xi32>
      %mul3A_195 = arith.constant 11 : i32
      %mul3A_196 = vector.broadcast %mul3A_195 : i32 to vector<16xi32>
      %mul3A_197 = arith.muli %shift_right_arithmetic3A_181, %mul3A_196 : vector<16xi32>
      %shift_right_arithmetic3A_198 = arith.constant 5 : i32
      %shift_right_arithmetic3A_199 = vector.broadcast %shift_right_arithmetic3A_198 : i32 to vector<16xi32>
      %shift_right_arithmetic3A_200 = arith.shrsi %mul3A_197, %shift_right_arithmetic3A_199 : vector<16xi32>
      %mul3A_201 = arith.constant 3 : i32
      %mul3A_202 = vector.broadcast %mul3A_201 : i32 to vector<16xi32>
      %mul3A_203 = arith.muli %shift_right_arithmetic3A_200, %mul3A_202 : vector<16xi32>
      %sub3A_204 = arith.subi %shift_right_arithmetic3A_181, %mul3A_203 : vector<16xi32>
      %shift_left3A = arith.constant 32 : i32
      %shift_left3A_205 = vector.broadcast %shift_left3A : i32 to vector<16xi32>
      %shift_left3A_206 = arith.shli %shift_left3A_205, %sub3A_204 : vector<16xi32>
      %eq3A_207 = arith.constant 2 : i32
      %eq3A_208 = vector.broadcast %eq3A_207 : i32 to vector<16xi32>
      %eq3A_209 = arith.cmpi eq, %shift_right_arithmetic3A_200, %eq3A_208 : vector<16xi32>
      %convert_element_type3A_210 = arith.extui %eq3A_209 : vector<16xi1> to vector<16xi32>
      %shift_left3A_211 = arith.shli %shift_left3A_206, %convert_element_type3A_210 : vector<16xi32>
      %convert_element_type3A_212 = arith.sitofp %shift_left3A_211 : vector<16xi32> to vector<16xf32>
      %eq3A_213 = arith.constant 1 : i32
      %eq3A_214 = vector.broadcast %eq3A_213 : i32 to vector<16xi32>
      %eq3A_215 = arith.cmpi eq, %shift_right_arithmetic3A_200, %eq3A_214 : vector<16xi32>
      %convert_element_type3A_216 = arith.extui %eq3A_215 : vector<16xi1> to vector<16xi32>
      %shift_left3A_217 = arith.shli %shift_left3A_206, %convert_element_type3A_216 : vector<16xi32>
      %convert_element_type3A_218 = arith.sitofp %shift_left3A_217 : vector<16xi32> to vector<16xf32>
      %convert_element_type3A_219 = arith.sitofp %sub3A_194 : vector<16xi32> to vector<16xf32>
      %mul3A_220 = arith.constant 1.600000e+01 : f32
      %mul3A_221 = vector.broadcast %mul3A_220 : f32 to vector<16xf32>
      %mul3A_222 = arith.mulf %convert_element_type3A_219, %mul3A_221 : vector<16xf32>
      %mul3A_223 = arith.constant 5.000000e-01 : f32
      %mul3A_224 = vector.broadcast %mul3A_223 : f32 to vector<16xf32>
      %mul3A_225 = arith.mulf %convert_element_type3A_212, %mul3A_224 : vector<16xf32>
      %sub3A_226 = arith.subf %mul3A_222, %mul3A_225 : vector<16xf32>
      %convert_element_type3A_227 = arith.sitofp %shift_right_arithmetic3A_190 : vector<16xi32> to vector<16xf32>
      %mul3A_228 = arith.constant 1.600000e+01 : f32
      %mul3A_229 = vector.broadcast %mul3A_228 : f32 to vector<16xf32>
      %mul3A_230 = arith.mulf %convert_element_type3A_227, %mul3A_229 : vector<16xf32>
      %mul3A_231 = arith.constant 5.000000e-01 : f32
      %mul3A_232 = vector.broadcast %mul3A_231 : f32 to vector<16xf32>
      %mul3A_233 = arith.mulf %convert_element_type3A_218, %mul3A_232 : vector<16xf32>
      %sub3A_234 = arith.subf %mul3A_230, %mul3A_233 : vector<16xf32>
      %add3A_235 = arith.addf %sub3A_226, %convert_element_type3A_212 : vector<16xf32>
      %add3A_236 = arith.addf %sub3A_234, %convert_element_type3A_218 : vector<16xf32>
      %mul3A_237 = arith.mulf %convert_element_type3A_212, %convert_element_type3A_218 : vector<16xf32>
      %ge3A = arith.constant 0.000000e+00 : f32
      %ge3A_238 = vector.broadcast %ge3A : f32 to vector<16xf32>
      %ge3A_239 = arith.cmpf oge, %sub3A_226, %ge3A_238 : vector<16xf32>
      %ge3A_240 = arith.constant 0.000000e+00 : f32
      %ge3A_241 = vector.broadcast %ge3A_240 : f32 to vector<16xf32>
      %ge3A_242 = arith.cmpf oge, %sub3A_234, %ge3A_241 : vector<16xf32>
      %and3A = arith.andi %ge3A_239, %ge3A_242 : vector<16xi1>
      %lt3A_243 = arith.constant 7.680000e+02 : f32
      %lt3A_244 = vector.broadcast %lt3A_243 : f32 to vector<16xf32>
      %lt3A_245 = arith.cmpf olt, %add3A_235, %lt3A_244 : vector<16xf32>
      %and3A_246 = arith.andi %and3A, %lt3A_245 : vector<16xi1>
      %lt3A_247 = arith.constant 7.680000e+02 : f32
      %lt3A_248 = vector.broadcast %lt3A_247 : f32 to vector<16xf32>
      %lt3A_249 = arith.cmpf olt, %add3A_236, %lt3A_248 : vector<16xf32>
      %and3A_250 = arith.andi %and3A_246, %lt3A_249 : vector<16xi1>
      %lt3A_251 = arith.constant 20736 : i32
      %lt3A_252 = vector.broadcast %lt3A_251 : i32 to vector<16xi32>
      %lt3A_253 = arith.cmpi slt, %add3A_176, %lt3A_252 : vector<16xi32>
      %and3A_254 = arith.andi %and3A_250, %lt3A_253 : vector<16xi1>
      %broadcast_in_dim3A_255 = arith.constant 0.000000e+00 : f32
      %broadcast_in_dim3A_256 = vector.broadcast %broadcast_in_dim3A_255 : f32 to vector<16xf32>
      %broadcast_in_dim3A_257 = arith.constant 0 : i32
      %broadcast_in_dim3A_258 = vector.broadcast %broadcast_in_dim3A_257 : i32 to vector<16xi32>
      %slice3A = vector.extract_strided_slice %get3A_131 {offsets = [0], sizes = [1], strides = [1]} : vector<16xf32> to vector<1xf32>
      %squeeze3A = vector.extract %slice3A[0] : f32 from vector<1xf32>
      %slice3A_259 = vector.extract_strided_slice %get3A_135 {offsets = [0], sizes = [1], strides = [1]} : vector<16xf32> to vector<1xf32>
      %squeeze3A_260 = vector.extract %slice3A_259[0] : f32 from vector<1xf32>
      %slice3A_261 = vector.extract_strided_slice %get3A_139 {offsets = [0], sizes = [1], strides = [1]} : vector<16xf32> to vector<1xf32>
      %squeeze3A_262 = vector.extract %slice3A_261[0] : f32 from vector<1xf32>
      %slice3A_263 = vector.extract_strided_slice %get3A_143 {offsets = [0], sizes = [1], strides = [1]} : vector<16xf32> to vector<1xf32>
      %squeeze3A_264 = vector.extract %slice3A_263[0] : f32 from vector<1xf32>
      %slice3A_265 = vector.extract_strided_slice %get3A_147 {offsets = [0], sizes = [1], strides = [1]} : vector<16xf32> to vector<1xf32>
      %squeeze3A_266 = vector.extract %slice3A_265[0] : f32 from vector<1xf32>
      %min3A = vector.broadcast %squeeze3A_262 : f32 to vector<16xf32>
      %min3A_267 = arith.minimumf %add3A_235, %min3A : vector<16xf32>
      %max3A = vector.broadcast %squeeze3A : f32 to vector<16xf32>
      %max3A_268 = arith.maximumf %sub3A_226, %max3A : vector<16xf32>
      %sub3A_269 = arith.subf %min3A_267, %max3A_268 : vector<16xf32>
      %max3A_270 = arith.constant 0.000000e+00 : f32
      %max3A_271 = vector.broadcast %max3A_270 : f32 to vector<16xf32>
      %max3A_272 = arith.maximumf %sub3A_269, %max3A_271 : vector<16xf32>
      %min3A_273 = vector.broadcast %squeeze3A_264 : f32 to vector<16xf32>
      %min3A_274 = arith.minimumf %add3A_236, %min3A_273 : vector<16xf32>
      %max3A_275 = vector.broadcast %squeeze3A_260 : f32 to vector<16xf32>
      %max3A_276 = arith.maximumf %sub3A_234, %max3A_275 : vector<16xf32>
      %sub3A_277 = arith.subf %min3A_274, %max3A_276 : vector<16xf32>
      %max3A_278 = arith.constant 0.000000e+00 : f32
      %max3A_279 = vector.broadcast %max3A_278 : f32 to vector<16xf32>
      %max3A_280 = arith.maximumf %sub3A_277, %max3A_279 : vector<16xf32>
      %mul3A_281 = arith.mulf %max3A_272, %max3A_280 : vector<16xf32>
      %add3A_282 = vector.broadcast %squeeze3A_266 : f32 to vector<16xf32>
      %add3A_283 = arith.addf %mul3A_237, %add3A_282 : vector<16xf32>
      %sub3A_284 = arith.subf %add3A_283, %mul3A_281 : vector<16xf32>
      %div3A = arith.divf %mul3A_281, %sub3A_284 : vector<16xf32>
      %gt3A = arith.cmpf ogt, %div3A, %broadcast_in_dim3A_256 : vector<16xf32>
      %jit3A_285 = arith.constant 0 : i32
      %broadcast_in_dim3A_286 = vector.broadcast %jit3A_285 : i32 to vector<16xi32>
      %select_n3A_287 = arith.select %gt3A, %broadcast_in_dim3A_286, %broadcast_in_dim3A_258 : vector<16xi1>, vector<16xi32>
      %max3A_288 = arith.maximumf %broadcast_in_dim3A_256, %div3A : vector<16xf32>
      %slice3A_289 = vector.extract_strided_slice %get3A_131 {offsets = [1], sizes = [1], strides = [1]} : vector<16xf32> to vector<1xf32>
      %squeeze3A_290 = vector.extract %slice3A_289[0] : f32 from vector<1xf32>
      %slice3A_291 = vector.extract_strided_slice %get3A_135 {offsets = [1], sizes = [1], strides = [1]} : vector<16xf32> to vector<1xf32>
      %squeeze3A_292 = vector.extract %slice3A_291[0] : f32 from vector<1xf32>
      %slice3A_293 = vector.extract_strided_slice %get3A_139 {offsets = [1], sizes = [1], strides = [1]} : vector<16xf32> to vector<1xf32>
      %squeeze3A_294 = vector.extract %slice3A_293[0] : f32 from vector<1xf32>
      %slice3A_295 = vector.extract_strided_slice %get3A_143 {offsets = [1], sizes = [1], strides = [1]} : vector<16xf32> to vector<1xf32>
      %squeeze3A_296 = vector.extract %slice3A_295[0] : f32 from vector<1xf32>
      %slice3A_297 = vector.extract_strided_slice %get3A_147 {offsets = [1], sizes = [1], strides = [1]} : vector<16xf32> to vector<1xf32>
      %squeeze3A_298 = vector.extract %slice3A_297[0] : f32 from vector<1xf32>
      %min3A_299 = vector.broadcast %squeeze3A_294 : f32 to vector<16xf32>
      %min3A_300 = arith.minimumf %add3A_235, %min3A_299 : vector<16xf32>
      %max3A_301 = vector.broadcast %squeeze3A_290 : f32 to vector<16xf32>
      %max3A_302 = arith.maximumf %sub3A_226, %max3A_301 : vector<16xf32>
      %sub3A_303 = arith.subf %min3A_300, %max3A_302 : vector<16xf32>
      %max3A_304 = arith.constant 0.000000e+00 : f32
      %max3A_305 = vector.broadcast %max3A_304 : f32 to vector<16xf32>
      %max3A_306 = arith.maximumf %sub3A_303, %max3A_305 : vector<16xf32>
      %min3A_307 = vector.broadcast %squeeze3A_296 : f32 to vector<16xf32>
      %min3A_308 = arith.minimumf %add3A_236, %min3A_307 : vector<16xf32>
      %max3A_309 = vector.broadcast %squeeze3A_292 : f32 to vector<16xf32>
      %max3A_310 = arith.maximumf %sub3A_234, %max3A_309 : vector<16xf32>
      %sub3A_311 = arith.subf %min3A_308, %max3A_310 : vector<16xf32>
      %max3A_312 = arith.constant 0.000000e+00 : f32
      %max3A_313 = vector.broadcast %max3A_312 : f32 to vector<16xf32>
      %max3A_314 = arith.maximumf %sub3A_311, %max3A_313 : vector<16xf32>
      %mul3A_315 = arith.mulf %max3A_306, %max3A_314 : vector<16xf32>
      %add3A_316 = vector.broadcast %squeeze3A_298 : f32 to vector<16xf32>
      %add3A_317 = arith.addf %mul3A_237, %add3A_316 : vector<16xf32>
      %sub3A_318 = arith.subf %add3A_317, %mul3A_315 : vector<16xf32>
      %div3A_319 = arith.divf %mul3A_315, %sub3A_318 : vector<16xf32>
      %gt3A_320 = arith.cmpf ogt, %div3A_319, %max3A_288 : vector<16xf32>
      %jit3A_321 = arith.constant 1 : i32
      %broadcast_in_dim3A_322 = vector.broadcast %jit3A_321 : i32 to vector<16xi32>
      %select_n3A_323 = arith.select %gt3A_320, %broadcast_in_dim3A_322, %select_n3A_287 : vector<16xi1>, vector<16xi32>
      %max3A_324 = arith.maximumf %max3A_288, %div3A_319 : vector<16xf32>
      %slice3A_325 = vector.extract_strided_slice %get3A_131 {offsets = [2], sizes = [1], strides = [1]} : vector<16xf32> to vector<1xf32>
      %squeeze3A_326 = vector.extract %slice3A_325[0] : f32 from vector<1xf32>
      %slice3A_327 = vector.extract_strided_slice %get3A_135 {offsets = [2], sizes = [1], strides = [1]} : vector<16xf32> to vector<1xf32>
      %squeeze3A_328 = vector.extract %slice3A_327[0] : f32 from vector<1xf32>
      %slice3A_329 = vector.extract_strided_slice %get3A_139 {offsets = [2], sizes = [1], strides = [1]} : vector<16xf32> to vector<1xf32>
      %squeeze3A_330 = vector.extract %slice3A_329[0] : f32 from vector<1xf32>
      %slice3A_331 = vector.extract_strided_slice %get3A_143 {offsets = [2], sizes = [1], strides = [1]} : vector<16xf32> to vector<1xf32>
      %squeeze3A_332 = vector.extract %slice3A_331[0] : f32 from vector<1xf32>
      %slice3A_333 = vector.extract_strided_slice %get3A_147 {offsets = [2], sizes = [1], strides = [1]} : vector<16xf32> to vector<1xf32>
      %squeeze3A_334 = vector.extract %slice3A_333[0] : f32 from vector<1xf32>
      %min3A_335 = vector.broadcast %squeeze3A_330 : f32 to vector<16xf32>
      %min3A_336 = arith.minimumf %add3A_235, %min3A_335 : vector<16xf32>
      %max3A_337 = vector.broadcast %squeeze3A_326 : f32 to vector<16xf32>
      %max3A_338 = arith.maximumf %sub3A_226, %max3A_337 : vector<16xf32>
      %sub3A_339 = arith.subf %min3A_336, %max3A_338 : vector<16xf32>
      %max3A_340 = arith.constant 0.000000e+00 : f32
      %max3A_341 = vector.broadcast %max3A_340 : f32 to vector<16xf32>
      %max3A_342 = arith.maximumf %sub3A_339, %max3A_341 : vector<16xf32>
      %min3A_343 = vector.broadcast %squeeze3A_332 : f32 to vector<16xf32>
      %min3A_344 = arith.minimumf %add3A_236, %min3A_343 : vector<16xf32>
      %max3A_345 = vector.broadcast %squeeze3A_328 : f32 to vector<16xf32>
      %max3A_346 = arith.maximumf %sub3A_234, %max3A_345 : vector<16xf32>
      %sub3A_347 = arith.subf %min3A_344, %max3A_346 : vector<16xf32>
      %max3A_348 = arith.constant 0.000000e+00 : f32
      %max3A_349 = vector.broadcast %max3A_348 : f32 to vector<16xf32>
      %max3A_350 = arith.maximumf %sub3A_347, %max3A_349 : vector<16xf32>
      %mul3A_351 = arith.mulf %max3A_342, %max3A_350 : vector<16xf32>
      %add3A_352 = vector.broadcast %squeeze3A_334 : f32 to vector<16xf32>
      %add3A_353 = arith.addf %mul3A_237, %add3A_352 : vector<16xf32>
      %sub3A_354 = arith.subf %add3A_353, %mul3A_351 : vector<16xf32>
      %div3A_355 = arith.divf %mul3A_351, %sub3A_354 : vector<16xf32>
      %gt3A_356 = arith.cmpf ogt, %div3A_355, %max3A_324 : vector<16xf32>
      %jit3A_357 = arith.constant 2 : i32
      %broadcast_in_dim3A_358 = vector.broadcast %jit3A_357 : i32 to vector<16xi32>
      %select_n3A_359 = arith.select %gt3A_356, %broadcast_in_dim3A_358, %select_n3A_323 : vector<16xi1>, vector<16xi32>
      %max3A_360 = arith.maximumf %max3A_324, %div3A_355 : vector<16xf32>
      %slice3A_361 = vector.extract_strided_slice %get3A_131 {offsets = [3], sizes = [1], strides = [1]} : vector<16xf32> to vector<1xf32>
      %squeeze3A_362 = vector.extract %slice3A_361[0] : f32 from vector<1xf32>
      %slice3A_363 = vector.extract_strided_slice %get3A_135 {offsets = [3], sizes = [1], strides = [1]} : vector<16xf32> to vector<1xf32>
      %squeeze3A_364 = vector.extract %slice3A_363[0] : f32 from vector<1xf32>
      %slice3A_365 = vector.extract_strided_slice %get3A_139 {offsets = [3], sizes = [1], strides = [1]} : vector<16xf32> to vector<1xf32>
      %squeeze3A_366 = vector.extract %slice3A_365[0] : f32 from vector<1xf32>
      %slice3A_367 = vector.extract_strided_slice %get3A_143 {offsets = [3], sizes = [1], strides = [1]} : vector<16xf32> to vector<1xf32>
      %squeeze3A_368 = vector.extract %slice3A_367[0] : f32 from vector<1xf32>
      %slice3A_369 = vector.extract_strided_slice %get3A_147 {offsets = [3], sizes = [1], strides = [1]} : vector<16xf32> to vector<1xf32>
      %squeeze3A_370 = vector.extract %slice3A_369[0] : f32 from vector<1xf32>
      %min3A_371 = vector.broadcast %squeeze3A_366 : f32 to vector<16xf32>
      %min3A_372 = arith.minimumf %add3A_235, %min3A_371 : vector<16xf32>
      %max3A_373 = vector.broadcast %squeeze3A_362 : f32 to vector<16xf32>
      %max3A_374 = arith.maximumf %sub3A_226, %max3A_373 : vector<16xf32>
      %sub3A_375 = arith.subf %min3A_372, %max3A_374 : vector<16xf32>
      %max3A_376 = arith.constant 0.000000e+00 : f32
      %max3A_377 = vector.broadcast %max3A_376 : f32 to vector<16xf32>
      %max3A_378 = arith.maximumf %sub3A_375, %max3A_377 : vector<16xf32>
      %min3A_379 = vector.broadcast %squeeze3A_368 : f32 to vector<16xf32>
      %min3A_380 = arith.minimumf %add3A_236, %min3A_379 : vector<16xf32>
      %max3A_381 = vector.broadcast %squeeze3A_364 : f32 to vector<16xf32>
      %max3A_382 = arith.maximumf %sub3A_234, %max3A_381 : vector<16xf32>
      %sub3A_383 = arith.subf %min3A_380, %max3A_382 : vector<16xf32>
      %max3A_384 = arith.constant 0.000000e+00 : f32
      %max3A_385 = vector.broadcast %max3A_384 : f32 to vector<16xf32>
      %max3A_386 = arith.maximumf %sub3A_383, %max3A_385 : vector<16xf32>
      %mul3A_387 = arith.mulf %max3A_378, %max3A_386 : vector<16xf32>
      %add3A_388 = vector.broadcast %squeeze3A_370 : f32 to vector<16xf32>
      %add3A_389 = arith.addf %mul3A_237, %add3A_388 : vector<16xf32>
      %sub3A_390 = arith.subf %add3A_389, %mul3A_387 : vector<16xf32>
      %div3A_391 = arith.divf %mul3A_387, %sub3A_390 : vector<16xf32>
      %gt3A_392 = arith.cmpf ogt, %div3A_391, %max3A_360 : vector<16xf32>
      %jit3A_393 = arith.constant 3 : i32
      %broadcast_in_dim3A_394 = vector.broadcast %jit3A_393 : i32 to vector<16xi32>
      %select_n3A_395 = arith.select %gt3A_392, %broadcast_in_dim3A_394, %select_n3A_359 : vector<16xi1>, vector<16xi32>
      %max3A_396 = arith.maximumf %max3A_360, %div3A_391 : vector<16xf32>
      %slice3A_397 = vector.extract_strided_slice %get3A_131 {offsets = [4], sizes = [1], strides = [1]} : vector<16xf32> to vector<1xf32>
      %squeeze3A_398 = vector.extract %slice3A_397[0] : f32 from vector<1xf32>
      %slice3A_399 = vector.extract_strided_slice %get3A_135 {offsets = [4], sizes = [1], strides = [1]} : vector<16xf32> to vector<1xf32>
      %squeeze3A_400 = vector.extract %slice3A_399[0] : f32 from vector<1xf32>
      %slice3A_401 = vector.extract_strided_slice %get3A_139 {offsets = [4], sizes = [1], strides = [1]} : vector<16xf32> to vector<1xf32>
      %squeeze3A_402 = vector.extract %slice3A_401[0] : f32 from vector<1xf32>
      %slice3A_403 = vector.extract_strided_slice %get3A_143 {offsets = [4], sizes = [1], strides = [1]} : vector<16xf32> to vector<1xf32>
      %squeeze3A_404 = vector.extract %slice3A_403[0] : f32 from vector<1xf32>
      %slice3A_405 = vector.extract_strided_slice %get3A_147 {offsets = [4], sizes = [1], strides = [1]} : vector<16xf32> to vector<1xf32>
      %squeeze3A_406 = vector.extract %slice3A_405[0] : f32 from vector<1xf32>
      %min3A_407 = vector.broadcast %squeeze3A_402 : f32 to vector<16xf32>
      %min3A_408 = arith.minimumf %add3A_235, %min3A_407 : vector<16xf32>
      %max3A_409 = vector.broadcast %squeeze3A_398 : f32 to vector<16xf32>
      %max3A_410 = arith.maximumf %sub3A_226, %max3A_409 : vector<16xf32>
      %sub3A_411 = arith.subf %min3A_408, %max3A_410 : vector<16xf32>
      %max3A_412 = arith.constant 0.000000e+00 : f32
      %max3A_413 = vector.broadcast %max3A_412 : f32 to vector<16xf32>
      %max3A_414 = arith.maximumf %sub3A_411, %max3A_413 : vector<16xf32>
      %min3A_415 = vector.broadcast %squeeze3A_404 : f32 to vector<16xf32>
      %min3A_416 = arith.minimumf %add3A_236, %min3A_415 : vector<16xf32>
      %max3A_417 = vector.broadcast %squeeze3A_400 : f32 to vector<16xf32>
      %max3A_418 = arith.maximumf %sub3A_234, %max3A_417 : vector<16xf32>
      %sub3A_419 = arith.subf %min3A_416, %max3A_418 : vector<16xf32>
      %max3A_420 = arith.constant 0.000000e+00 : f32
      %max3A_421 = vector.broadcast %max3A_420 : f32 to vector<16xf32>
      %max3A_422 = arith.maximumf %sub3A_419, %max3A_421 : vector<16xf32>
      %mul3A_423 = arith.mulf %max3A_414, %max3A_422 : vector<16xf32>
      %add3A_424 = vector.broadcast %squeeze3A_406 : f32 to vector<16xf32>
      %add3A_425 = arith.addf %mul3A_237, %add3A_424 : vector<16xf32>
      %sub3A_426 = arith.subf %add3A_425, %mul3A_423 : vector<16xf32>
      %div3A_427 = arith.divf %mul3A_423, %sub3A_426 : vector<16xf32>
      %gt3A_428 = arith.cmpf ogt, %div3A_427, %max3A_396 : vector<16xf32>
      %jit3A_429 = arith.constant 4 : i32
      %broadcast_in_dim3A_430 = vector.broadcast %jit3A_429 : i32 to vector<16xi32>
      %select_n3A_431 = arith.select %gt3A_428, %broadcast_in_dim3A_430, %select_n3A_395 : vector<16xi1>, vector<16xi32>
      %max3A_432 = arith.maximumf %max3A_396, %div3A_427 : vector<16xf32>
      %slice3A_433 = vector.extract_strided_slice %get3A_131 {offsets = [5], sizes = [1], strides = [1]} : vector<16xf32> to vector<1xf32>
      %squeeze3A_434 = vector.extract %slice3A_433[0] : f32 from vector<1xf32>
      %slice3A_435 = vector.extract_strided_slice %get3A_135 {offsets = [5], sizes = [1], strides = [1]} : vector<16xf32> to vector<1xf32>
      %squeeze3A_436 = vector.extract %slice3A_435[0] : f32 from vector<1xf32>
      %slice3A_437 = vector.extract_strided_slice %get3A_139 {offsets = [5], sizes = [1], strides = [1]} : vector<16xf32> to vector<1xf32>
      %squeeze3A_438 = vector.extract %slice3A_437[0] : f32 from vector<1xf32>
      %slice3A_439 = vector.extract_strided_slice %get3A_143 {offsets = [5], sizes = [1], strides = [1]} : vector<16xf32> to vector<1xf32>
      %squeeze3A_440 = vector.extract %slice3A_439[0] : f32 from vector<1xf32>
      %slice3A_441 = vector.extract_strided_slice %get3A_147 {offsets = [5], sizes = [1], strides = [1]} : vector<16xf32> to vector<1xf32>
      %squeeze3A_442 = vector.extract %slice3A_441[0] : f32 from vector<1xf32>
      %min3A_443 = vector.broadcast %squeeze3A_438 : f32 to vector<16xf32>
      %min3A_444 = arith.minimumf %add3A_235, %min3A_443 : vector<16xf32>
      %max3A_445 = vector.broadcast %squeeze3A_434 : f32 to vector<16xf32>
      %max3A_446 = arith.maximumf %sub3A_226, %max3A_445 : vector<16xf32>
      %sub3A_447 = arith.subf %min3A_444, %max3A_446 : vector<16xf32>
      %max3A_448 = arith.constant 0.000000e+00 : f32
      %max3A_449 = vector.broadcast %max3A_448 : f32 to vector<16xf32>
      %max3A_450 = arith.maximumf %sub3A_447, %max3A_449 : vector<16xf32>
      %min3A_451 = vector.broadcast %squeeze3A_440 : f32 to vector<16xf32>
      %min3A_452 = arith.minimumf %add3A_236, %min3A_451 : vector<16xf32>
      %max3A_453 = vector.broadcast %squeeze3A_436 : f32 to vector<16xf32>
      %max3A_454 = arith.maximumf %sub3A_234, %max3A_453 : vector<16xf32>
      %sub3A_455 = arith.subf %min3A_452, %max3A_454 : vector<16xf32>
      %max3A_456 = arith.constant 0.000000e+00 : f32
      %max3A_457 = vector.broadcast %max3A_456 : f32 to vector<16xf32>
      %max3A_458 = arith.maximumf %sub3A_455, %max3A_457 : vector<16xf32>
      %mul3A_459 = arith.mulf %max3A_450, %max3A_458 : vector<16xf32>
      %add3A_460 = vector.broadcast %squeeze3A_442 : f32 to vector<16xf32>
      %add3A_461 = arith.addf %mul3A_237, %add3A_460 : vector<16xf32>
      %sub3A_462 = arith.subf %add3A_461, %mul3A_459 : vector<16xf32>
      %div3A_463 = arith.divf %mul3A_459, %sub3A_462 : vector<16xf32>
      %gt3A_464 = arith.cmpf ogt, %div3A_463, %max3A_432 : vector<16xf32>
      %jit3A_465 = arith.constant 5 : i32
      %broadcast_in_dim3A_466 = vector.broadcast %jit3A_465 : i32 to vector<16xi32>
      %select_n3A_467 = arith.select %gt3A_464, %broadcast_in_dim3A_466, %select_n3A_431 : vector<16xi1>, vector<16xi32>
      %max3A_468 = arith.maximumf %max3A_432, %div3A_463 : vector<16xf32>
      %slice3A_469 = vector.extract_strided_slice %get3A_131 {offsets = [6], sizes = [1], strides = [1]} : vector<16xf32> to vector<1xf32>
      %squeeze3A_470 = vector.extract %slice3A_469[0] : f32 from vector<1xf32>
      %slice3A_471 = vector.extract_strided_slice %get3A_135 {offsets = [6], sizes = [1], strides = [1]} : vector<16xf32> to vector<1xf32>
      %squeeze3A_472 = vector.extract %slice3A_471[0] : f32 from vector<1xf32>
      %slice3A_473 = vector.extract_strided_slice %get3A_139 {offsets = [6], sizes = [1], strides = [1]} : vector<16xf32> to vector<1xf32>
      %squeeze3A_474 = vector.extract %slice3A_473[0] : f32 from vector<1xf32>
      %slice3A_475 = vector.extract_strided_slice %get3A_143 {offsets = [6], sizes = [1], strides = [1]} : vector<16xf32> to vector<1xf32>
      %squeeze3A_476 = vector.extract %slice3A_475[0] : f32 from vector<1xf32>
      %slice3A_477 = vector.extract_strided_slice %get3A_147 {offsets = [6], sizes = [1], strides = [1]} : vector<16xf32> to vector<1xf32>
      %squeeze3A_478 = vector.extract %slice3A_477[0] : f32 from vector<1xf32>
      %min3A_479 = vector.broadcast %squeeze3A_474 : f32 to vector<16xf32>
      %min3A_480 = arith.minimumf %add3A_235, %min3A_479 : vector<16xf32>
      %max3A_481 = vector.broadcast %squeeze3A_470 : f32 to vector<16xf32>
      %max3A_482 = arith.maximumf %sub3A_226, %max3A_481 : vector<16xf32>
      %sub3A_483 = arith.subf %min3A_480, %max3A_482 : vector<16xf32>
      %max3A_484 = arith.constant 0.000000e+00 : f32
      %max3A_485 = vector.broadcast %max3A_484 : f32 to vector<16xf32>
      %max3A_486 = arith.maximumf %sub3A_483, %max3A_485 : vector<16xf32>
      %min3A_487 = vector.broadcast %squeeze3A_476 : f32 to vector<16xf32>
      %min3A_488 = arith.minimumf %add3A_236, %min3A_487 : vector<16xf32>
      %max3A_489 = vector.broadcast %squeeze3A_472 : f32 to vector<16xf32>
      %max3A_490 = arith.maximumf %sub3A_234, %max3A_489 : vector<16xf32>
      %sub3A_491 = arith.subf %min3A_488, %max3A_490 : vector<16xf32>
      %max3A_492 = arith.constant 0.000000e+00 : f32
      %max3A_493 = vector.broadcast %max3A_492 : f32 to vector<16xf32>
      %max3A_494 = arith.maximumf %sub3A_491, %max3A_493 : vector<16xf32>
      %mul3A_495 = arith.mulf %max3A_486, %max3A_494 : vector<16xf32>
      %add3A_496 = vector.broadcast %squeeze3A_478 : f32 to vector<16xf32>
      %add3A_497 = arith.addf %mul3A_237, %add3A_496 : vector<16xf32>
      %sub3A_498 = arith.subf %add3A_497, %mul3A_495 : vector<16xf32>
      %div3A_499 = arith.divf %mul3A_495, %sub3A_498 : vector<16xf32>
      %gt3A_500 = arith.cmpf ogt, %div3A_499, %max3A_468 : vector<16xf32>
      %jit3A_501 = arith.constant 6 : i32
      %broadcast_in_dim3A_502 = vector.broadcast %jit3A_501 : i32 to vector<16xi32>
      %select_n3A_503 = arith.select %gt3A_500, %broadcast_in_dim3A_502, %select_n3A_467 : vector<16xi1>, vector<16xi32>
      %max3A_504 = arith.maximumf %max3A_468, %div3A_499 : vector<16xf32>
      %slice3A_505 = vector.extract_strided_slice %get3A_131 {offsets = [7], sizes = [1], strides = [1]} : vector<16xf32> to vector<1xf32>
      %squeeze3A_506 = vector.extract %slice3A_505[0] : f32 from vector<1xf32>
      %slice3A_507 = vector.extract_strided_slice %get3A_135 {offsets = [7], sizes = [1], strides = [1]} : vector<16xf32> to vector<1xf32>
      %squeeze3A_508 = vector.extract %slice3A_507[0] : f32 from vector<1xf32>
      %slice3A_509 = vector.extract_strided_slice %get3A_139 {offsets = [7], sizes = [1], strides = [1]} : vector<16xf32> to vector<1xf32>
      %squeeze3A_510 = vector.extract %slice3A_509[0] : f32 from vector<1xf32>
      %slice3A_511 = vector.extract_strided_slice %get3A_143 {offsets = [7], sizes = [1], strides = [1]} : vector<16xf32> to vector<1xf32>
      %squeeze3A_512 = vector.extract %slice3A_511[0] : f32 from vector<1xf32>
      %slice3A_513 = vector.extract_strided_slice %get3A_147 {offsets = [7], sizes = [1], strides = [1]} : vector<16xf32> to vector<1xf32>
      %squeeze3A_514 = vector.extract %slice3A_513[0] : f32 from vector<1xf32>
      %min3A_515 = vector.broadcast %squeeze3A_510 : f32 to vector<16xf32>
      %min3A_516 = arith.minimumf %add3A_235, %min3A_515 : vector<16xf32>
      %max3A_517 = vector.broadcast %squeeze3A_506 : f32 to vector<16xf32>
      %max3A_518 = arith.maximumf %sub3A_226, %max3A_517 : vector<16xf32>
      %sub3A_519 = arith.subf %min3A_516, %max3A_518 : vector<16xf32>
      %max3A_520 = arith.constant 0.000000e+00 : f32
      %max3A_521 = vector.broadcast %max3A_520 : f32 to vector<16xf32>
      %max3A_522 = arith.maximumf %sub3A_519, %max3A_521 : vector<16xf32>
      %min3A_523 = vector.broadcast %squeeze3A_512 : f32 to vector<16xf32>
      %min3A_524 = arith.minimumf %add3A_236, %min3A_523 : vector<16xf32>
      %max3A_525 = vector.broadcast %squeeze3A_508 : f32 to vector<16xf32>
      %max3A_526 = arith.maximumf %sub3A_234, %max3A_525 : vector<16xf32>
      %sub3A_527 = arith.subf %min3A_524, %max3A_526 : vector<16xf32>
      %max3A_528 = arith.constant 0.000000e+00 : f32
      %max3A_529 = vector.broadcast %max3A_528 : f32 to vector<16xf32>
      %max3A_530 = arith.maximumf %sub3A_527, %max3A_529 : vector<16xf32>
      %mul3A_531 = arith.mulf %max3A_522, %max3A_530 : vector<16xf32>
      %add3A_532 = vector.broadcast %squeeze3A_514 : f32 to vector<16xf32>
      %add3A_533 = arith.addf %mul3A_237, %add3A_532 : vector<16xf32>
      %sub3A_534 = arith.subf %add3A_533, %mul3A_531 : vector<16xf32>
      %div3A_535 = arith.divf %mul3A_531, %sub3A_534 : vector<16xf32>
      %gt3A_536 = arith.cmpf ogt, %div3A_535, %max3A_504 : vector<16xf32>
      %jit3A_537 = arith.constant 7 : i32
      %broadcast_in_dim3A_538 = vector.broadcast %jit3A_537 : i32 to vector<16xi32>
      %select_n3A_539 = arith.select %gt3A_536, %broadcast_in_dim3A_538, %select_n3A_503 : vector<16xi1>, vector<16xi32>
      %max3A_540 = arith.maximumf %max3A_504, %div3A_535 : vector<16xf32>
      %slice3A_541 = vector.extract_strided_slice %get3A_131 {offsets = [8], sizes = [1], strides = [1]} : vector<16xf32> to vector<1xf32>
      %squeeze3A_542 = vector.extract %slice3A_541[0] : f32 from vector<1xf32>
      %slice3A_543 = vector.extract_strided_slice %get3A_135 {offsets = [8], sizes = [1], strides = [1]} : vector<16xf32> to vector<1xf32>
      %squeeze3A_544 = vector.extract %slice3A_543[0] : f32 from vector<1xf32>
      %slice3A_545 = vector.extract_strided_slice %get3A_139 {offsets = [8], sizes = [1], strides = [1]} : vector<16xf32> to vector<1xf32>
      %squeeze3A_546 = vector.extract %slice3A_545[0] : f32 from vector<1xf32>
      %slice3A_547 = vector.extract_strided_slice %get3A_143 {offsets = [8], sizes = [1], strides = [1]} : vector<16xf32> to vector<1xf32>
      %squeeze3A_548 = vector.extract %slice3A_547[0] : f32 from vector<1xf32>
      %slice3A_549 = vector.extract_strided_slice %get3A_147 {offsets = [8], sizes = [1], strides = [1]} : vector<16xf32> to vector<1xf32>
      %squeeze3A_550 = vector.extract %slice3A_549[0] : f32 from vector<1xf32>
      %min3A_551 = vector.broadcast %squeeze3A_546 : f32 to vector<16xf32>
      %min3A_552 = arith.minimumf %add3A_235, %min3A_551 : vector<16xf32>
      %max3A_553 = vector.broadcast %squeeze3A_542 : f32 to vector<16xf32>
      %max3A_554 = arith.maximumf %sub3A_226, %max3A_553 : vector<16xf32>
      %sub3A_555 = arith.subf %min3A_552, %max3A_554 : vector<16xf32>
      %max3A_556 = arith.constant 0.000000e+00 : f32
      %max3A_557 = vector.broadcast %max3A_556 : f32 to vector<16xf32>
      %max3A_558 = arith.maximumf %sub3A_555, %max3A_557 : vector<16xf32>
      %min3A_559 = vector.broadcast %squeeze3A_548 : f32 to vector<16xf32>
      %min3A_560 = arith.minimumf %add3A_236, %min3A_559 : vector<16xf32>
      %max3A_561 = vector.broadcast %squeeze3A_544 : f32 to vector<16xf32>
      %max3A_562 = arith.maximumf %sub3A_234, %max3A_561 : vector<16xf32>
      %sub3A_563 = arith.subf %min3A_560, %max3A_562 : vector<16xf32>
      %max3A_564 = arith.constant 0.000000e+00 : f32
      %max3A_565 = vector.broadcast %max3A_564 : f32 to vector<16xf32>
      %max3A_566 = arith.maximumf %sub3A_563, %max3A_565 : vector<16xf32>
      %mul3A_567 = arith.mulf %max3A_558, %max3A_566 : vector<16xf32>
      %add3A_568 = vector.broadcast %squeeze3A_550 : f32 to vector<16xf32>
      %add3A_569 = arith.addf %mul3A_237, %add3A_568 : vector<16xf32>
      %sub3A_570 = arith.subf %add3A_569, %mul3A_567 : vector<16xf32>
      %div3A_571 = arith.divf %mul3A_567, %sub3A_570 : vector<16xf32>
      %gt3A_572 = arith.cmpf ogt, %div3A_571, %max3A_540 : vector<16xf32>
      %jit3A_573 = arith.constant 8 : i32
      %broadcast_in_dim3A_574 = vector.broadcast %jit3A_573 : i32 to vector<16xi32>
      %select_n3A_575 = arith.select %gt3A_572, %broadcast_in_dim3A_574, %select_n3A_539 : vector<16xi1>, vector<16xi32>
      %max3A_576 = arith.maximumf %max3A_540, %div3A_571 : vector<16xf32>
      %slice3A_577 = vector.extract_strided_slice %get3A_131 {offsets = [9], sizes = [1], strides = [1]} : vector<16xf32> to vector<1xf32>
      %squeeze3A_578 = vector.extract %slice3A_577[0] : f32 from vector<1xf32>
      %slice3A_579 = vector.extract_strided_slice %get3A_135 {offsets = [9], sizes = [1], strides = [1]} : vector<16xf32> to vector<1xf32>
      %squeeze3A_580 = vector.extract %slice3A_579[0] : f32 from vector<1xf32>
      %slice3A_581 = vector.extract_strided_slice %get3A_139 {offsets = [9], sizes = [1], strides = [1]} : vector<16xf32> to vector<1xf32>
      %squeeze3A_582 = vector.extract %slice3A_581[0] : f32 from vector<1xf32>
      %slice3A_583 = vector.extract_strided_slice %get3A_143 {offsets = [9], sizes = [1], strides = [1]} : vector<16xf32> to vector<1xf32>
      %squeeze3A_584 = vector.extract %slice3A_583[0] : f32 from vector<1xf32>
      %slice3A_585 = vector.extract_strided_slice %get3A_147 {offsets = [9], sizes = [1], strides = [1]} : vector<16xf32> to vector<1xf32>
      %squeeze3A_586 = vector.extract %slice3A_585[0] : f32 from vector<1xf32>
      %min3A_587 = vector.broadcast %squeeze3A_582 : f32 to vector<16xf32>
      %min3A_588 = arith.minimumf %add3A_235, %min3A_587 : vector<16xf32>
      %max3A_589 = vector.broadcast %squeeze3A_578 : f32 to vector<16xf32>
      %max3A_590 = arith.maximumf %sub3A_226, %max3A_589 : vector<16xf32>
      %sub3A_591 = arith.subf %min3A_588, %max3A_590 : vector<16xf32>
      %max3A_592 = arith.constant 0.000000e+00 : f32
      %max3A_593 = vector.broadcast %max3A_592 : f32 to vector<16xf32>
      %max3A_594 = arith.maximumf %sub3A_591, %max3A_593 : vector<16xf32>
      %min3A_595 = vector.broadcast %squeeze3A_584 : f32 to vector<16xf32>
      %min3A_596 = arith.minimumf %add3A_236, %min3A_595 : vector<16xf32>
      %max3A_597 = vector.broadcast %squeeze3A_580 : f32 to vector<16xf32>
      %max3A_598 = arith.maximumf %sub3A_234, %max3A_597 : vector<16xf32>
      %sub3A_599 = arith.subf %min3A_596, %max3A_598 : vector<16xf32>
      %max3A_600 = arith.constant 0.000000e+00 : f32
      %max3A_601 = vector.broadcast %max3A_600 : f32 to vector<16xf32>
      %max3A_602 = arith.maximumf %sub3A_599, %max3A_601 : vector<16xf32>
      %mul3A_603 = arith.mulf %max3A_594, %max3A_602 : vector<16xf32>
      %add3A_604 = vector.broadcast %squeeze3A_586 : f32 to vector<16xf32>
      %add3A_605 = arith.addf %mul3A_237, %add3A_604 : vector<16xf32>
      %sub3A_606 = arith.subf %add3A_605, %mul3A_603 : vector<16xf32>
      %div3A_607 = arith.divf %mul3A_603, %sub3A_606 : vector<16xf32>
      %gt3A_608 = arith.cmpf ogt, %div3A_607, %max3A_576 : vector<16xf32>
      %jit3A_609 = arith.constant 9 : i32
      %broadcast_in_dim3A_610 = vector.broadcast %jit3A_609 : i32 to vector<16xi32>
      %select_n3A_611 = arith.select %gt3A_608, %broadcast_in_dim3A_610, %select_n3A_575 : vector<16xi1>, vector<16xi32>
      %max3A_612 = arith.maximumf %max3A_576, %div3A_607 : vector<16xf32>
      %slice3A_613 = vector.extract_strided_slice %get3A_131 {offsets = [10], sizes = [1], strides = [1]} : vector<16xf32> to vector<1xf32>
      %squeeze3A_614 = vector.extract %slice3A_613[0] : f32 from vector<1xf32>
      %slice3A_615 = vector.extract_strided_slice %get3A_135 {offsets = [10], sizes = [1], strides = [1]} : vector<16xf32> to vector<1xf32>
      %squeeze3A_616 = vector.extract %slice3A_615[0] : f32 from vector<1xf32>
      %slice3A_617 = vector.extract_strided_slice %get3A_139 {offsets = [10], sizes = [1], strides = [1]} : vector<16xf32> to vector<1xf32>
      %squeeze3A_618 = vector.extract %slice3A_617[0] : f32 from vector<1xf32>
      %slice3A_619 = vector.extract_strided_slice %get3A_143 {offsets = [10], sizes = [1], strides = [1]} : vector<16xf32> to vector<1xf32>
      %squeeze3A_620 = vector.extract %slice3A_619[0] : f32 from vector<1xf32>
      %slice3A_621 = vector.extract_strided_slice %get3A_147 {offsets = [10], sizes = [1], strides = [1]} : vector<16xf32> to vector<1xf32>
      %squeeze3A_622 = vector.extract %slice3A_621[0] : f32 from vector<1xf32>
      %min3A_623 = vector.broadcast %squeeze3A_618 : f32 to vector<16xf32>
      %min3A_624 = arith.minimumf %add3A_235, %min3A_623 : vector<16xf32>
      %max3A_625 = vector.broadcast %squeeze3A_614 : f32 to vector<16xf32>
      %max3A_626 = arith.maximumf %sub3A_226, %max3A_625 : vector<16xf32>
      %sub3A_627 = arith.subf %min3A_624, %max3A_626 : vector<16xf32>
      %max3A_628 = arith.constant 0.000000e+00 : f32
      %max3A_629 = vector.broadcast %max3A_628 : f32 to vector<16xf32>
      %max3A_630 = arith.maximumf %sub3A_627, %max3A_629 : vector<16xf32>
      %min3A_631 = vector.broadcast %squeeze3A_620 : f32 to vector<16xf32>
      %min3A_632 = arith.minimumf %add3A_236, %min3A_631 : vector<16xf32>
      %max3A_633 = vector.broadcast %squeeze3A_616 : f32 to vector<16xf32>
      %max3A_634 = arith.maximumf %sub3A_234, %max3A_633 : vector<16xf32>
      %sub3A_635 = arith.subf %min3A_632, %max3A_634 : vector<16xf32>
      %max3A_636 = arith.constant 0.000000e+00 : f32
      %max3A_637 = vector.broadcast %max3A_636 : f32 to vector<16xf32>
      %max3A_638 = arith.maximumf %sub3A_635, %max3A_637 : vector<16xf32>
      %mul3A_639 = arith.mulf %max3A_630, %max3A_638 : vector<16xf32>
      %add3A_640 = vector.broadcast %squeeze3A_622 : f32 to vector<16xf32>
      %add3A_641 = arith.addf %mul3A_237, %add3A_640 : vector<16xf32>
      %sub3A_642 = arith.subf %add3A_641, %mul3A_639 : vector<16xf32>
      %div3A_643 = arith.divf %mul3A_639, %sub3A_642 : vector<16xf32>
      %gt3A_644 = arith.cmpf ogt, %div3A_643, %max3A_612 : vector<16xf32>
      %jit3A_645 = arith.constant 10 : i32
      %broadcast_in_dim3A_646 = vector.broadcast %jit3A_645 : i32 to vector<16xi32>
      %select_n3A_647 = arith.select %gt3A_644, %broadcast_in_dim3A_646, %select_n3A_611 : vector<16xi1>, vector<16xi32>
      %max3A_648 = arith.maximumf %max3A_612, %div3A_643 : vector<16xf32>
      %slice3A_649 = vector.extract_strided_slice %get3A_131 {offsets = [11], sizes = [1], strides = [1]} : vector<16xf32> to vector<1xf32>
      %squeeze3A_650 = vector.extract %slice3A_649[0] : f32 from vector<1xf32>
      %slice3A_651 = vector.extract_strided_slice %get3A_135 {offsets = [11], sizes = [1], strides = [1]} : vector<16xf32> to vector<1xf32>
      %squeeze3A_652 = vector.extract %slice3A_651[0] : f32 from vector<1xf32>
      %slice3A_653 = vector.extract_strided_slice %get3A_139 {offsets = [11], sizes = [1], strides = [1]} : vector<16xf32> to vector<1xf32>
      %squeeze3A_654 = vector.extract %slice3A_653[0] : f32 from vector<1xf32>
      %slice3A_655 = vector.extract_strided_slice %get3A_143 {offsets = [11], sizes = [1], strides = [1]} : vector<16xf32> to vector<1xf32>
      %squeeze3A_656 = vector.extract %slice3A_655[0] : f32 from vector<1xf32>
      %slice3A_657 = vector.extract_strided_slice %get3A_147 {offsets = [11], sizes = [1], strides = [1]} : vector<16xf32> to vector<1xf32>
      %squeeze3A_658 = vector.extract %slice3A_657[0] : f32 from vector<1xf32>
      %min3A_659 = vector.broadcast %squeeze3A_654 : f32 to vector<16xf32>
      %min3A_660 = arith.minimumf %add3A_235, %min3A_659 : vector<16xf32>
      %max3A_661 = vector.broadcast %squeeze3A_650 : f32 to vector<16xf32>
      %max3A_662 = arith.maximumf %sub3A_226, %max3A_661 : vector<16xf32>
      %sub3A_663 = arith.subf %min3A_660, %max3A_662 : vector<16xf32>
      %max3A_664 = arith.constant 0.000000e+00 : f32
      %max3A_665 = vector.broadcast %max3A_664 : f32 to vector<16xf32>
      %max3A_666 = arith.maximumf %sub3A_663, %max3A_665 : vector<16xf32>
      %min3A_667 = vector.broadcast %squeeze3A_656 : f32 to vector<16xf32>
      %min3A_668 = arith.minimumf %add3A_236, %min3A_667 : vector<16xf32>
      %max3A_669 = vector.broadcast %squeeze3A_652 : f32 to vector<16xf32>
      %max3A_670 = arith.maximumf %sub3A_234, %max3A_669 : vector<16xf32>
      %sub3A_671 = arith.subf %min3A_668, %max3A_670 : vector<16xf32>
      %max3A_672 = arith.constant 0.000000e+00 : f32
      %max3A_673 = vector.broadcast %max3A_672 : f32 to vector<16xf32>
      %max3A_674 = arith.maximumf %sub3A_671, %max3A_673 : vector<16xf32>
      %mul3A_675 = arith.mulf %max3A_666, %max3A_674 : vector<16xf32>
      %add3A_676 = vector.broadcast %squeeze3A_658 : f32 to vector<16xf32>
      %add3A_677 = arith.addf %mul3A_237, %add3A_676 : vector<16xf32>
      %sub3A_678 = arith.subf %add3A_677, %mul3A_675 : vector<16xf32>
      %div3A_679 = arith.divf %mul3A_675, %sub3A_678 : vector<16xf32>
      %gt3A_680 = arith.cmpf ogt, %div3A_679, %max3A_648 : vector<16xf32>
      %jit3A_681 = arith.constant 11 : i32
      %broadcast_in_dim3A_682 = vector.broadcast %jit3A_681 : i32 to vector<16xi32>
      %select_n3A_683 = arith.select %gt3A_680, %broadcast_in_dim3A_682, %select_n3A_647 : vector<16xi1>, vector<16xi32>
      %max3A_684 = arith.maximumf %max3A_648, %div3A_679 : vector<16xf32>
      %slice3A_685 = vector.extract_strided_slice %get3A_131 {offsets = [12], sizes = [1], strides = [1]} : vector<16xf32> to vector<1xf32>
      %squeeze3A_686 = vector.extract %slice3A_685[0] : f32 from vector<1xf32>
      %slice3A_687 = vector.extract_strided_slice %get3A_135 {offsets = [12], sizes = [1], strides = [1]} : vector<16xf32> to vector<1xf32>
      %squeeze3A_688 = vector.extract %slice3A_687[0] : f32 from vector<1xf32>
      %slice3A_689 = vector.extract_strided_slice %get3A_139 {offsets = [12], sizes = [1], strides = [1]} : vector<16xf32> to vector<1xf32>
      %squeeze3A_690 = vector.extract %slice3A_689[0] : f32 from vector<1xf32>
      %slice3A_691 = vector.extract_strided_slice %get3A_143 {offsets = [12], sizes = [1], strides = [1]} : vector<16xf32> to vector<1xf32>
      %squeeze3A_692 = vector.extract %slice3A_691[0] : f32 from vector<1xf32>
      %slice3A_693 = vector.extract_strided_slice %get3A_147 {offsets = [12], sizes = [1], strides = [1]} : vector<16xf32> to vector<1xf32>
      %squeeze3A_694 = vector.extract %slice3A_693[0] : f32 from vector<1xf32>
      %min3A_695 = vector.broadcast %squeeze3A_690 : f32 to vector<16xf32>
      %min3A_696 = arith.minimumf %add3A_235, %min3A_695 : vector<16xf32>
      %max3A_697 = vector.broadcast %squeeze3A_686 : f32 to vector<16xf32>
      %max3A_698 = arith.maximumf %sub3A_226, %max3A_697 : vector<16xf32>
      %sub3A_699 = arith.subf %min3A_696, %max3A_698 : vector<16xf32>
      %max3A_700 = arith.constant 0.000000e+00 : f32
      %max3A_701 = vector.broadcast %max3A_700 : f32 to vector<16xf32>
      %max3A_702 = arith.maximumf %sub3A_699, %max3A_701 : vector<16xf32>
      %min3A_703 = vector.broadcast %squeeze3A_692 : f32 to vector<16xf32>
      %min3A_704 = arith.minimumf %add3A_236, %min3A_703 : vector<16xf32>
      %max3A_705 = vector.broadcast %squeeze3A_688 : f32 to vector<16xf32>
      %max3A_706 = arith.maximumf %sub3A_234, %max3A_705 : vector<16xf32>
      %sub3A_707 = arith.subf %min3A_704, %max3A_706 : vector<16xf32>
      %max3A_708 = arith.constant 0.000000e+00 : f32
      %max3A_709 = vector.broadcast %max3A_708 : f32 to vector<16xf32>
      %max3A_710 = arith.maximumf %sub3A_707, %max3A_709 : vector<16xf32>
      %mul3A_711 = arith.mulf %max3A_702, %max3A_710 : vector<16xf32>
      %add3A_712 = vector.broadcast %squeeze3A_694 : f32 to vector<16xf32>
      %add3A_713 = arith.addf %mul3A_237, %add3A_712 : vector<16xf32>
      %sub3A_714 = arith.subf %add3A_713, %mul3A_711 : vector<16xf32>
      %div3A_715 = arith.divf %mul3A_711, %sub3A_714 : vector<16xf32>
      %gt3A_716 = arith.cmpf ogt, %div3A_715, %max3A_684 : vector<16xf32>
      %jit3A_717 = arith.constant 12 : i32
      %broadcast_in_dim3A_718 = vector.broadcast %jit3A_717 : i32 to vector<16xi32>
      %select_n3A_719 = arith.select %gt3A_716, %broadcast_in_dim3A_718, %select_n3A_683 : vector<16xi1>, vector<16xi32>
      %max3A_720 = arith.maximumf %max3A_684, %div3A_715 : vector<16xf32>
      %slice3A_721 = vector.extract_strided_slice %get3A_131 {offsets = [13], sizes = [1], strides = [1]} : vector<16xf32> to vector<1xf32>
      %squeeze3A_722 = vector.extract %slice3A_721[0] : f32 from vector<1xf32>
      %slice3A_723 = vector.extract_strided_slice %get3A_135 {offsets = [13], sizes = [1], strides = [1]} : vector<16xf32> to vector<1xf32>
      %squeeze3A_724 = vector.extract %slice3A_723[0] : f32 from vector<1xf32>
      %slice3A_725 = vector.extract_strided_slice %get3A_139 {offsets = [13], sizes = [1], strides = [1]} : vector<16xf32> to vector<1xf32>
      %squeeze3A_726 = vector.extract %slice3A_725[0] : f32 from vector<1xf32>
      %slice3A_727 = vector.extract_strided_slice %get3A_143 {offsets = [13], sizes = [1], strides = [1]} : vector<16xf32> to vector<1xf32>
      %squeeze3A_728 = vector.extract %slice3A_727[0] : f32 from vector<1xf32>
      %slice3A_729 = vector.extract_strided_slice %get3A_147 {offsets = [13], sizes = [1], strides = [1]} : vector<16xf32> to vector<1xf32>
      %squeeze3A_730 = vector.extract %slice3A_729[0] : f32 from vector<1xf32>
      %min3A_731 = vector.broadcast %squeeze3A_726 : f32 to vector<16xf32>
      %min3A_732 = arith.minimumf %add3A_235, %min3A_731 : vector<16xf32>
      %max3A_733 = vector.broadcast %squeeze3A_722 : f32 to vector<16xf32>
      %max3A_734 = arith.maximumf %sub3A_226, %max3A_733 : vector<16xf32>
      %sub3A_735 = arith.subf %min3A_732, %max3A_734 : vector<16xf32>
      %max3A_736 = arith.constant 0.000000e+00 : f32
      %max3A_737 = vector.broadcast %max3A_736 : f32 to vector<16xf32>
      %max3A_738 = arith.maximumf %sub3A_735, %max3A_737 : vector<16xf32>
      %min3A_739 = vector.broadcast %squeeze3A_728 : f32 to vector<16xf32>
      %min3A_740 = arith.minimumf %add3A_236, %min3A_739 : vector<16xf32>
      %max3A_741 = vector.broadcast %squeeze3A_724 : f32 to vector<16xf32>
      %max3A_742 = arith.maximumf %sub3A_234, %max3A_741 : vector<16xf32>
      %sub3A_743 = arith.subf %min3A_740, %max3A_742 : vector<16xf32>
      %max3A_744 = arith.constant 0.000000e+00 : f32
      %max3A_745 = vector.broadcast %max3A_744 : f32 to vector<16xf32>
      %max3A_746 = arith.maximumf %sub3A_743, %max3A_745 : vector<16xf32>
      %mul3A_747 = arith.mulf %max3A_738, %max3A_746 : vector<16xf32>
      %add3A_748 = vector.broadcast %squeeze3A_730 : f32 to vector<16xf32>
      %add3A_749 = arith.addf %mul3A_237, %add3A_748 : vector<16xf32>
      %sub3A_750 = arith.subf %add3A_749, %mul3A_747 : vector<16xf32>
      %div3A_751 = arith.divf %mul3A_747, %sub3A_750 : vector<16xf32>
      %gt3A_752 = arith.cmpf ogt, %div3A_751, %max3A_720 : vector<16xf32>
      %jit3A_753 = arith.constant 13 : i32
      %broadcast_in_dim3A_754 = vector.broadcast %jit3A_753 : i32 to vector<16xi32>
      %select_n3A_755 = arith.select %gt3A_752, %broadcast_in_dim3A_754, %select_n3A_719 : vector<16xi1>, vector<16xi32>
      %max3A_756 = arith.maximumf %max3A_720, %div3A_751 : vector<16xf32>
      %slice3A_757 = vector.extract_strided_slice %get3A_131 {offsets = [14], sizes = [1], strides = [1]} : vector<16xf32> to vector<1xf32>
      %squeeze3A_758 = vector.extract %slice3A_757[0] : f32 from vector<1xf32>
      %slice3A_759 = vector.extract_strided_slice %get3A_135 {offsets = [14], sizes = [1], strides = [1]} : vector<16xf32> to vector<1xf32>
      %squeeze3A_760 = vector.extract %slice3A_759[0] : f32 from vector<1xf32>
      %slice3A_761 = vector.extract_strided_slice %get3A_139 {offsets = [14], sizes = [1], strides = [1]} : vector<16xf32> to vector<1xf32>
      %squeeze3A_762 = vector.extract %slice3A_761[0] : f32 from vector<1xf32>
      %slice3A_763 = vector.extract_strided_slice %get3A_143 {offsets = [14], sizes = [1], strides = [1]} : vector<16xf32> to vector<1xf32>
      %squeeze3A_764 = vector.extract %slice3A_763[0] : f32 from vector<1xf32>
      %slice3A_765 = vector.extract_strided_slice %get3A_147 {offsets = [14], sizes = [1], strides = [1]} : vector<16xf32> to vector<1xf32>
      %squeeze3A_766 = vector.extract %slice3A_765[0] : f32 from vector<1xf32>
      %min3A_767 = vector.broadcast %squeeze3A_762 : f32 to vector<16xf32>
      %min3A_768 = arith.minimumf %add3A_235, %min3A_767 : vector<16xf32>
      %max3A_769 = vector.broadcast %squeeze3A_758 : f32 to vector<16xf32>
      %max3A_770 = arith.maximumf %sub3A_226, %max3A_769 : vector<16xf32>
      %sub3A_771 = arith.subf %min3A_768, %max3A_770 : vector<16xf32>
      %max3A_772 = arith.constant 0.000000e+00 : f32
      %max3A_773 = vector.broadcast %max3A_772 : f32 to vector<16xf32>
      %max3A_774 = arith.maximumf %sub3A_771, %max3A_773 : vector<16xf32>
      %min3A_775 = vector.broadcast %squeeze3A_764 : f32 to vector<16xf32>
      %min3A_776 = arith.minimumf %add3A_236, %min3A_775 : vector<16xf32>
      %max3A_777 = vector.broadcast %squeeze3A_760 : f32 to vector<16xf32>
      %max3A_778 = arith.maximumf %sub3A_234, %max3A_777 : vector<16xf32>
      %sub3A_779 = arith.subf %min3A_776, %max3A_778 : vector<16xf32>
      %max3A_780 = arith.constant 0.000000e+00 : f32
      %max3A_781 = vector.broadcast %max3A_780 : f32 to vector<16xf32>
      %max3A_782 = arith.maximumf %sub3A_779, %max3A_781 : vector<16xf32>
      %mul3A_783 = arith.mulf %max3A_774, %max3A_782 : vector<16xf32>
      %add3A_784 = vector.broadcast %squeeze3A_766 : f32 to vector<16xf32>
      %add3A_785 = arith.addf %mul3A_237, %add3A_784 : vector<16xf32>
      %sub3A_786 = arith.subf %add3A_785, %mul3A_783 : vector<16xf32>
      %div3A_787 = arith.divf %mul3A_783, %sub3A_786 : vector<16xf32>
      %gt3A_788 = arith.cmpf ogt, %div3A_787, %max3A_756 : vector<16xf32>
      %jit3A_789 = arith.constant 14 : i32
      %broadcast_in_dim3A_790 = vector.broadcast %jit3A_789 : i32 to vector<16xi32>
      %select_n3A_791 = arith.select %gt3A_788, %broadcast_in_dim3A_790, %select_n3A_755 : vector<16xi1>, vector<16xi32>
      %max3A_792 = arith.maximumf %max3A_756, %div3A_787 : vector<16xf32>
      %slice3A_793 = vector.extract_strided_slice %get3A_131 {offsets = [15], sizes = [1], strides = [1]} : vector<16xf32> to vector<1xf32>
      %squeeze3A_794 = vector.extract %slice3A_793[0] : f32 from vector<1xf32>
      %slice3A_795 = vector.extract_strided_slice %get3A_135 {offsets = [15], sizes = [1], strides = [1]} : vector<16xf32> to vector<1xf32>
      %squeeze3A_796 = vector.extract %slice3A_795[0] : f32 from vector<1xf32>
      %slice3A_797 = vector.extract_strided_slice %get3A_139 {offsets = [15], sizes = [1], strides = [1]} : vector<16xf32> to vector<1xf32>
      %squeeze3A_798 = vector.extract %slice3A_797[0] : f32 from vector<1xf32>
      %slice3A_799 = vector.extract_strided_slice %get3A_143 {offsets = [15], sizes = [1], strides = [1]} : vector<16xf32> to vector<1xf32>
      %squeeze3A_800 = vector.extract %slice3A_799[0] : f32 from vector<1xf32>
      %slice3A_801 = vector.extract_strided_slice %get3A_147 {offsets = [15], sizes = [1], strides = [1]} : vector<16xf32> to vector<1xf32>
      %squeeze3A_802 = vector.extract %slice3A_801[0] : f32 from vector<1xf32>
      %min3A_803 = vector.broadcast %squeeze3A_798 : f32 to vector<16xf32>
      %min3A_804 = arith.minimumf %add3A_235, %min3A_803 : vector<16xf32>
      %max3A_805 = vector.broadcast %squeeze3A_794 : f32 to vector<16xf32>
      %max3A_806 = arith.maximumf %sub3A_226, %max3A_805 : vector<16xf32>
      %sub3A_807 = arith.subf %min3A_804, %max3A_806 : vector<16xf32>
      %max3A_808 = arith.constant 0.000000e+00 : f32
      %max3A_809 = vector.broadcast %max3A_808 : f32 to vector<16xf32>
      %max3A_810 = arith.maximumf %sub3A_807, %max3A_809 : vector<16xf32>
      %min3A_811 = vector.broadcast %squeeze3A_800 : f32 to vector<16xf32>
      %min3A_812 = arith.minimumf %add3A_236, %min3A_811 : vector<16xf32>
      %max3A_813 = vector.broadcast %squeeze3A_796 : f32 to vector<16xf32>
      %max3A_814 = arith.maximumf %sub3A_234, %max3A_813 : vector<16xf32>
      %sub3A_815 = arith.subf %min3A_812, %max3A_814 : vector<16xf32>
      %max3A_816 = arith.constant 0.000000e+00 : f32
      %max3A_817 = vector.broadcast %max3A_816 : f32 to vector<16xf32>
      %max3A_818 = arith.maximumf %sub3A_815, %max3A_817 : vector<16xf32>
      %mul3A_819 = arith.mulf %max3A_810, %max3A_818 : vector<16xf32>
      %add3A_820 = vector.broadcast %squeeze3A_802 : f32 to vector<16xf32>
      %add3A_821 = arith.addf %mul3A_237, %add3A_820 : vector<16xf32>
      %sub3A_822 = arith.subf %add3A_821, %mul3A_819 : vector<16xf32>
      %div3A_823 = arith.divf %mul3A_819, %sub3A_822 : vector<16xf32>
      %gt3A_824 = arith.cmpf ogt, %div3A_823, %max3A_792 : vector<16xf32>
      %jit3A_825 = arith.constant 15 : i32
      %broadcast_in_dim3A_826 = vector.broadcast %jit3A_825 : i32 to vector<16xi32>
      %select_n3A_827 = arith.select %gt3A_824, %broadcast_in_dim3A_826, %select_n3A_791 : vector<16xi1>, vector<16xi32>
      %max3A_828 = arith.maximumf %max3A_792, %div3A_823 : vector<16xf32>
      %slice3A_829 = vector.extract_strided_slice %get3A_133 {offsets = [0], sizes = [1], strides = [1]} : vector<16xf32> to vector<1xf32>
      %squeeze3A_830 = vector.extract %slice3A_829[0] : f32 from vector<1xf32>
      %slice3A_831 = vector.extract_strided_slice %get3A_137 {offsets = [0], sizes = [1], strides = [1]} : vector<16xf32> to vector<1xf32>
      %squeeze3A_832 = vector.extract %slice3A_831[0] : f32 from vector<1xf32>
      %slice3A_833 = vector.extract_strided_slice %get3A_141 {offsets = [0], sizes = [1], strides = [1]} : vector<16xf32> to vector<1xf32>
      %squeeze3A_834 = vector.extract %slice3A_833[0] : f32 from vector<1xf32>
      %slice3A_835 = vector.extract_strided_slice %get3A_145 {offsets = [0], sizes = [1], strides = [1]} : vector<16xf32> to vector<1xf32>
      %squeeze3A_836 = vector.extract %slice3A_835[0] : f32 from vector<1xf32>
      %slice3A_837 = vector.extract_strided_slice %get3A_149 {offsets = [0], sizes = [1], strides = [1]} : vector<16xf32> to vector<1xf32>
      %squeeze3A_838 = vector.extract %slice3A_837[0] : f32 from vector<1xf32>
      %min3A_839 = vector.broadcast %squeeze3A_834 : f32 to vector<16xf32>
      %min3A_840 = arith.minimumf %add3A_235, %min3A_839 : vector<16xf32>
      %max3A_841 = vector.broadcast %squeeze3A_830 : f32 to vector<16xf32>
      %max3A_842 = arith.maximumf %sub3A_226, %max3A_841 : vector<16xf32>
      %sub3A_843 = arith.subf %min3A_840, %max3A_842 : vector<16xf32>
      %max3A_844 = arith.constant 0.000000e+00 : f32
      %max3A_845 = vector.broadcast %max3A_844 : f32 to vector<16xf32>
      %max3A_846 = arith.maximumf %sub3A_843, %max3A_845 : vector<16xf32>
      %min3A_847 = vector.broadcast %squeeze3A_836 : f32 to vector<16xf32>
      %min3A_848 = arith.minimumf %add3A_236, %min3A_847 : vector<16xf32>
      %max3A_849 = vector.broadcast %squeeze3A_832 : f32 to vector<16xf32>
      %max3A_850 = arith.maximumf %sub3A_234, %max3A_849 : vector<16xf32>
      %sub3A_851 = arith.subf %min3A_848, %max3A_850 : vector<16xf32>
      %max3A_852 = arith.constant 0.000000e+00 : f32
      %max3A_853 = vector.broadcast %max3A_852 : f32 to vector<16xf32>
      %max3A_854 = arith.maximumf %sub3A_851, %max3A_853 : vector<16xf32>
      %mul3A_855 = arith.mulf %max3A_846, %max3A_854 : vector<16xf32>
      %add3A_856 = vector.broadcast %squeeze3A_838 : f32 to vector<16xf32>
      %add3A_857 = arith.addf %mul3A_237, %add3A_856 : vector<16xf32>
      %sub3A_858 = arith.subf %add3A_857, %mul3A_855 : vector<16xf32>
      %div3A_859 = arith.divf %mul3A_855, %sub3A_858 : vector<16xf32>
      %gt3A_860 = arith.cmpf ogt, %div3A_859, %max3A_828 : vector<16xf32>
      %jit3A_861 = arith.constant 16 : i32
      %broadcast_in_dim3A_862 = vector.broadcast %jit3A_861 : i32 to vector<16xi32>
      %select_n3A_863 = arith.select %gt3A_860, %broadcast_in_dim3A_862, %select_n3A_827 : vector<16xi1>, vector<16xi32>
      %max3A_864 = arith.maximumf %max3A_828, %div3A_859 : vector<16xf32>
      %slice3A_865 = vector.extract_strided_slice %get3A_133 {offsets = [1], sizes = [1], strides = [1]} : vector<16xf32> to vector<1xf32>
      %squeeze3A_866 = vector.extract %slice3A_865[0] : f32 from vector<1xf32>
      %slice3A_867 = vector.extract_strided_slice %get3A_137 {offsets = [1], sizes = [1], strides = [1]} : vector<16xf32> to vector<1xf32>
      %squeeze3A_868 = vector.extract %slice3A_867[0] : f32 from vector<1xf32>
      %slice3A_869 = vector.extract_strided_slice %get3A_141 {offsets = [1], sizes = [1], strides = [1]} : vector<16xf32> to vector<1xf32>
      %squeeze3A_870 = vector.extract %slice3A_869[0] : f32 from vector<1xf32>
      %slice3A_871 = vector.extract_strided_slice %get3A_145 {offsets = [1], sizes = [1], strides = [1]} : vector<16xf32> to vector<1xf32>
      %squeeze3A_872 = vector.extract %slice3A_871[0] : f32 from vector<1xf32>
      %slice3A_873 = vector.extract_strided_slice %get3A_149 {offsets = [1], sizes = [1], strides = [1]} : vector<16xf32> to vector<1xf32>
      %squeeze3A_874 = vector.extract %slice3A_873[0] : f32 from vector<1xf32>
      %min3A_875 = vector.broadcast %squeeze3A_870 : f32 to vector<16xf32>
      %min3A_876 = arith.minimumf %add3A_235, %min3A_875 : vector<16xf32>
      %max3A_877 = vector.broadcast %squeeze3A_866 : f32 to vector<16xf32>
      %max3A_878 = arith.maximumf %sub3A_226, %max3A_877 : vector<16xf32>
      %sub3A_879 = arith.subf %min3A_876, %max3A_878 : vector<16xf32>
      %max3A_880 = arith.constant 0.000000e+00 : f32
      %max3A_881 = vector.broadcast %max3A_880 : f32 to vector<16xf32>
      %max3A_882 = arith.maximumf %sub3A_879, %max3A_881 : vector<16xf32>
      %min3A_883 = vector.broadcast %squeeze3A_872 : f32 to vector<16xf32>
      %min3A_884 = arith.minimumf %add3A_236, %min3A_883 : vector<16xf32>
      %max3A_885 = vector.broadcast %squeeze3A_868 : f32 to vector<16xf32>
      %max3A_886 = arith.maximumf %sub3A_234, %max3A_885 : vector<16xf32>
      %sub3A_887 = arith.subf %min3A_884, %max3A_886 : vector<16xf32>
      %max3A_888 = arith.constant 0.000000e+00 : f32
      %max3A_889 = vector.broadcast %max3A_888 : f32 to vector<16xf32>
      %max3A_890 = arith.maximumf %sub3A_887, %max3A_889 : vector<16xf32>
      %mul3A_891 = arith.mulf %max3A_882, %max3A_890 : vector<16xf32>
      %add3A_892 = vector.broadcast %squeeze3A_874 : f32 to vector<16xf32>
      %add3A_893 = arith.addf %mul3A_237, %add3A_892 : vector<16xf32>
      %sub3A_894 = arith.subf %add3A_893, %mul3A_891 : vector<16xf32>
      %div3A_895 = arith.divf %mul3A_891, %sub3A_894 : vector<16xf32>
      %gt3A_896 = arith.cmpf ogt, %div3A_895, %max3A_864 : vector<16xf32>
      %jit3A_897 = arith.constant 17 : i32
      %broadcast_in_dim3A_898 = vector.broadcast %jit3A_897 : i32 to vector<16xi32>
      %select_n3A_899 = arith.select %gt3A_896, %broadcast_in_dim3A_898, %select_n3A_863 : vector<16xi1>, vector<16xi32>
      %max3A_900 = arith.maximumf %max3A_864, %div3A_895 : vector<16xf32>
      %slice3A_901 = vector.extract_strided_slice %get3A_133 {offsets = [2], sizes = [1], strides = [1]} : vector<16xf32> to vector<1xf32>
      %squeeze3A_902 = vector.extract %slice3A_901[0] : f32 from vector<1xf32>
      %slice3A_903 = vector.extract_strided_slice %get3A_137 {offsets = [2], sizes = [1], strides = [1]} : vector<16xf32> to vector<1xf32>
      %squeeze3A_904 = vector.extract %slice3A_903[0] : f32 from vector<1xf32>
      %slice3A_905 = vector.extract_strided_slice %get3A_141 {offsets = [2], sizes = [1], strides = [1]} : vector<16xf32> to vector<1xf32>
      %squeeze3A_906 = vector.extract %slice3A_905[0] : f32 from vector<1xf32>
      %slice3A_907 = vector.extract_strided_slice %get3A_145 {offsets = [2], sizes = [1], strides = [1]} : vector<16xf32> to vector<1xf32>
      %squeeze3A_908 = vector.extract %slice3A_907[0] : f32 from vector<1xf32>
      %slice3A_909 = vector.extract_strided_slice %get3A_149 {offsets = [2], sizes = [1], strides = [1]} : vector<16xf32> to vector<1xf32>
      %squeeze3A_910 = vector.extract %slice3A_909[0] : f32 from vector<1xf32>
      %min3A_911 = vector.broadcast %squeeze3A_906 : f32 to vector<16xf32>
      %min3A_912 = arith.minimumf %add3A_235, %min3A_911 : vector<16xf32>
      %max3A_913 = vector.broadcast %squeeze3A_902 : f32 to vector<16xf32>
      %max3A_914 = arith.maximumf %sub3A_226, %max3A_913 : vector<16xf32>
      %sub3A_915 = arith.subf %min3A_912, %max3A_914 : vector<16xf32>
      %max3A_916 = arith.constant 0.000000e+00 : f32
      %max3A_917 = vector.broadcast %max3A_916 : f32 to vector<16xf32>
      %max3A_918 = arith.maximumf %sub3A_915, %max3A_917 : vector<16xf32>
      %min3A_919 = vector.broadcast %squeeze3A_908 : f32 to vector<16xf32>
      %min3A_920 = arith.minimumf %add3A_236, %min3A_919 : vector<16xf32>
      %max3A_921 = vector.broadcast %squeeze3A_904 : f32 to vector<16xf32>
      %max3A_922 = arith.maximumf %sub3A_234, %max3A_921 : vector<16xf32>
      %sub3A_923 = arith.subf %min3A_920, %max3A_922 : vector<16xf32>
      %max3A_924 = arith.constant 0.000000e+00 : f32
      %max3A_925 = vector.broadcast %max3A_924 : f32 to vector<16xf32>
      %max3A_926 = arith.maximumf %sub3A_923, %max3A_925 : vector<16xf32>
      %mul3A_927 = arith.mulf %max3A_918, %max3A_926 : vector<16xf32>
      %add3A_928 = vector.broadcast %squeeze3A_910 : f32 to vector<16xf32>
      %add3A_929 = arith.addf %mul3A_237, %add3A_928 : vector<16xf32>
      %sub3A_930 = arith.subf %add3A_929, %mul3A_927 : vector<16xf32>
      %div3A_931 = arith.divf %mul3A_927, %sub3A_930 : vector<16xf32>
      %gt3A_932 = arith.cmpf ogt, %div3A_931, %max3A_900 : vector<16xf32>
      %jit3A_933 = arith.constant 18 : i32
      %broadcast_in_dim3A_934 = vector.broadcast %jit3A_933 : i32 to vector<16xi32>
      %select_n3A_935 = arith.select %gt3A_932, %broadcast_in_dim3A_934, %select_n3A_899 : vector<16xi1>, vector<16xi32>
      %max3A_936 = arith.maximumf %max3A_900, %div3A_931 : vector<16xf32>
      %slice3A_937 = vector.extract_strided_slice %get3A_133 {offsets = [3], sizes = [1], strides = [1]} : vector<16xf32> to vector<1xf32>
      %squeeze3A_938 = vector.extract %slice3A_937[0] : f32 from vector<1xf32>
      %slice3A_939 = vector.extract_strided_slice %get3A_137 {offsets = [3], sizes = [1], strides = [1]} : vector<16xf32> to vector<1xf32>
      %squeeze3A_940 = vector.extract %slice3A_939[0] : f32 from vector<1xf32>
      %slice3A_941 = vector.extract_strided_slice %get3A_141 {offsets = [3], sizes = [1], strides = [1]} : vector<16xf32> to vector<1xf32>
      %squeeze3A_942 = vector.extract %slice3A_941[0] : f32 from vector<1xf32>
      %slice3A_943 = vector.extract_strided_slice %get3A_145 {offsets = [3], sizes = [1], strides = [1]} : vector<16xf32> to vector<1xf32>
      %squeeze3A_944 = vector.extract %slice3A_943[0] : f32 from vector<1xf32>
      %slice3A_945 = vector.extract_strided_slice %get3A_149 {offsets = [3], sizes = [1], strides = [1]} : vector<16xf32> to vector<1xf32>
      %squeeze3A_946 = vector.extract %slice3A_945[0] : f32 from vector<1xf32>
      %min3A_947 = vector.broadcast %squeeze3A_942 : f32 to vector<16xf32>
      %min3A_948 = arith.minimumf %add3A_235, %min3A_947 : vector<16xf32>
      %max3A_949 = vector.broadcast %squeeze3A_938 : f32 to vector<16xf32>
      %max3A_950 = arith.maximumf %sub3A_226, %max3A_949 : vector<16xf32>
      %sub3A_951 = arith.subf %min3A_948, %max3A_950 : vector<16xf32>
      %max3A_952 = arith.constant 0.000000e+00 : f32
      %max3A_953 = vector.broadcast %max3A_952 : f32 to vector<16xf32>
      %max3A_954 = arith.maximumf %sub3A_951, %max3A_953 : vector<16xf32>
      %min3A_955 = vector.broadcast %squeeze3A_944 : f32 to vector<16xf32>
      %min3A_956 = arith.minimumf %add3A_236, %min3A_955 : vector<16xf32>
      %max3A_957 = vector.broadcast %squeeze3A_940 : f32 to vector<16xf32>
      %max3A_958 = arith.maximumf %sub3A_234, %max3A_957 : vector<16xf32>
      %sub3A_959 = arith.subf %min3A_956, %max3A_958 : vector<16xf32>
      %max3A_960 = arith.constant 0.000000e+00 : f32
      %max3A_961 = vector.broadcast %max3A_960 : f32 to vector<16xf32>
      %max3A_962 = arith.maximumf %sub3A_959, %max3A_961 : vector<16xf32>
      %mul3A_963 = arith.mulf %max3A_954, %max3A_962 : vector<16xf32>
      %add3A_964 = vector.broadcast %squeeze3A_946 : f32 to vector<16xf32>
      %add3A_965 = arith.addf %mul3A_237, %add3A_964 : vector<16xf32>
      %sub3A_966 = arith.subf %add3A_965, %mul3A_963 : vector<16xf32>
      %div3A_967 = arith.divf %mul3A_963, %sub3A_966 : vector<16xf32>
      %gt3A_968 = arith.cmpf ogt, %div3A_967, %max3A_936 : vector<16xf32>
      %jit3A_969 = arith.constant 19 : i32
      %broadcast_in_dim3A_970 = vector.broadcast %jit3A_969 : i32 to vector<16xi32>
      %select_n3A_971 = arith.select %gt3A_968, %broadcast_in_dim3A_970, %select_n3A_935 : vector<16xi1>, vector<16xi32>
      %max3A_972 = arith.maximumf %max3A_936, %div3A_967 : vector<16xf32>
      %gt3A_973 = arith.constant 0.699999988 : f32
      %gt3A_974 = vector.broadcast %gt3A_973 : f32 to vector<16xf32>
      %gt3A_975 = arith.cmpf ogt, %max3A_972, %gt3A_974 : vector<16xf32>
      %and3A_976 = arith.andi %and3A_254, %gt3A_975 : vector<16xi1>
      %ge3A_977 = arith.constant 0.699999988 : f32
      %ge3A_978 = vector.broadcast %ge3A_977 : f32 to vector<16xf32>
      %ge3A_979 = arith.cmpf oge, %max3A_972, %ge3A_978 : vector<16xf32>
      %and3A_980 = arith.andi %and3A_254, %ge3A_979 : vector<16xi1>
      %jit3A_981 = arith.constant 1.000000e+00 : f32
      %jit3A_982 = arith.constant -1.000000e+00 : f32
      %broadcast_in_dim3A_983 = vector.broadcast %jit3A_981 : f32 to vector<16xf32>
      %broadcast_in_dim3A_984 = vector.broadcast %jit3A_982 : f32 to vector<16xf32>
      %select_n3A_985 = arith.select %and3A_980, %broadcast_in_dim3A_983, %broadcast_in_dim3A_984 : vector<16xi1>, vector<16xf32>
      %le3A = arith.constant 3.000000e-01 : f32
      %le3A_986 = vector.broadcast %le3A : f32 to vector<16xf32>
      %le3A_987 = arith.cmpf ole, %max3A_972, %le3A_986 : vector<16xf32>
      %and3A_988 = arith.andi %and3A_254, %le3A_987 : vector<16xi1>
      %jit3A_989 = arith.constant 0.000000e+00 : f32
      %broadcast_in_dim3A_990 = vector.broadcast %jit3A_989 : f32 to vector<16xf32>
      %select_n3A_991 = arith.select %and3A_988, %broadcast_in_dim3A_990, %select_n3A_985 : vector<16xi1>, vector<16xf32>
      %convert_element_type3A_992 = arith.extui %and3A_976 : vector<16xi1> to vector<16xi32>
      %reduce_sum3A = arith.constant true
      %reduce_sum3A_993 = vector.broadcast %reduce_sum3A : i1 to vector<16xi1>
      %reduce_sum3A_994 = tpu.scan <sum>, %convert_element_type3A_992 masked %reduce_sum3A_993 : vector<16xi32>, vector<16xi1> -> vector<16xi32>
      %reduce_sum3A_995 = vector.extract %reduce_sum3A_994[15] : i32 from vector<16xi32>
      %add3A_996 = arith.addi %scan3A_169, %reduce_sum3A_995 : i32
      %gather3A_997 = arith.constant 0 : i32
      %gather3A_998 = tpu.memref_slice %arg10[%gather3A_997] : memref<128xf32, #tpu.memory_space<vmem>> -> memref<32xf32, #tpu.memory_space<vmem>>
      %gather3A_999 = tpu.vector_load_idx %gather3A_998[%select_n3A_971] : memref<32xf32, #tpu.memory_space<vmem>>[vector<16xi32>], vector<16xf32>,
      %gather3A_1000 = arith.constant 32 : i32
      %gather3A_1001 = tpu.memref_slice %arg10[%gather3A_1000] : memref<128xf32, #tpu.memory_space<vmem>> -> memref<32xf32, #tpu.memory_space<vmem>>
      %gather3A_1002 = tpu.vector_load_idx %gather3A_1001[%select_n3A_971] : memref<32xf32, #tpu.memory_space<vmem>>[vector<16xi32>], vector<16xf32>,
      %gather3A_1003 = arith.constant 64 : i32
      %gather3A_1004 = tpu.memref_slice %arg10[%gather3A_1003] : memref<128xf32, #tpu.memory_space<vmem>> -> memref<32xf32, #tpu.memory_space<vmem>>
      %gather3A_1005 = tpu.vector_load_idx %gather3A_1004[%select_n3A_971] : memref<32xf32, #tpu.memory_space<vmem>>[vector<16xi32>], vector<16xf32>,
      %gather3A_1006 = arith.constant 96 : i32
      %gather3A_1007 = tpu.memref_slice %arg10[%gather3A_1006] : memref<128xf32, #tpu.memory_space<vmem>> -> memref<32xf32, #tpu.memory_space<vmem>>
      %gather3A_1008 = tpu.vector_load_idx %gather3A_1007[%select_n3A_971] : memref<32xf32, #tpu.memory_space<vmem>>[vector<16xi32>], vector<16xf32>,
      %sub3A_1009 = arith.subf %sub3A_226, %gather3A_999 : vector<16xf32>
      %mul3A_1010 = arith.constant 6.250000e-02 : f32
      %mul3A_1011 = vector.broadcast %mul3A_1010 : f32 to vector<16xf32>
      %mul3A_1012 = arith.mulf %sub3A_1009, %mul3A_1011 : vector<16xf32>
      %jit3A_1013 = arith.constant 0.000000e+00 : f32
      %broadcast_in_dim3A_1014 = vector.broadcast %jit3A_1013 : f32 to vector<16xf32>
      %select_n3A_1015 = arith.select %and3A_254, %mul3A_1012, %broadcast_in_dim3A_1014 : vector<16xi1>, vector<16xf32>
      %sub3A_1016 = arith.subf %sub3A_234, %gather3A_1002 : vector<16xf32>
      %mul3A_1017 = arith.constant 6.250000e-02 : f32
      %mul3A_1018 = vector.broadcast %mul3A_1017 : f32 to vector<16xf32>
      %mul3A_1019 = arith.mulf %sub3A_1016, %mul3A_1018 : vector<16xf32>
      %jit3A_1020 = arith.constant 0.000000e+00 : f32
      %broadcast_in_dim3A_1021 = vector.broadcast %jit3A_1020 : f32 to vector<16xf32>
      %select_n3A_1022 = arith.select %and3A_254, %mul3A_1019, %broadcast_in_dim3A_1021 : vector<16xi1>, vector<16xf32>
      %sub3A_1023 = arith.subf %convert_element_type3A_212, %gather3A_1005 : vector<16xf32>
      %mul3A_1024 = arith.constant 6.250000e-02 : f32
      %mul3A_1025 = vector.broadcast %mul3A_1024 : f32 to vector<16xf32>
      %mul3A_1026 = arith.mulf %sub3A_1023, %mul3A_1025 : vector<16xf32>
      %jit3A_1027 = arith.constant 0.000000e+00 : f32
      %broadcast_in_dim3A_1028 = vector.broadcast %jit3A_1027 : f32 to vector<16xf32>
      %select_n3A_1029 = arith.select %and3A_254, %mul3A_1026, %broadcast_in_dim3A_1028 : vector<16xi1>, vector<16xf32>
      %sub3A_1030 = arith.subf %convert_element_type3A_218, %gather3A_1008 : vector<16xf32>
      %mul3A_1031 = arith.constant 6.250000e-02 : f32
      %mul3A_1032 = vector.broadcast %mul3A_1031 : f32 to vector<16xf32>
      %mul3A_1033 = arith.mulf %sub3A_1030, %mul3A_1032 : vector<16xf32>
      %jit3A_1034 = arith.constant 0.000000e+00 : f32
      %broadcast_in_dim3A_1035 = vector.broadcast %jit3A_1034 : f32 to vector<16xf32>
      %select_n3A_1036 = arith.select %and3A_254, %mul3A_1033, %broadcast_in_dim3A_1035 : vector<16xi1>, vector<16xf32>
      %swap3A_1037 = arith.index_cast %mul3A_171 : i32 to index
      %swap3A_1038 = tpu.vector_load %arg12[%swap3A_1037] {strides = array<i32>} : memref<656xf32, #tpu.memory_space<vmem>>, vector<16xf32>,
      tpu.vector_store %arg12[%swap3A_1037], %select_n3A_991 {strides = array<i32>} : memref<656xf32, #tpu.memory_space<vmem>>, vector<16xf32>,
      %mul3A_1039 = arith.constant 16 : i32
      %mul3A_1040 = arith.muli %scan3A_168, %mul3A_1039 : i32
      %add3A_1041 = arith.constant 0 : i32
      %add3A_1042 = arith.addi %add3A_1041, %mul3A_1040 : i32
      %swap3A_1043 = arith.index_cast %add3A_1042 : i32 to index
      %swap3A_1044 = tpu.vector_load %arg13[%swap3A_1043] {strides = array<i32>} : memref<2624xf32, #tpu.memory_space<vmem>>, vector<16xf32>,
      tpu.vector_store %arg13[%swap3A_1043], %select_n3A_1015 {strides = array<i32>} : memref<2624xf32, #tpu.memory_space<vmem>>, vector<16xf32>,
      %mul3A_1045 = arith.constant 16 : i32
      %mul3A_1046 = arith.muli %scan3A_168, %mul3A_1045 : i32
      %add3A_1047 = arith.constant 656 : i32
      %add3A_1048 = arith.addi %add3A_1047, %mul3A_1046 : i32
      %swap3A_1049 = arith.index_cast %add3A_1048 : i32 to index
      %swap3A_1050 = tpu.vector_load %arg13[%swap3A_1049] {strides = array<i32>} : memref<2624xf32, #tpu.memory_space<vmem>>, vector<16xf32>,
      tpu.vector_store %arg13[%swap3A_1049], %select_n3A_1022 {strides = array<i32>} : memref<2624xf32, #tpu.memory_space<vmem>>, vector<16xf32>,
      %mul3A_1051 = arith.constant 16 : i32
      %mul3A_1052 = arith.muli %scan3A_168, %mul3A_1051 : i32
      %add3A_1053 = arith.constant 1312 : i32
      %add3A_1054 = arith.addi %add3A_1053, %mul3A_1052 : i32
      %swap3A_1055 = arith.index_cast %add3A_1054 : i32 to index
      %swap3A_1056 = tpu.vector_load %arg13[%swap3A_1055] {strides = array<i32>} : memref<2624xf32, #tpu.memory_space<vmem>>, vector<16xf32>,
      tpu.vector_store %arg13[%swap3A_1055], %select_n3A_1029 {strides = array<i32>} : memref<2624xf32, #tpu.memory_space<vmem>>, vector<16xf32>,
      %mul3A_1057 = arith.constant 16 : i32
      %mul3A_1058 = arith.muli %scan3A_168, %mul3A_1057 : i32
      %add3A_1059 = arith.constant 1968 : i32
      %add3A_1060 = arith.addi %add3A_1059, %mul3A_1058 : i32
      %swap3A_1061 = arith.index_cast %add3A_1060 : i32 to index
      %swap3A_1062 = tpu.vector_load %arg13[%swap3A_1061] {strides = array<i32>} : memref<2624xf32, #tpu.memory_space<vmem>>, vector<16xf32>,
      tpu.vector_store %arg13[%swap3A_1061], %select_n3A_1036 {strides = array<i32>} : memref<2624xf32, #tpu.memory_space<vmem>>, vector<16xf32>,
      scf.yield %add3A_996 : i32
    }
    %scan3A_155 = arith.constant 41 : i32
    %eq3A = arith.constant 1 : i32
    %eq3A_156 = vector.broadcast %eq3A : i32 to vector<16xi32>
    %eq3A_157 = arith.cmpi eq, %iota3A, %eq3A_156 : vector<16xi32>
    %jit3A = arith.constant 0 : i32
    %broadcast_in_dim3A = vector.broadcast %scan3A_154 : i32 to vector<16xi32>
    %broadcast_in_dim3A_158 = vector.broadcast %jit3A : i32 to vector<16xi32>
    %select_n3A = arith.select %eq3A_157, %broadcast_in_dim3A, %broadcast_in_dim3A_158 : vector<16xi1>, vector<16xi32>
    %swap3A_159 = arith.constant 0 : index
    %swap3A_160 = tpu.vector_load %arg14[%swap3A_159] {strides = array<i32>} : memref<16xi32, #tpu.memory_space<vmem>>, vector<16xi32>,
    tpu.vector_store %arg14[%swap3A_159], %select_n3A {strides = array<i32>} : memref<16xi32, #tpu.memory_space<vmem>>, vector<16xi32>,
    %lt3A = arith.constant 31 : i32
    %lt3A_161 = arith.cmpi slt, %add3A, %lt3A : i32
    %convert_element_type3A = arith.extui %lt3A_161 : i1 to i32
    %cond3A = arith.constant 0 : i32
    %cond3A_162 = arith.cmpi ne, %convert_element_type3A, %cond3A : i32
    scf.if %cond3A_162 {
      %dma_start3A = tpu.memref_slice %arg3[%mul3A_2] : memref<20736xf32, #tpu.memory_space<hbm>> -> memref<656xf32, #tpu.memory_space<hbm>>
      %dma_start3A_168 = tpu.memref_slice %arg3[%mul3A_2] : memref<20736xf32, #tpu.memory_space<hbm>> -> memref<656xf32, #tpu.memory_space<hbm>>
      tpu.enqueue_dma source(%arg12 : memref<656xf32, #tpu.memory_space<vmem>>) target(%dma_start3A_168 : memref<656xf32, #tpu.memory_space<hbm>>) target_semaphore(%arg15 : memref<!tpu.dma_semaphore, #tpu.memory_space<semaphore_mem>>)
      %dma_start3A_169 = arith.constant 0 : i32
      %dma_start3A_170 = tpu.memref_slice %arg13[%dma_start3A_169] : memref<2624xf32, #tpu.memory_space<vmem>> -> memref<656xf32, #tpu.memory_space<vmem>>
      %dma_start3A_171 = tpu.memref_slice %arg4[%mul3A_2] : memref<20736xf32, #tpu.memory_space<hbm>> -> memref<656xf32, #tpu.memory_space<hbm>>
      %dma_start3A_172 = tpu.memref_slice %arg4[%mul3A_2] : memref<20736xf32, #tpu.memory_space<hbm>> -> memref<656xf32, #tpu.memory_space<hbm>>
      %dma_start3A_173 = arith.constant 0 : i32
      %dma_start3A_174 = tpu.memref_slice %arg13[%dma_start3A_173] : memref<2624xf32, #tpu.memory_space<vmem>> -> memref<656xf32, #tpu.memory_space<vmem>>
      tpu.enqueue_dma source(%dma_start3A_174 : memref<656xf32, #tpu.memory_space<vmem>>) target(%dma_start3A_172 : memref<656xf32, #tpu.memory_space<hbm>>) target_semaphore(%arg15 : memref<!tpu.dma_semaphore, #tpu.memory_space<semaphore_mem>>)
      %dma_start3A_175 = arith.constant 656 : i32
      %dma_start3A_176 = tpu.memref_slice %arg13[%dma_start3A_175] : memref<2624xf32, #tpu.memory_space<vmem>> -> memref<656xf32, #tpu.memory_space<vmem>>
      %dma_start3A_177 = tpu.memref_slice %arg5[%mul3A_2] : memref<20736xf32, #tpu.memory_space<hbm>> -> memref<656xf32, #tpu.memory_space<hbm>>
      %dma_start3A_178 = tpu.memref_slice %arg5[%mul3A_2] : memref<20736xf32, #tpu.memory_space<hbm>> -> memref<656xf32, #tpu.memory_space<hbm>>
      %dma_start3A_179 = arith.constant 656 : i32
      %dma_start3A_180 = tpu.memref_slice %arg13[%dma_start3A_179] : memref<2624xf32, #tpu.memory_space<vmem>> -> memref<656xf32, #tpu.memory_space<vmem>>
      tpu.enqueue_dma source(%dma_start3A_180 : memref<656xf32, #tpu.memory_space<vmem>>) target(%dma_start3A_178 : memref<656xf32, #tpu.memory_space<hbm>>) target_semaphore(%arg15 : memref<!tpu.dma_semaphore, #tpu.memory_space<semaphore_mem>>)
      %dma_start3A_181 = arith.constant 1312 : i32
      %dma_start3A_182 = tpu.memref_slice %arg13[%dma_start3A_181] : memref<2624xf32, #tpu.memory_space<vmem>> -> memref<656xf32, #tpu.memory_space<vmem>>
      %dma_start3A_183 = tpu.memref_slice %arg6[%mul3A_2] : memref<20736xf32, #tpu.memory_space<hbm>> -> memref<656xf32, #tpu.memory_space<hbm>>
      %dma_start3A_184 = tpu.memref_slice %arg6[%mul3A_2] : memref<20736xf32, #tpu.memory_space<hbm>> -> memref<656xf32, #tpu.memory_space<hbm>>
      %dma_start3A_185 = arith.constant 1312 : i32
      %dma_start3A_186 = tpu.memref_slice %arg13[%dma_start3A_185] : memref<2624xf32, #tpu.memory_space<vmem>> -> memref<656xf32, #tpu.memory_space<vmem>>
      tpu.enqueue_dma source(%dma_start3A_186 : memref<656xf32, #tpu.memory_space<vmem>>) target(%dma_start3A_184 : memref<656xf32, #tpu.memory_space<hbm>>) target_semaphore(%arg15 : memref<!tpu.dma_semaphore, #tpu.memory_space<semaphore_mem>>)
      %dma_start3A_187 = arith.constant 1968 : i32
      %dma_start3A_188 = tpu.memref_slice %arg13[%dma_start3A_187] : memref<2624xf32, #tpu.memory_space<vmem>> -> memref<656xf32, #tpu.memory_space<vmem>>
      %dma_start3A_189 = tpu.memref_slice %arg7[%mul3A_2] : memref<20736xf32, #tpu.memory_space<hbm>> -> memref<656xf32, #tpu.memory_space<hbm>>
      %dma_start3A_190 = tpu.memref_slice %arg7[%mul3A_2] : memref<20736xf32, #tpu.memory_space<hbm>> -> memref<656xf32, #tpu.memory_space<hbm>>
      %dma_start3A_191 = arith.constant 1968 : i32
      %dma_start3A_192 = tpu.memref_slice %arg13[%dma_start3A_191] : memref<2624xf32, #tpu.memory_space<vmem>> -> memref<656xf32, #tpu.memory_space<vmem>>
      tpu.enqueue_dma source(%dma_start3A_192 : memref<656xf32, #tpu.memory_space<vmem>>) target(%dma_start3A_190 : memref<656xf32, #tpu.memory_space<hbm>>) target_semaphore(%arg15 : memref<!tpu.dma_semaphore, #tpu.memory_space<semaphore_mem>>)
      %mul3A_193 = arith.constant 16 : i32
      %mul3A_194 = arith.muli %add3A, %mul3A_193 : i32
      %dma_start3A_195 = tpu.memref_slice %arg8[%mul3A_194] : memref<512xi32, #tpu.memory_space<hbm>> -> memref<16xi32, #tpu.memory_space<hbm>>
      %dma_start3A_196 = tpu.memref_slice %arg8[%mul3A_194] : memref<512xi32, #tpu.memory_space<hbm>> -> memref<16xi32, #tpu.memory_space<hbm>>
      tpu.enqueue_dma source(%arg14 : memref<16xi32, #tpu.memory_space<vmem>>) target(%dma_start3A_196 : memref<16xi32, #tpu.memory_space<hbm>>) target_semaphore(%arg15 : memref<!tpu.dma_semaphore, #tpu.memory_space<semaphore_mem>>)
      %dma_wait3A = tpu.memref_slice %arg3[%mul3A_2] : memref<20736xf32, #tpu.memory_space<hbm>> -> memref<656xf32, #tpu.memory_space<hbm>>
      %dma_wait3A_197 = tpu.memref_slice %arg3[%mul3A_2] : memref<20736xf32, #tpu.memory_space<hbm>> -> memref<656xf32, #tpu.memory_space<hbm>>
      tpu.wait_dma2 semaphore(%arg15 : memref<!tpu.dma_semaphore, #tpu.memory_space<semaphore_mem>>) src(%arg12 : memref<656xf32, #tpu.memory_space<vmem>>) dst(%dma_wait3A_197 : memref<656xf32, #tpu.memory_space<hbm>>)
      %dma_wait3A_198 = arith.constant 0 : i32
      %dma_wait3A_199 = tpu.memref_slice %arg13[%dma_wait3A_198] : memref<2624xf32, #tpu.memory_space<vmem>> -> memref<656xf32, #tpu.memory_space<vmem>>
      %dma_wait3A_200 = tpu.memref_slice %arg4[%mul3A_2] : memref<20736xf32, #tpu.memory_space<hbm>> -> memref<656xf32, #tpu.memory_space<hbm>>
      %dma_wait3A_201 = tpu.memref_slice %arg4[%mul3A_2] : memref<20736xf32, #tpu.memory_space<hbm>> -> memref<656xf32, #tpu.memory_space<hbm>>
      %dma_wait3A_202 = arith.constant 0 : i32
      %dma_wait3A_203 = tpu.memref_slice %arg13[%dma_wait3A_202] : memref<2624xf32, #tpu.memory_space<vmem>> -> memref<656xf32, #tpu.memory_space<vmem>>
      tpu.wait_dma2 semaphore(%arg15 : memref<!tpu.dma_semaphore, #tpu.memory_space<semaphore_mem>>) src(%dma_wait3A_203 : memref<656xf32, #tpu.memory_space<vmem>>) dst(%dma_wait3A_201 : memref<656xf32, #tpu.memory_space<hbm>>)
      %dma_wait3A_204 = arith.constant 656 : i32
      %dma_wait3A_205 = tpu.memref_slice %arg13[%dma_wait3A_204] : memref<2624xf32, #tpu.memory_space<vmem>> -> memref<656xf32, #tpu.memory_space<vmem>>
      %dma_wait3A_206 = tpu.memref_slice %arg5[%mul3A_2] : memref<20736xf32, #tpu.memory_space<hbm>> -> memref<656xf32, #tpu.memory_space<hbm>>
      %dma_wait3A_207 = tpu.memref_slice %arg5[%mul3A_2] : memref<20736xf32, #tpu.memory_space<hbm>> -> memref<656xf32, #tpu.memory_space<hbm>>
      %dma_wait3A_208 = arith.constant 656 : i32
      %dma_wait3A_209 = tpu.memref_slice %arg13[%dma_wait3A_208] : memref<2624xf32, #tpu.memory_space<vmem>> -> memref<656xf32, #tpu.memory_space<vmem>>
      tpu.wait_dma2 semaphore(%arg15 : memref<!tpu.dma_semaphore, #tpu.memory_space<semaphore_mem>>) src(%dma_wait3A_209 : memref<656xf32, #tpu.memory_space<vmem>>) dst(%dma_wait3A_207 : memref<656xf32, #tpu.memory_space<hbm>>)
      %dma_wait3A_210 = arith.constant 1312 : i32
      %dma_wait3A_211 = tpu.memref_slice %arg13[%dma_wait3A_210] : memref<2624xf32, #tpu.memory_space<vmem>> -> memref<656xf32, #tpu.memory_space<vmem>>
      %dma_wait3A_212 = tpu.memref_slice %arg6[%mul3A_2] : memref<20736xf32, #tpu.memory_space<hbm>> -> memref<656xf32, #tpu.memory_space<hbm>>
      %dma_wait3A_213 = tpu.memref_slice %arg6[%mul3A_2] : memref<20736xf32, #tpu.memory_space<hbm>> -> memref<656xf32, #tpu.memory_space<hbm>>
      %dma_wait3A_214 = arith.constant 1312 : i32
      %dma_wait3A_215 = tpu.memref_slice %arg13[%dma_wait3A_214] : memref<2624xf32, #tpu.memory_space<vmem>> -> memref<656xf32, #tpu.memory_space<vmem>>
      tpu.wait_dma2 semaphore(%arg15 : memref<!tpu.dma_semaphore, #tpu.memory_space<semaphore_mem>>) src(%dma_wait3A_215 : memref<656xf32, #tpu.memory_space<vmem>>) dst(%dma_wait3A_213 : memref<656xf32, #tpu.memory_space<hbm>>)
      %dma_wait3A_216 = arith.constant 1968 : i32
      %dma_wait3A_217 = tpu.memref_slice %arg13[%dma_wait3A_216] : memref<2624xf32, #tpu.memory_space<vmem>> -> memref<656xf32, #tpu.memory_space<vmem>>
      %dma_wait3A_218 = tpu.memref_slice %arg7[%mul3A_2] : memref<20736xf32, #tpu.memory_space<hbm>> -> memref<656xf32, #tpu.memory_space<hbm>>
      %dma_wait3A_219 = tpu.memref_slice %arg7[%mul3A_2] : memref<20736xf32, #tpu.memory_space<hbm>> -> memref<656xf32, #tpu.memory_space<hbm>>
      %dma_wait3A_220 = arith.constant 1968 : i32
      %dma_wait3A_221 = tpu.memref_slice %arg13[%dma_wait3A_220] : memref<2624xf32, #tpu.memory_space<vmem>> -> memref<656xf32, #tpu.memory_space<vmem>>
      tpu.wait_dma2 semaphore(%arg15 : memref<!tpu.dma_semaphore, #tpu.memory_space<semaphore_mem>>) src(%dma_wait3A_221 : memref<656xf32, #tpu.memory_space<vmem>>) dst(%dma_wait3A_219 : memref<656xf32, #tpu.memory_space<hbm>>)
      %dma_wait3A_222 = tpu.memref_slice %arg8[%mul3A_194] : memref<512xi32, #tpu.memory_space<hbm>> -> memref<16xi32, #tpu.memory_space<hbm>>
      %dma_wait3A_223 = tpu.memref_slice %arg8[%mul3A_194] : memref<512xi32, #tpu.memory_space<hbm>> -> memref<16xi32, #tpu.memory_space<hbm>>
      tpu.wait_dma2 semaphore(%arg15 : memref<!tpu.dma_semaphore, #tpu.memory_space<semaphore_mem>>) src(%arg14 : memref<16xi32, #tpu.memory_space<vmem>>) dst(%dma_wait3A_223 : memref<16xi32, #tpu.memory_space<hbm>>)
    } else {
    }
    %eq3A_163 = arith.constant 31 : i32
    %eq3A_164 = arith.cmpi eq, %add3A, %eq3A_163 : i32
    %convert_element_type3A_165 = arith.extui %eq3A_164 : i1 to i32
    %cond3A_166 = arith.constant 0 : i32
    %cond3A_167 = arith.cmpi ne, %convert_element_type3A_165, %cond3A_166 : i32
    scf.if %cond3A_167 {
      %dma_start3A = arith.constant 0 : i32
      %dma_start3A_168 = tpu.memref_slice %arg12[%dma_start3A] : memref<656xf32, #tpu.memory_space<vmem>> -> memref<400xf32, #tpu.memory_space<vmem>>
      %dma_start3A_169 = tpu.memref_slice %arg3[%mul3A_2] : memref<20736xf32, #tpu.memory_space<hbm>> -> memref<400xf32, #tpu.memory_space<hbm>>
      %dma_start3A_170 = tpu.memref_slice %arg3[%mul3A_2] : memref<20736xf32, #tpu.memory_space<hbm>> -> memref<400xf32, #tpu.memory_space<hbm>>
      %dma_start3A_171 = arith.constant 0 : i32
      %dma_start3A_172 = tpu.memref_slice %arg12[%dma_start3A_171] : memref<656xf32, #tpu.memory_space<vmem>> -> memref<400xf32, #tpu.memory_space<vmem>>
      tpu.enqueue_dma source(%dma_start3A_172 : memref<400xf32, #tpu.memory_space<vmem>>) target(%dma_start3A_170 : memref<400xf32, #tpu.memory_space<hbm>>) target_semaphore(%arg15 : memref<!tpu.dma_semaphore, #tpu.memory_space<semaphore_mem>>)
      %dma_start3A_173 = arith.constant 0 : i32
      %dma_start3A_174 = tpu.memref_slice %arg13[%dma_start3A_173] : memref<2624xf32, #tpu.memory_space<vmem>> -> memref<400xf32, #tpu.memory_space<vmem>>
      %dma_start3A_175 = tpu.memref_slice %arg4[%mul3A_2] : memref<20736xf32, #tpu.memory_space<hbm>> -> memref<400xf32, #tpu.memory_space<hbm>>
      %dma_start3A_176 = tpu.memref_slice %arg4[%mul3A_2] : memref<20736xf32, #tpu.memory_space<hbm>> -> memref<400xf32, #tpu.memory_space<hbm>>
      %dma_start3A_177 = arith.constant 0 : i32
      %dma_start3A_178 = tpu.memref_slice %arg13[%dma_start3A_177] : memref<2624xf32, #tpu.memory_space<vmem>> -> memref<400xf32, #tpu.memory_space<vmem>>
      tpu.enqueue_dma source(%dma_start3A_178 : memref<400xf32, #tpu.memory_space<vmem>>) target(%dma_start3A_176 : memref<400xf32, #tpu.memory_space<hbm>>) target_semaphore(%arg15 : memref<!tpu.dma_semaphore, #tpu.memory_space<semaphore_mem>>)
      %dma_start3A_179 = arith.constant 656 : i32
      %dma_start3A_180 = tpu.memref_slice %arg13[%dma_start3A_179] : memref<2624xf32, #tpu.memory_space<vmem>> -> memref<400xf32, #tpu.memory_space<vmem>>
      %dma_start3A_181 = tpu.memref_slice %arg5[%mul3A_2] : memref<20736xf32, #tpu.memory_space<hbm>> -> memref<400xf32, #tpu.memory_space<hbm>>
      %dma_start3A_182 = tpu.memref_slice %arg5[%mul3A_2] : memref<20736xf32, #tpu.memory_space<hbm>> -> memref<400xf32, #tpu.memory_space<hbm>>
      %dma_start3A_183 = arith.constant 656 : i32
      %dma_start3A_184 = tpu.memref_slice %arg13[%dma_start3A_183] : memref<2624xf32, #tpu.memory_space<vmem>> -> memref<400xf32, #tpu.memory_space<vmem>>
      tpu.enqueue_dma source(%dma_start3A_184 : memref<400xf32, #tpu.memory_space<vmem>>) target(%dma_start3A_182 : memref<400xf32, #tpu.memory_space<hbm>>) target_semaphore(%arg15 : memref<!tpu.dma_semaphore, #tpu.memory_space<semaphore_mem>>)
      %dma_start3A_185 = arith.constant 1312 : i32
      %dma_start3A_186 = tpu.memref_slice %arg13[%dma_start3A_185] : memref<2624xf32, #tpu.memory_space<vmem>> -> memref<400xf32, #tpu.memory_space<vmem>>
      %dma_start3A_187 = tpu.memref_slice %arg6[%mul3A_2] : memref<20736xf32, #tpu.memory_space<hbm>> -> memref<400xf32, #tpu.memory_space<hbm>>
      %dma_start3A_188 = tpu.memref_slice %arg6[%mul3A_2] : memref<20736xf32, #tpu.memory_space<hbm>> -> memref<400xf32, #tpu.memory_space<hbm>>
      %dma_start3A_189 = arith.constant 1312 : i32
      %dma_start3A_190 = tpu.memref_slice %arg13[%dma_start3A_189] : memref<2624xf32, #tpu.memory_space<vmem>> -> memref<400xf32, #tpu.memory_space<vmem>>
      tpu.enqueue_dma source(%dma_start3A_190 : memref<400xf32, #tpu.memory_space<vmem>>) target(%dma_start3A_188 : memref<400xf32, #tpu.memory_space<hbm>>) target_semaphore(%arg15 : memref<!tpu.dma_semaphore, #tpu.memory_space<semaphore_mem>>)
      %dma_start3A_191 = arith.constant 1968 : i32
      %dma_start3A_192 = tpu.memref_slice %arg13[%dma_start3A_191] : memref<2624xf32, #tpu.memory_space<vmem>> -> memref<400xf32, #tpu.memory_space<vmem>>
      %dma_start3A_193 = tpu.memref_slice %arg7[%mul3A_2] : memref<20736xf32, #tpu.memory_space<hbm>> -> memref<400xf32, #tpu.memory_space<hbm>>
      %dma_start3A_194 = tpu.memref_slice %arg7[%mul3A_2] : memref<20736xf32, #tpu.memory_space<hbm>> -> memref<400xf32, #tpu.memory_space<hbm>>
      %dma_start3A_195 = arith.constant 1968 : i32
      %dma_start3A_196 = tpu.memref_slice %arg13[%dma_start3A_195] : memref<2624xf32, #tpu.memory_space<vmem>> -> memref<400xf32, #tpu.memory_space<vmem>>
      tpu.enqueue_dma source(%dma_start3A_196 : memref<400xf32, #tpu.memory_space<vmem>>) target(%dma_start3A_194 : memref<400xf32, #tpu.memory_space<hbm>>) target_semaphore(%arg15 : memref<!tpu.dma_semaphore, #tpu.memory_space<semaphore_mem>>)
      %mul3A_197 = arith.constant 16 : i32
      %mul3A_198 = arith.muli %add3A, %mul3A_197 : i32
      %dma_start3A_199 = tpu.memref_slice %arg8[%mul3A_198] : memref<512xi32, #tpu.memory_space<hbm>> -> memref<16xi32, #tpu.memory_space<hbm>>
      %dma_start3A_200 = tpu.memref_slice %arg8[%mul3A_198] : memref<512xi32, #tpu.memory_space<hbm>> -> memref<16xi32, #tpu.memory_space<hbm>>
      tpu.enqueue_dma source(%arg14 : memref<16xi32, #tpu.memory_space<vmem>>) target(%dma_start3A_200 : memref<16xi32, #tpu.memory_space<hbm>>) target_semaphore(%arg15 : memref<!tpu.dma_semaphore, #tpu.memory_space<semaphore_mem>>)
      %dma_wait3A = arith.constant 0 : i32
      %dma_wait3A_201 = tpu.memref_slice %arg12[%dma_wait3A] : memref<656xf32, #tpu.memory_space<vmem>> -> memref<400xf32, #tpu.memory_space<vmem>>
      %dma_wait3A_202 = tpu.memref_slice %arg3[%mul3A_2] : memref<20736xf32, #tpu.memory_space<hbm>> -> memref<400xf32, #tpu.memory_space<hbm>>
      %dma_wait3A_203 = tpu.memref_slice %arg3[%mul3A_2] : memref<20736xf32, #tpu.memory_space<hbm>> -> memref<400xf32, #tpu.memory_space<hbm>>
      %dma_wait3A_204 = arith.constant 0 : i32
      %dma_wait3A_205 = tpu.memref_slice %arg12[%dma_wait3A_204] : memref<656xf32, #tpu.memory_space<vmem>> -> memref<400xf32, #tpu.memory_space<vmem>>
      tpu.wait_dma2 semaphore(%arg15 : memref<!tpu.dma_semaphore, #tpu.memory_space<semaphore_mem>>) src(%dma_wait3A_205 : memref<400xf32, #tpu.memory_space<vmem>>) dst(%dma_wait3A_203 : memref<400xf32, #tpu.memory_space<hbm>>)
      %dma_wait3A_206 = arith.constant 0 : i32
      %dma_wait3A_207 = tpu.memref_slice %arg13[%dma_wait3A_206] : memref<2624xf32, #tpu.memory_space<vmem>> -> memref<400xf32, #tpu.memory_space<vmem>>
      %dma_wait3A_208 = tpu.memref_slice %arg4[%mul3A_2] : memref<20736xf32, #tpu.memory_space<hbm>> -> memref<400xf32, #tpu.memory_space<hbm>>
      %dma_wait3A_209 = tpu.memref_slice %arg4[%mul3A_2] : memref<20736xf32, #tpu.memory_space<hbm>> -> memref<400xf32, #tpu.memory_space<hbm>>
      %dma_wait3A_210 = arith.constant 0 : i32
      %dma_wait3A_211 = tpu.memref_slice %arg13[%dma_wait3A_210] : memref<2624xf32, #tpu.memory_space<vmem>> -> memref<400xf32, #tpu.memory_space<vmem>>
      tpu.wait_dma2 semaphore(%arg15 : memref<!tpu.dma_semaphore, #tpu.memory_space<semaphore_mem>>) src(%dma_wait3A_211 : memref<400xf32, #tpu.memory_space<vmem>>) dst(%dma_wait3A_209 : memref<400xf32, #tpu.memory_space<hbm>>)
      %dma_wait3A_212 = arith.constant 656 : i32
      %dma_wait3A_213 = tpu.memref_slice %arg13[%dma_wait3A_212] : memref<2624xf32, #tpu.memory_space<vmem>> -> memref<400xf32, #tpu.memory_space<vmem>>
      %dma_wait3A_214 = tpu.memref_slice %arg5[%mul3A_2] : memref<20736xf32, #tpu.memory_space<hbm>> -> memref<400xf32, #tpu.memory_space<hbm>>
      %dma_wait3A_215 = tpu.memref_slice %arg5[%mul3A_2] : memref<20736xf32, #tpu.memory_space<hbm>> -> memref<400xf32, #tpu.memory_space<hbm>>
      %dma_wait3A_216 = arith.constant 656 : i32
      %dma_wait3A_217 = tpu.memref_slice %arg13[%dma_wait3A_216] : memref<2624xf32, #tpu.memory_space<vmem>> -> memref<400xf32, #tpu.memory_space<vmem>>
      tpu.wait_dma2 semaphore(%arg15 : memref<!tpu.dma_semaphore, #tpu.memory_space<semaphore_mem>>) src(%dma_wait3A_217 : memref<400xf32, #tpu.memory_space<vmem>>) dst(%dma_wait3A_215 : memref<400xf32, #tpu.memory_space<hbm>>)
      %dma_wait3A_218 = arith.constant 1312 : i32
      %dma_wait3A_219 = tpu.memref_slice %arg13[%dma_wait3A_218] : memref<2624xf32, #tpu.memory_space<vmem>> -> memref<400xf32, #tpu.memory_space<vmem>>
      %dma_wait3A_220 = tpu.memref_slice %arg6[%mul3A_2] : memref<20736xf32, #tpu.memory_space<hbm>> -> memref<400xf32, #tpu.memory_space<hbm>>
      %dma_wait3A_221 = tpu.memref_slice %arg6[%mul3A_2] : memref<20736xf32, #tpu.memory_space<hbm>> -> memref<400xf32, #tpu.memory_space<hbm>>
      %dma_wait3A_222 = arith.constant 1312 : i32
      %dma_wait3A_223 = tpu.memref_slice %arg13[%dma_wait3A_222] : memref<2624xf32, #tpu.memory_space<vmem>> -> memref<400xf32, #tpu.memory_space<vmem>>
      tpu.wait_dma2 semaphore(%arg15 : memref<!tpu.dma_semaphore, #tpu.memory_space<semaphore_mem>>) src(%dma_wait3A_223 : memref<400xf32, #tpu.memory_space<vmem>>) dst(%dma_wait3A_221 : memref<400xf32, #tpu.memory_space<hbm>>)
      %dma_wait3A_224 = arith.constant 1968 : i32
      %dma_wait3A_225 = tpu.memref_slice %arg13[%dma_wait3A_224] : memref<2624xf32, #tpu.memory_space<vmem>> -> memref<400xf32, #tpu.memory_space<vmem>>
      %dma_wait3A_226 = tpu.memref_slice %arg7[%mul3A_2] : memref<20736xf32, #tpu.memory_space<hbm>> -> memref<400xf32, #tpu.memory_space<hbm>>
      %dma_wait3A_227 = tpu.memref_slice %arg7[%mul3A_2] : memref<20736xf32, #tpu.memory_space<hbm>> -> memref<400xf32, #tpu.memory_space<hbm>>
      %dma_wait3A_228 = arith.constant 1968 : i32
      %dma_wait3A_229 = tpu.memref_slice %arg13[%dma_wait3A_228] : memref<2624xf32, #tpu.memory_space<vmem>> -> memref<400xf32, #tpu.memory_space<vmem>>
      tpu.wait_dma2 semaphore(%arg15 : memref<!tpu.dma_semaphore, #tpu.memory_space<semaphore_mem>>) src(%dma_wait3A_229 : memref<400xf32, #tpu.memory_space<vmem>>) dst(%dma_wait3A_227 : memref<400xf32, #tpu.memory_space<hbm>>)
      %dma_wait3A_230 = tpu.memref_slice %arg8[%mul3A_198] : memref<512xi32, #tpu.memory_space<hbm>> -> memref<16xi32, #tpu.memory_space<hbm>>
      %dma_wait3A_231 = tpu.memref_slice %arg8[%mul3A_198] : memref<512xi32, #tpu.memory_space<hbm>> -> memref<16xi32, #tpu.memory_space<hbm>>
      tpu.wait_dma2 semaphore(%arg15 : memref<!tpu.dma_semaphore, #tpu.memory_space<semaphore_mem>>) src(%arg14 : memref<16xi32, #tpu.memory_space<vmem>>) dst(%dma_wait3A_231 : memref<16xi32, #tpu.memory_space<hbm>>)
    } else {
    }
    return
  }
}

module attributes {stable_mosaic.version = 14 : i64} {
  func.func @_combine_tc(%arg0: memref<162x128xf32, #tpu.memory_space<vmem>>, %arg1: memref<4x128xi32, #tpu.memory_space<vmem>>, %arg2: memref<128x128xf32, #tpu.memory_space<vmem>>, %arg3: memref<162x162xf32, #tpu.memory_space<vmem>>, %arg4: memref<162x128xf32, #tpu.memory_space<vmem>>) attributes {dimension_semantics = [], scalar_prefetch = 0 : i64, scratch_operands = 0 : i64, tpu.core_type = #tpu.core_type<tc>} {
    %get3A = arith.constant 0 : index
    %get3A_0 = arith.constant 0 : index
    %get3A_1 = vector.load %arg0[%get3A, %get3A_0] : memref<162x128xf32, #tpu.memory_space<vmem>>, vector<162x128xf32>
    %eq3A = arith.constant 0.000000e+00 : f32
    %eq3A_2 = vector.broadcast %eq3A : f32 to vector<162x128xf32>
    %eq3A_3 = arith.cmpf oeq, %get3A_1, %eq3A_2 : vector<162x128xf32>
    %convert_element_type3A = arith.extui %eq3A_3 : vector<162x128xi1> to vector<162x128xi32>
    %convert_element_type3A_4 = arith.sitofp %convert_element_type3A : vector<162x128xi32> to vector<162x128xf32>
    %get3A_5 = arith.constant 0 : index
    %get3A_6 = arith.constant 0 : index
    %get3A_7 = vector.load %arg2[%get3A_5, %get3A_6] : memref<128x128xf32, #tpu.memory_space<vmem>>, vector<128x128xf32>
    %dot_general3A = arith.constant dense<0.000000e+00> : vector<162x128xf32>
    %dot_general3A_8 = tpu.matmul %convert_element_type3A_4, %get3A_7, %dot_general3A {dimension_numbers = #tpu.dot_dimension_numbers<[1], [0], [0], [1], [0, 0, 1, 1], [], []>, transpose_lhs_hint = false} : vector<162x128xf32>, vector<128x128xf32>, vector<162x128xf32> -> vector<162x128xf32>
    %slice3A = vector.extract_strided_slice %dot_general3A_8 {offsets = [0, 127], sizes = [162, 1], strides = [1, 1]} : vector<162x128xf32> to vector<162x1xf32>
    %get3A_9 = arith.constant 0 : index
    %get3A_10 = arith.constant 0 : index
    %get3A_11 = vector.load %arg3[%get3A_9, %get3A_10] : memref<162x162xf32, #tpu.memory_space<vmem>>, vector<162x162xf32>
    %dot_general3A_12 = arith.constant dense<0.000000e+00> : vector<162x1xf32>
    %dot_general3A_13 = tpu.matmul %get3A_11, %slice3A, %dot_general3A_12 {dimension_numbers = #tpu.dot_dimension_numbers<[1], [0], [0], [1], [0, 0, 1, 1], [], []>, transpose_lhs_hint = false} : vector<162x162xf32>, vector<162x1xf32>, vector<162x1xf32> -> vector<162x1xf32>
    %add3A = vector.broadcast %dot_general3A_13 : vector<162x1xf32> to vector<162x128xf32>
    %add3A_14 = arith.addf %dot_general3A_8, %add3A : vector<162x128xf32>
    %reduce_sum3A = vector.shape_cast %convert_element_type3A_4 : vector<162x128xf32> to vector<1x162x128xf32>
    %reduce_sum3A_15 = arith.constant dense<0.000000e+00> : vector<1xf32>
    %reduce_sum3A_16 = vector.multi_reduction <add>, %reduce_sum3A, %reduce_sum3A_15 [1, 2] : vector<1x162x128xf32> to vector<1xf32>
    %reduce_sum3A_17 = vector.shape_cast %reduce_sum3A_16 : vector<1xf32> to vector<1x1x1xf32>
    %reduce_sum3A_18 = vector.extract %reduce_sum3A_17[0, 0, 0] : f32 from vector<1x1x1xf32>
    %get3A_19 = arith.constant 0 : index
    %get3A_20 = arith.constant 0 : index
    %get3A_21 = vector.load %arg1[%get3A_19, %get3A_20] : memref<4x128xi32, #tpu.memory_space<vmem>>, vector<4x128xi32>
    %iota3A = tpu.iota {dimensions = array<i32: 1>} : vector<4x128xi32>
    %jit3A = arith.constant 16 : i32
    %eq3A_22 = arith.constant 0 : i32
    %eq3A_23 = arith.cmpi eq, %jit3A, %eq3A_22 : i32
    %jit3A_24 = arith.constant 1 : i32
    %select_n3A = arith.select %eq3A_23, %jit3A_24, %jit3A : i32
    %rem3A = vector.broadcast %select_n3A : i32 to vector<4x128xi32>
    %rem3A_25 = arith.remsi %iota3A, %rem3A : vector<4x128xi32>
    %ne3A = arith.constant 0 : i32
    %ne3A_26 = vector.broadcast %ne3A : i32 to vector<4x128xi32>
    %ne3A_27 = arith.cmpi ne, %rem3A_25, %ne3A_26 : vector<4x128xi32>
    %lt3A = arith.constant 0 : i32
    %lt3A_28 = vector.broadcast %lt3A : i32 to vector<4x128xi32>
    %lt3A_29 = arith.cmpi slt, %rem3A_25, %lt3A_28 : vector<4x128xi32>
    %lt3A_30 = arith.constant 0 : i32
    %lt3A_31 = arith.cmpi slt, %select_n3A, %lt3A_30 : i32
    %ne3A_32 = vector.broadcast %lt3A_31 : i1 to vector<4x128xi1>
    %ne3A_33 = vector.broadcast %ne3A_32 : vector<4x128xi1> to vector<4x128xi1>
    %ne3A_34 = arith.xori %lt3A_29, %ne3A_33 : vector<4x128xi1>
    %and3A = arith.andi %ne3A_34, %ne3A_27 : vector<4x128xi1>
    %add3A_35 = vector.broadcast %select_n3A : i32 to vector<4x128xi32>
    %add3A_36 = arith.addi %rem3A_25, %add3A_35 : vector<4x128xi32>
    %select_n3A_37 = arith.select %and3A, %add3A_36, %rem3A_25 : vector<4x128xi1>, vector<4x128xi32>
    %eq3A_38 = arith.constant 1 : i32
    %eq3A_39 = vector.broadcast %eq3A_38 : i32 to vector<4x128xi32>
    %eq3A_40 = arith.cmpi eq, %select_n3A_37, %eq3A_39 : vector<4x128xi32>
    %jit3A_41 = arith.constant 0 : i32
    %broadcast_in_dim3A = vector.broadcast %jit3A_41 : i32 to vector<4x128xi32>
    %select_n3A_42 = arith.select %eq3A_40, %get3A_21, %broadcast_in_dim3A : vector<4x128xi1>, vector<4x128xi32>
    %reduce_sum3A_43 = vector.shape_cast %select_n3A_42 : vector<4x128xi32> to vector<1x4x128xi32>
    %reduce_sum3A_44 = arith.constant dense<0> : vector<1xi32>
    %reduce_sum3A_45 = vector.multi_reduction <add>, %reduce_sum3A_43, %reduce_sum3A_44 [1, 2] : vector<1x4x128xi32> to vector<1xi32>
    %reduce_sum3A_46 = vector.shape_cast %reduce_sum3A_45 : vector<1xi32> to vector<1x1x1xi32>
    %reduce_sum3A_47 = vector.extract %reduce_sum3A_46[0, 0, 0] : i32 from vector<1x1x1xi32>
    %convert_element_type3A_48 = arith.sitofp %reduce_sum3A_47 : i32 to f32
    %mul3A = arith.constant 3.000000e+00 : f32
    %mul3A_49 = arith.mulf %mul3A, %convert_element_type3A_48 : f32
    %max3A = arith.constant 1.000000e+00 : f32
    %max3A_50 = arith.maximumf %mul3A_49, %max3A : f32
    %gt3A = arith.constant 0.000000e+00 : f32
    %gt3A_51 = vector.broadcast %gt3A : f32 to vector<162x128xf32>
    %gt3A_52 = arith.cmpf ogt, %convert_element_type3A_4, %gt3A_51 : vector<162x128xf32>
    %sub3A = arith.subf %reduce_sum3A_18, %max3A_50 : f32
    %le3A = vector.broadcast %sub3A : f32 to vector<162x128xf32>
    %le3A_53 = arith.cmpf ole, %add3A_14, %le3A : vector<162x128xf32>
    %and3A_54 = arith.andi %gt3A_52, %le3A_53 : vector<162x128xi1>
    %gt3A_55 = arith.cmpf ogt, %reduce_sum3A_18, %max3A_50 : f32
    %and3A_56 = vector.broadcast %gt3A_55 : i1 to vector<162x128xi1>
    %and3A_57 = arith.andi %and3A_54, %and3A_56 : vector<162x128xi1>
    %jit3A_58 = arith.constant -1.000000e+00 : f32
    %broadcast_in_dim3A_59 = vector.broadcast %jit3A_58 : f32 to vector<162x128xf32>
    %select_n3A_60 = arith.select %and3A_57, %broadcast_in_dim3A_59, %get3A_1 : vector<162x128xi1>, vector<162x128xf32>
    %swap3A = arith.constant 0 : index
    %swap3A_61 = arith.constant 0 : index
    %swap3A_62 = vector.load %arg4[%swap3A, %swap3A_61] : memref<162x128xf32, #tpu.memory_space<vmem>>, vector<162x128xf32>
    tpu.vector_store %arg4[%swap3A, %swap3A_61], %select_n3A_60 {strides = array<i32>} : memref<162x128xf32, #tpu.memory_space<vmem>>, vector<162x128xf32>,
    return
  }
}

</mosaic_0001>

<sc_bundles>
// kernel: kernel.4.cloned.1.call-start
scs
__scs_entry_jumppad:
0x0: {  	(pc) =	sbr.rel $0x88, $3  }
0x1: {  	(tag) =	ssettag $0x0;
	lr =	simm.s32 $0x1  }
0x2: {  	[smem:$0x3FA0] =	sst lr;
	_ =	strace $0xD0000000  }
0x3: {  	_ = 	snop  }
0x4: {  	_ = 	snop  }
0x5: {  	_ = 	snop  }
0x6: {  	_ = 	snop  }
0x7: {  	_ = 	snop  }
__scs_overlays_trampoline_lowered:
0x8: {  	[smem:$0x3FAF] =	sst s0  }
0x9: {  	[smem:$0x3FB0] =	sst s1  }
0xa: {  	[smem:$0x3FB1] =	sst s2  }
0xb: {  	[smem:$0x3FB2] =	sst s3  }
0xc: {  	[smem:$0x3FB3] =	sst s4  }
0xd: {  	[smem:$0x3FB4] =	sst s5  }
0xe: {  	[smem:$0x3FB5] =	sst s6  }
0xf: {  	[smem:$0x3FB6] =	sst s7  }
0x10: {  	[smem:$0x3FB7] =	sst s8  }
0x11: {  	[smem:$0x3FB8] =	sst s9;
	s0 =	simm.s32 @!p0 $0x0  }
0x12: {  	s1 =	sld [smem:$0x3F9E];
	s0 =	simm.s32 @p0 $0x1  }
0x13: {  	[smem:$0x3FB9] =	sst s0;
	s0 =	simm.s32 @!p1 $0x0  }
0x14: {  	s2 =	sld [smem:$0x3F9D];
	s0 =	simm.s32 @p1 $0x1  }
0x15: {  	[smem:$0x3FBA] =	sst s0;
	s0 =	simm.s32 @!p2 $0x0  }
0x16: {  	s3 =	sld [smem:$0x3FDB];
	s0 =	simm.s32 @p2 $0x1  }
0x17: {  	s4 =	simm.s32 $0x1BF5;
	[smem:$0x3FBC] =	sst s0  }
0x18: {  	s0 =	sld [smem:$0x3F9F];
	_ =	swait.ge [sflag:s4], $0x0  }
0x19: {  	s7 =	sld [smem:$0x3FA0]  }
0x1a: {  	s8 =	sadd.s32 $0xFFFFE003, lr  }
0x1b: {  	s9 =	sadd.s32 $0xFFFFFEF7, lr;
	s5 =	simm.s32 $0xFFFFFFFF;
	p2 =	slt.u32 s8, $0xFFFFF086  }
0x1c: {  	p1 =	slt.u32 s9, $0xF7A;
	s5 =	simm.s32 @!p2 $0x0  }
0x1d: {  	s5 =	simm.s32 @p1 $0x1;
	p0 =	seq.s32 s7, s2  }
0x1e: {  	s7 =	smul.u32 @!p0 $0xF7A, s2;
	p2 =	seq.s32 @!p0 s5, $0x0  }
0x1f: {  	s9 =	smul.u32 $0xF7A, s1;
	s8 =	simm.s32 @!p0 $0x1BF5;
	p2 =	por !p2, p0  }
0x20: {  	[sflag:s8] =	ssyncset.s32 @!p0 $0xFFFFF086;
	s6 =	sadd.s32 @!p0 s3, s7;
	s7 =	simm.s32 @!p0 $0x108  }
0x21: {  	s3 =	sadd.s32 s3, s9;
	s6 =	sadd.s32 @!p0 $0x88, s6;
	s7 =	simm.s32 @p2 $0x1082  }
0x22: {  	[simem:s7], [sflag:s8] =	dma.local @!p0 [hbm:s6], $0xF7A  }
0x23: {  	s9 =	sor.u32 $0xD0000000, s2;
	s6 =	simm.s32 $0x108;
	_ =	swait.ge @!p0 [sflag:s8], $0x0  }
0x24: {  	s3 =	sadd.s32 $0x88, s3;
	s6 =	simm.s32 @!p1 $0x1082;
	[sflag:s4] =	ssyncset.s32 $0xFFFFF086  }
0x25: {  	[simem:s6], [sflag:s4] =	dma.local [hbm:s3], $0xF7A  }
0x26: {  	[smem:$0x3FA0] =	sst s1;
	(tag) =	ssettag s2;
	_ =	strace s9  }
0x27: {  	s1 =	sld [smem:$0x3FB0]  }
0x28: {  	s2 =	sld [smem:$0x3FB1]  }
0x29: {  	s4 =	sld [smem:$0x3FB3]  }
0x2a: {  	p0 =	seq.s32 s5, $0x0;
	s5 =	sld [smem:$0x3FB4]  }
0x2b: {  	s6 =	sld [smem:$0x3FB5]  }
0x2c: {  	s7 =	sld [smem:$0x3FB6]  }
0x2d: {  	s3 =	simm.s32 $0x108;
	s8 =	sld [smem:$0x3FB7]  }
0x2e: {  	s3 =	simm.s32 @!p0 $0x1082;
	s9 =	sld [smem:$0x3FB8]  }
0x2f: {  	lr =	sadd.s32 s0, s3;
	s0 =	sld [smem:$0x3FAF]  }
0x30: {  	s3 =	sld [smem:$0x3FB2]  }
0x31: {  	[smem:$0x3FBB] =	sst s10  }
0x32: {  	s10 =	sld [smem:$0x3FB9];
	_ =	sdelay $0x3  }
0x33: {  	p0 =	seq.s32 s10, $0x1;
	s10 =	sld [smem:$0x3FBB];
	_ =	sdelay $0x3  }
0x34: {  	[smem:$0x3FBB] =	sst s10  }
0x35: {  	s10 =	sld [smem:$0x3FBA];
	_ =	sdelay $0x3  }
0x36: {  	p1 =	seq.s32 s10, $0x1;
	s10 =	sld [smem:$0x3FBB];
	_ =	sdelay $0x3  }
0x37: {  	[smem:$0x3FBB] =	sst s10  }
0x38: {  	s10 =	sld [smem:$0x3FBC]  }
0x39: {  	_ = 	snop;
	(pc) =	sbr.ind lr, $3  }
0x3a: {  	_ = 	snop  }
0x3b: {  	_ = 	snop  }
0x3c: {  	p2 =	seq.s32 s10, $0x1;
	s10 =	sld [smem:$0x3FBB]  }
0x3d: {  	_ =	shalt  }
0x3e: {  	_ =	shalt  }
0x3f: {  	_ =	shalt  }
0x40: {  	_ =	shalt  }
0x41: {  	_ =	shalt  }
0x42: {  	_ =	shalt  }
0x43: {  	_ =	shalt  }
0x44: {  	_ =	shalt  }
0x45: {  	_ =	shalt  }
0x46: {  	_ =	shalt  }
0x47: {  	_ =	shalt  }
0x48: {  	_ =	shalt  }
0x49: {  	_ =	shalt  }
0x4a: {  	_ =	shalt  }
0x4b: {  	_ =	shalt  }
0x4c: {  	_ =	shalt  }
0x4d: {  	_ =	shalt  }
0x4e: {  	_ =	shalt  }
0x4f: {  	_ =	shalt  }
0x50: {  	_ =	shalt  }
0x51: {  	_ =	shalt  }
0x52: {  	_ =	shalt  }
0x53: {  	_ =	shalt  }
0x54: {  	_ =	shalt  }
0x55: {  	_ =	shalt  }
0x56: {  	_ =	shalt  }
0x57: {  	_ =	shalt  }
0x58: {  	_ =	shalt  }
0x59: {  	_ =	shalt  }
0x5a: {  	_ =	shalt  }
0x5b: {  	_ =	shalt  }
0x5c: {  	_ =	shalt  }
0x5d: {  	_ =	shalt  }
0x5e: {  	_ =	shalt  }
0x5f: {  	_ =	shalt  }
0x60: {  	_ =	shalt  }
0x61: {  	_ =	shalt  }
0x62: {  	_ =	shalt  }
0x63: {  	_ =	shalt  }
0x64: {  	_ =	shalt  }
0x65: {  	_ =	shalt  }
0x66: {  	_ =	shalt  }
0x67: {  	_ =	shalt  }
0x68: {  	_ =	shalt  }
0x69: {  	_ =	shalt  }
0x6a: {  	_ =	shalt  }
0x6b: {  	_ =	shalt  }
0x6c: {  	_ =	shalt  }
0x6d: {  	_ =	shalt  }
0x6e: {  	_ =	shalt  }
0x6f: {  	_ =	shalt  }
0x70: {  	_ =	shalt  }
0x71: {  	_ =	shalt  }
0x72: {  	_ =	shalt  }
0x73: {  	_ =	shalt  }
0x74: {  	_ =	shalt  }
0x75: {  	_ =	shalt  }
0x76: {  	_ =	shalt  }
0x77: {  	_ =	shalt  }
0x78: {  	_ =	shalt  }
0x79: {  	_ =	shalt  }
0x7a: {  	_ =	shalt  }
0x7b: {  	_ =	shalt  }
0x7c: {  	_ =	shalt  }
0x7d: {  	_ =	shalt  }
0x7e: {  	_ =	shalt  }
0x7f: {  	_ =	shalt  }
0x80: {  	_ =	shalt  }
0x81: {  	_ =	shalt  }
0x82: {  	_ =	shalt  }
0x83: {  	_ =	shalt  }
0x84: {  	_ =	shalt  }
0x85: {  	_ =	shalt  }
0x86: {  	_ =	shalt  }
0x87: {  	_ =	shalt  }
.Lfunc_end0:
.L_simem_size_0:
called_computation_lowered:
.L_overlay_start_0:
0x88: {  	s2 =	sld [smem:$0x3FD9]  }
0x89: {  	s3 =	sld [smem:$0x3FFE];
	_ =	sdelay $0x1  }
0x8a: {  	s1 =	srdreg.scid  }
0x8b: {  	s0 =	sand.u32 $0x1, s1  }
0x8c: {  	s14 =	sshll.u32 s0, $0xA;
	s2 =	sadd.s32 s3, s2  }
0x8d: {  	s2 =	sadd.s32 s2, s14  }
0x8e: {  	[smem:$0x3FC7] =	sst s2  }
0x8f: {  	_ = 	snop  }
0x90: {  	s2 =	sld [smem:$0x3FD0];
	_ =	sdelay $0x2  }
0x91: {  	s15 =	simm.s32 $0xA;
	s4 =	simm.s32 $0x10  }
0x92: {  	[smem:s4], [sflag:s15] =	dma.local [hbm:s2], $0x1  }
0x93: {  	_ =	swait.eq [sflag:s15], $0x1  }
0x94: {  	[sflag:s15] =	ssyncset.done $0x0  }
0x95: {  	s16 =	sld [smem:$0x10];
	[sflag:s15] =	ssyncadd.s32 $0xFFFFFFFF  }
0x96: {  	s17 =	sld [smem:$0x11];
	(tm) =	ssettm $0x1  }
0x97: {  	s18 =	sld [smem:$0x3FFB];
	_ =	sdelay $0x3  }
0x98: {  	_ =	strace s18  }
0x99: {  	s4 =	sld [smem:$0x3FFC];
	_ =	sdelay $0x3  }
0x9a: {  	_ =	strace s4  }
0x9b: {  	s4 =	sld [smem:$0x3FFD];
	_ =	sdelay $0x3  }
0x9c: {  	_ =	strace s4  }
0x9d: {  	_ =	strace $0x8FFFFFFF  }
0x9e: {  	s19 =	sld [smem:$0x3FDB];
	_ =	sdelay $0x1  }
0x9f: {  	s5 =	simm.s32 $_scs_section_size  }
0xa0: {  	s6 =	simm.s32 $_size__tile_overlayer_lowered;
	s7 =	simm.s32 $_tile_overlayer_lowered  }
0xa1: {  	s22 =	simm.s32 $0x1BFF;
	s21 =	sshll.u32 s7, $0x1;
	s4 =	sadd.s32 s5, s19  }
0xa2: {  	s8 =	simm.s32 $0x0;
	s20 =	sshll.u32 s6, $0x1;
	s6 =	sadd.s32 s21, s4  }
0xa3: {  	[timem:s8], [sflag:s22] =	dma.local [hbm:s6], s20  }
0xa4: {  	_ =	swait.ge [sflag:s22], s20  }
0xa5: {  	s5 =	ssub.s32 $0x0, s20;
	[sflag:s22] =	ssyncset.done $0x0  }
0xa6: {  	[sflag:s22] =	ssyncadd.s32 s5;
	_ =	sdelay $0x1  }
0xa7: {  	s23 =	simm.s32 $0x1B8B  }
0xa8: {  	_ =	swait.ge [sflag:s23], $0x1  }
0xa9: {  	[sflag:s23] =	ssyncset.done $0x0  }
0xaa: {  	s25 =	simm.s32 $0x1B8E;
	s24 =	sld [smem:$0x3FFE];
	[sflag:s23] =	ssyncadd.s32 $0xFFFFFFFF  }
0xab: {  	s26 =	simm.s32 $execute0_lowered;
	[smem:$0x3FD2] =	sst s25  }
0xac: {  	s6 =	sshll.u32 s26, $0x1;
	_ =	strace $0x80000046;
	[dreg:$0x1] =	wrdreg $0xFFFFFFFF  }
0xad: {  	s28 =	simm.s32 $_size_execute0_lowered;
	s4 =	sadd.s32 s4, s6;
	[dreg:$0x0] =	wrdreg $0x0  }
0xae: {  	s6 =	sshll.u32 s28, $0x1;
	[dreg:$0x2] =	wrdreg s4  }
0xaf: {  	[dreg:$0x3] =	wrdreg s6  }
0xb0: {  	[dreg:$0x4] =	wrdreg $0xC0  }
0xb1: {  	_ =	task [dreg:s8], $0x5FFFF  }
0xb2: {  	[dreg:$0x1] =	wrdreg $0xFFFFFFFF  }
0xb3: {  	[dreg:$0x0] =	wrdreg $0x60  }
0xb4: {  	[dreg:$0x2] =	wrdreg s24  }
0xb5: {  	[dreg:$0x3] =	wrdreg s16  }
0xb6: {  	[dreg:$0x4] =	wrdreg s17  }
0xb7: {  	[dreg:$0x5] =	wrdreg $0x9  }
0xb8: {  	_ =	task.clear_ibuf [dreg:s8], $0x6FFFF;
	_ =	strace $0x90000046  }
0xb9: {  	s29 =	simm.s32 $0x9;
	_ =	strace $0x80000048  }
0xba: {  	_ =	swait.ge [sflag:s29], $0x1  }
0xbb: {  	[sflag:s29] =	ssyncadd.s32 $0xFFFFFFFF  }
0xbc: {  	_ =	strace $0x90000048  }
0xbd: {  	_ =	sfence  }
0xbe: {  	s30 =	sld [smem:$0x0];
	_ =	sdelay $0x2  }
0xbf: {  	s31 =	sshll.u32 s1, $0xD;
	s1 =	sshrl.u32 s1, $0x2  }
0xc0: {  	s3 =	sand.u32 $0x4000, s31;
	s1 =	sadd.s32 s1, s30  }
0xc1: {  	s0 =	sor.u32 s3, s0;
	s1 =	sshll.u32 s1, $0x11  }
0xc2: {  	s0 =	sor.u32 s1, s0  }
0xc3: {  	s0 =	sadd.s32 $0x8F2B, s0  }
0xc4: {  	[sflag:s0] =	ssyncadd.remote.s32 $0x1  }
0xc5: {  	_ =	sfence.sel $0xFFFF  }
0xc6: {  	[dreg:$0x0] =	wrdreg $0xFFFFFFFF;
	(pc) =	sbr.abs _section_cstart, $3  }
0xc7: {  	[dreg:$0x1] =	wrdreg $0xFFFFFFFF  }
0xc8: {  	_ =	task.clear_ibuf [dreg:s8], $0x2FFFF;
	_ =	strace $0x9FFFFFFF  }
0xc9: {  	(tm) =	ssettm $0x7FFFFFFF  }
tec
execute0_lowered:
.L_overlay_start_1:
0x0: {  	(tag) =	ssettag $0x1  }
0x1: {  	s15 =	rddreg [dreg:$0x0]  }
0x2: {  	s10 =	rddreg [dreg:$0x1];
	s1 =	srdreg.scid  }
0x3: {  	s0 =	stileid.u32;
	s11 =	rddreg [dreg:$0x2]  }
0x4: {  	s2 =	simm.s32 $0x0;
	s19 =	simm.s32 $0x80;
	s20 =	simm.s32 $0xA0  }
0x5: {  	s21 =	simm.s32 $0xC0;
	s22 =	simm.s32 $0xE0;
	s24 =	simm.s32 $0x0  }
0x6: {  	v55 =	vlaneseq.u32;
	s14 =	sand.u32 $0x1, s1;
	s3 =	sshll.u32 s0, $0x1;
	[smem:$0x7FF] =	sst s2  }
0x7: {  	s17 =	smul.u32 $0x520, s0;
	v0 =	vmul.u32 $0x4, v55;
	s12 =	sadd.s32 $0x21EE, s15;
	s13 =	sadd.s32 $0x2DEE, s15  }
0x8: {  	s23 =	sor.u32 s14, s3;
	_ =	strace $0x80000047;
	s3 =	sadd.s32 $0x1600, s15  }
0x9: {  	s5 =	ssub.s32 $0x2, s14;
	s18 =	smul.u32 $0x290, s14;
	s14 =	sadd.s32 $0x39EE, s15;
	v1 =	vor.u32 $0x40, v0;
	[tilespmem:$0x1FFE0] =	vst v0  }
0xa: {  	s4 =	smul.u32 $0x290, s23;
	s31 =	sshll.u32 s23, $0x1;
	s7 =	sshrl.u32 s5, $0x1;
	v59 =	vor.u32 $0x1, v0;
	[tilespmem:$0x1FF80] =	vst v1  }
0xb: {  	v60 =	vor.u32 $0x41, v0;
	p0 =	seq.s32 s23, $0x1F;
	s23 =	simm.s32 $0x1;
	s9 =	sadd.s32 s31, s15;
	[tilespmem:$0x1FF90] =	vst v59  }
0xc: {  	v61 =	vor.u32 $0x2, v0;
	s16 =	ssub.s32 s5, s7;
	s17 =	sadd.s32 s18, s17;
	s18 =	simm.s32 $0x2;
	[tilespmem:$0x1FFA0] =	vst v60  }
0xd: {  	v62 =	vor.u32 $0x42, v0;
	[tilespmem:$0x1FFB0] =	vst v61;
	s6 =	sshrl.u32 s4, $0x3;
	s9 =	sadd.s32 $0x3C00, s9;
	s16 =	smax.u32 s16, $0x1  }
0xe: {  	v63 =	vor.u32 $0x3, v0;
	[tilespmem:$0x1FFC0] =	vst v62;
	s8 =	sadd.s32 s6, s15;
	s4 =	sadd.s32 s10, s6;
	s5 =	sadd.s32 s11, s6  }
0xf: {  	v0 =	vor.u32 $0x43, v0;
	[tilespmem:$0x1FFD0] =	vst v63;
	s10 =	sadd.s32 $0x9EE, s10;
	s11 =	sadd.s32 $0x9EE, s11;
	s15 =	sadd.s32 $0x3C3E, s15  }
0x10: {  	v44 =	vimm.s32 $0x20;
	vm0 =	vcmask $0x704;
	[tilespmem:$0x1FFF0] =	vst v0;
	s6 =	sadd.s32 $0x1800, s8;
	s7 =	sadd.s32 $0x2400, s8;
	s8 =	sadd.s32 $0x3000, s8  }
.LBB2_1:
0x11: {  	[tilespmem:s2], [sflag:$0x2] =	stream.linear.gather [hbm4b:s3+s2], $0x80, $0x38;
	[tilespmem:$0xF80] =	vst v63  }
0x12: {  	_ =	swait.ge [sflag:s18], $0x80  }
0x13: {  	v0 =	vld [tilespmem:$0x1FFE0];
	_ =	sdelay $0x5  }
0x14: {  	[sflag:s18] =	ssyncset.done $0x0  }
0x15: {  	[sflag:s18] =	ssyncadd.s32 $0xFFFFFF80  }
0x16: {  	v1 =	vld.idx.msk [tilespmem:v0+s2+$0x0], $0xffff  }
0x17: {  	v0 =	vld [tilespmem:$0x1FF80];
	_ =	sdelay $0x6  }
0x18: {  	[tilespmem:$0x80] =	vst v1  }
0x19: {  	v0 =	vld.idx.msk [tilespmem:v0+s2+$0x0], $0xffff;
	_ =	sdelay $0x4  }
0x1a: {  	[tilespmem:$0x90] =	vst v0;
	v0 =	vld [tilespmem:$0x1FF90];
	_ =	sdelay $0x7  }
0x1b: {  	v2 =	vld.idx.msk [tilespmem:v0+s2+$0x0], $0xffff  }
0x1c: {  	v0 =	vld [tilespmem:$0x1FFA0];
	_ =	sdelay $0x6  }
0x1d: {  	[tilespmem:$0xA0] =	vst v2  }
0x1e: {  	v0 =	vld.idx.msk [tilespmem:v0+s2+$0x0], $0xffff;
	_ =	sdelay $0x4  }
0x1f: {  	[tilespmem:$0xB0] =	vst v0;
	v0 =	vld [tilespmem:$0x1FFB0];
	_ =	sdelay $0x7  }
0x20: {  	v3 =	vld.idx.msk [tilespmem:v0+s2+$0x0], $0xffff  }
0x21: {  	v0 =	vld [tilespmem:$0x1FFC0];
	_ =	sdelay $0x6  }
0x22: {  	[tilespmem:$0xC0] =	vst v3  }
0x23: {  	v0 =	vld.idx.msk [tilespmem:v0+s2+$0x0], $0xffff;
	_ =	sdelay $0x4  }
0x24: {  	[tilespmem:$0xD0] =	vst v0;
	v0 =	vld [tilespmem:$0x1FFD0];
	_ =	sdelay $0x7  }
0x25: {  	v4 =	vld.idx.msk [tilespmem:v0+s2+$0x0], $0xffff  }
0x26: {  	v0 =	vld [tilespmem:$0x1FFF0];
	_ =	sdelay $0x6  }
0x27: {  	[tilespmem:$0xE0] =	vst v4  }
0x28: {  	v0 =	vld.idx.msk [tilespmem:v0+s2+$0x0], $0xffff  }
0x29: {  	v31 =	vadd.f32 v4, v2;
	_ =	sdelay $0x1  }
0x2a: {  	v56 =	vor.u32 s17, v55;
	v30 =	vmul.f32 v4, v3;
	v35 =	vbroadcast v31, $0x2  }
0x2b: {  	v7 =	vmul.u32 $0xE39, v56;
	v39 =	vbroadcast v31, $0x4;
	v38 =	vbroadcast v31, $0x5  }
0x2c: {  	v10 =	vimm.s32 $0x0;
	v22 =	vbroadcast v31, $0x6;
	v40 =	vbroadcast v31, $0x7;
	[tilespmem:$0xF0] =	vst v0;
	v0 =	vld [tilespmem:$0xA0]  }
0x2d: {  	v57 =	vshra.s32 v7, $0x17;
	v23 =	vbroadcast v31, $0x8;
	v41 =	vbroadcast v31, $0x9  }
0x2e: {  	v7 =	vmul.u32 $0xB, v57;
	v26 =	vbroadcast v31, $0xA;
	v42 =	vbroadcast v31, $0xB  }
0x2f: {  	v8 =	vmul.u32 $0xFFFFF700, v57;
	v24 =	vbroadcast v31, $0xC;
	v43 =	vbroadcast v31, $0xD  }
0x30: {  	v7 =	vshra.s32 v7, $0x5;
	v25 =	vbroadcast v31, $0xE;
	v34 =	vbroadcast v31, $0xF  }
0x31: {  	vm1 =	veq.s32 v7, $0x2;
	v5 =	vld [tilespmem:$0xD0];
	v36 =	vbroadcast v0, $0x2;
	v19 =	vbroadcast v0, $0x4  }
0x32: {  	vm2 =	veq.s32 v7, $0x1;
	v6 =	vld [tilespmem:$0xF0];
	v16 =	vbroadcast v0, $0x5;
	v18 =	vbroadcast v0, $0x6  }
0x33: {  	v58 =	vsel vm1, $0x1, v10;
	v2 =	vld [tilespmem:$0xB0];
	v20 =	vbroadcast v0, $0x7;
	v14 =	vbroadcast v0, $0x8  }
0x34: {  	v4 =	vadd.s32 v56, v8;
	v15 =	vbroadcast v0, $0x9;
	v17 =	vbroadcast v0, $0xA  }
0x35: {  	v8 =	vmul.u32 $0xFFFFFFFD, v7;
	v12 =	vbroadcast v0, $0xB;
	v21 =	vbroadcast v0, $0xC  }
0x36: {  	v9 =	vmul.u32 $0xAAB, v4;
	[tilespmem:$0x1F9A0] =	vst v22;
	v13 =	vbroadcast v0, $0xD;
	v27 =	vbroadcast v0, $0xE  }
0x37: {  	v10 =	vsel vm2, $0x1, v10;
	[tilespmem:$0x1F960] =	vst v23;
	v29 =	vbroadcast v0, $0xF;
	v28 =	vmul.f32 v6, v5  }
0x38: {  	[tilespmem:$0x1F920] =	vst v26;
	v53 =	vadd.f32 v6, v2;
	v2 =	vld [tilespmem:$0xB0];
	v6 =	vadd.s32 v57, v8;
	v8 =	vshra.s32 v9, $0x11  }
0x39: {  	[tilespmem:$0x1F8E0] =	vst v24;
	v6 =	vshll.u32 v44, v6;
	v11 =	vmul.u32 $0xFFFFFFD0, v8;
	v59 =	vcvt.s32.f32 v8  }
0x3a: {  	[tilespmem:$0x1F8A0] =	vst v25;
	v32 =	vbroadcast v53, $0x0;
	v7 =	vshll.u32 v6, v58;
	v6 =	vshll.u32 v6, v10  }
0x3b: {  	[tilespmem:$0x1F9E0] =	vst v19;
	v45 =	vbroadcast v53, $0x1;
	v54 =	vcvt.s32.f32 v6  }
0x3c: {  	[tilespmem:$0x1FA10] =	vst v16;
	v4 =	vadd.s32 v4, v11;
	v37 =	vcvt.s32.f32 v7;
	v6 =	vmul.f32 $1.600000000e+01, v59  }
0x3d: {  	v9 =	vld [tilespmem:$0x90];
	[tilespmem:$0x1F990] =	vst v18;
	v4 =	vcvt.s32.f32 v4;
	v33 =	vbroadcast v2, $0x0  }
0x3e: {  	[tilespmem:$0x1F9C0] =	vst v20;
	v46 =	vbroadcast v2, $0x1;
	v60 =	vmul.f32 $5.000000000e-01, v54  }
0x3f: {  	[tilespmem:$0x1F950] =	vst v14;
	v61 =	vmul.f32 $5.000000000e-01, v37;
	v8 =	vbroadcast v2, $0x2  }
0x40: {  	[tilespmem:$0x1F970] =	vst v15;
	v2 =	vbroadcast v2, $0x3;
	v4 =	vmul.f32 $1.600000000e+01, v4;
	v56 =	vsub.f32 v6, v60  }
0x41: {  	v1 =	vadd.f32 v3, v1;
	[tilespmem:$0x1F910] =	vst v17;
	v47 =	vbroadcast v53, $0x2;
	v48 =	vbroadcast v53, $0x3  }
0x42: {  	[tilespmem:$0x1F930] =	vst v12;
	v3 =	vadd.f32 v5, v9;
	v57 =	vsub.f32 v4, v61;
	v62 =	vmax.f32 v56, v2  }
0x43: {  	[tilespmem:$0x1F8D0] =	vst v21;
	v63 =	vmax.f32 v56, v8;
	v6 =	vmax.f32 v56, v33;
	v7 =	vmax.f32 v56, v46  }
0x44: {  	[tilespmem:$0x1F850] =	vst v8;
	v8 =	vmax.f32 v56, v27;
	v9 =	vmax.f32 v56, v29;
	v10 =	vmax.f32 v56, v12  }
0x45: {  	[tilespmem:$0x1F8F0] =	vst v13;
	v11 =	vmax.f32 v56, v21;
	v12 =	vmax.f32 v56, v13;
	v13 =	vmax.f32 v56, v14  }
0x46: {  	[tilespmem:$0x1F810] =	vst v2;
	v14 =	vmax.f32 v56, v15;
	v2 =	vadd.f32 v54, v56;
	v15 =	vmax.f32 v56, v17  }
0x47: {  	[tilespmem:$0x1F860] =	vst v47;
	v17 =	vmax.f32 v56, v16;
	v16 =	vmax.f32 v56, v18;
	v18 =	vmax.f32 v56, v20  }
0x48: {  	[tilespmem:$0x1F820] =	vst v48;
	v20 =	vmax.f32 v56, v19;
	v19 =	vmin.f32 v2, v48;
	v21 =	vmin.f32 v2, v45  }
0x49: {  	[tilespmem:$0x1F830] =	vst v46;
	v46 =	vmin.f32 v2, v47;
	v47 =	vmin.f32 v2, v32;
	v48 =	vmin.f32 v2, v25  }
0x4a: {  	[tilespmem:$0x1F890] =	vst v27;
	v49 =	vmin.f32 v2, v34;
	v50 =	vmin.f32 v2, v24;
	v51 =	vmin.f32 v2, v43  }
0x4b: {  	[tilespmem:$0x1F8B0] =	vst v29;
	v52 =	vmin.f32 v2, v26;
	v58 =	vmin.f32 v2, v42;
	v27 =	vsub.f32 v19, v62  }
0x4c: {  	[tilespmem:$0x1F880] =	vst v32;
	v59 =	vmin.f32 v2, v23;
	v29 =	vsub.f32 v21, v7;
	v32 =	vsub.f32 v46, v63  }
0x4d: {  	[tilespmem:$0x1F870] =	vst v33;
	v60 =	vmin.f32 v2, v41;
	v33 =	vsub.f32 v47, v6;
	v25 =	vsub.f32 v48, v8  }
0x4e: {  	[tilespmem:$0x1F8C0] =	vst v34;
	v61 =	vmin.f32 v2, v22;
	v34 =	vsub.f32 v49, v9;
	v24 =	vsub.f32 v50, v11  }
0x4f: {  	[tilespmem:$0x1F940] =	vst v42;
	v42 =	vmax.f32 v56, v36;
	v26 =	vsub.f32 v51, v12;
	v21 =	vsub.f32 v52, v15  }
0x50: {  	[tilespmem:$0x1F900] =	vst v43;
	v43 =	vmin.f32 v2, v35;
	v23 =	vsub.f32 v58, v10;
	v19 =	vsub.f32 v59, v13  }
0x51: {  	[tilespmem:$0x1F9D0] =	vst v40;
	v22 =	vsub.f32 v60, v14;
	v62 =	vmin.f32 v2, v40;
	v40 =	vbroadcast v0, $0x0  }
0x52: {  	v13 =	vsub.f32 v61, v16;
	v9 =	vbroadcast v31, $0x3;
	v11 =	vbroadcast v0, $0x3  }
0x53: {  	v63 =	vmin.f32 v2, v39;
	v10 =	vbroadcast v0, $0x1;
	v14 =	vbroadcast v31, $0x0  }
0x54: {  	[tilespmem:$0x1F9F0] =	vst v39;
	v39 =	vmin.f32 v2, v38;
	v12 =	vbroadcast v31, $0x1;
	v49 =	vbroadcast v1, $0xE  }
0x55: {  	v5 =	vsub.f32 v43, v42;
	v51 =	vbroadcast v1, $0xF;
	v59 =	vbroadcast v1, $0xC  }
0x56: {  	[tilespmem:$0x1FA40] =	vst v35;
	v16 =	vsub.f32 v62, v18;
	v8 =	vsub.f32 v63, v20;
	v18 =	vbroadcast v3, $0x2  }
0x57: {  	[tilespmem:$0x1FA20] =	vst v38;
	v15 =	vsub.f32 v39, v17;
	v17 =	vbroadcast v3, $0x3;
	v20 =	vbroadcast v3, $0x0  }
0x58: {  	[tilespmem:$0x1F980] =	vst v41;
	v62 =	vbroadcast v1, $0xD;
	v63 =	vbroadcast v1, $0xA;
	v0 =	vmax.f32 v56, v11  }
0x59: {  	[tilespmem:$0x1F840] =	vst v45;
	v41 =	vld [tilespmem:$0x90];
	v45 =	vmin.f32 v2, v9;
	v46 =	vmin.f32 v2, v14;
	v47 =	vmin.f32 v2, v12  }
0x5a: {  	[tilespmem:$0x1FA30] =	vst v36;
	v25 =	vmax.f32 v25, $0.0e+00;
	v26 =	vmax.f32 v26, $0.0e+00;
	v24 =	vmax.f32 v24, $0.0e+00  }
0x5b: {  	v6 =	vld [tilespmem:$0x80];
	[tilespmem:$0x1FA70] =	vst v9;
	v21 =	vmax.f32 v21, $0.0e+00;
	v22 =	vmax.f32 v22, $0.0e+00;
	v19 =	vmax.f32 v19, $0.0e+00  }
0x5c: {  	[tilespmem:$0x1FA50] =	vst v11;
	v13 =	vmax.f32 v13, $0.0e+00;
	v5 =	vmax.f32 v5, $0.0e+00;
	v4 =	vsub.f32 v45, v0  }
0x5d: {  	[tilespmem:$0x1FA90] =	vst v10;
	v0 =	vmax.f32 v56, v40;
	v16 =	vmax.f32 v16, $0.0e+00;
	v15 =	vmax.f32 v15, $0.0e+00  }
0x5e: {  	[tilespmem:$0x1FA80] =	vst v14;
	v8 =	vmax.f32 v8, $0.0e+00;
	v11 =	vsub.f32 v46, v0;
	v45 =	vbroadcast v41, $0x2  }
0x5f: {  	[tilespmem:$0x1FAB0] =	vst v12;
	v0 =	vmax.f32 v56, v10;
	v12 =	vbroadcast v41, $0x3;
	v48 =	vbroadcast v41, $0x0  }
0x60: {  	[tilespmem:$0x1FB40] =	vst v49;
	v9 =	vsub.f32 v47, v0;
	v46 =	vbroadcast v6, $0xE;
	v47 =	vbroadcast v3, $0x1  }
0x61: {  	[tilespmem:$0x1FAC0] =	vst v18;
	v0 =	vadd.f32 v37, v57;
	v52 =	vbroadcast v6, $0xF;
	v60 =	vbroadcast v6, $0xC  }
0x62: {  	[tilespmem:$0x1FAD0] =	vst v12;
	v10 =	vmax.f32 v57, v45;
	v12 =	vmax.f32 v57, v12;
	v50 =	vmax.f32 v57, v48  }
0x63: {  	[tilespmem:$0x1FAE0] =	vst v48;
	v48 =	vbroadcast v6, $0xA;
	v11 =	vmax.f32 v11, $0.0e+00;
	v14 =	vmin.f32 v0, v17  }
0x64: {  	[tilespmem:$0x1FAF0] =	vst v17;
	v17 =	vmin.f32 v0, v18;
	v18 =	vbroadcast v41, $0x1;
	v61 =	vmax.f32 v57, v52  }
0x65: {  	[tilespmem:$0x1FB50] =	vst v52;
	v36 =	vmin.f32 v0, v62;
	v52 =	vbroadcast v6, $0xB;
	v10 =	vsub.f32 v17, v10  }
0x66: {  	[tilespmem:$0x1FB00] =	vst v20;
	v12 =	vsub.f32 v14, v12;
	v14 =	vmin.f32 v0, v20;
	v20 =	vmin.f32 v0, v49  }
0x67: {  	[tilespmem:$0x1FE30] =	vst v60;
	v49 =	vmax.f32 v57, v60;
	v60 =	vbroadcast v1, $0x8;
	v17 =	vsub.f32 v14, v50  }
0x68: {  	[tilespmem:$0x1FB10] =	vst v18;
	v58 =	vmax.f32 v57, v18;
	v14 =	vmax.f32 v57, v46;
	v18 =	vmin.f32 v0, v47  }
0x69: {  	[tilespmem:$0x1FF10] =	vst v59;
	v50 =	vmin.f32 v0, v59;
	v59 =	vmax.f32 v27, $0.0e+00;
	v18 =	vsub.f32 v18, v58  }
0x6a: {  	[tilespmem:$0x1FA60] =	vst v40;
	v35 =	vsub.f32 v20, v14;
	v14 =	vmin.f32 v0, v51;
	v38 =	vsub.f32 v50, v49  }
0x6b: {  	[tilespmem:$0x1FB60] =	vst v51;
	v51 =	vbroadcast v1, $0xB;
	v58 =	vmax.f32 v57, v48;
	v12 =	vmax.f32 v12, $0.0e+00  }
0x6c: {  	[tilespmem:$0x1FF00] =	vst v62;
	v10 =	vmax.f32 v10, $0.0e+00;
	v62 =	vmin.f32 v0, v60;
	v49 =	vbroadcast v1, $0x9  }
0x6d: {  	[tilespmem:$0x1FF50] =	vst v60;
	v50 =	vbroadcast v6, $0x9;
	v60 =	vbroadcast v1, $0x7;
	v20 =	vsub.f32 v14, v61  }
0x6e: {  	[tilespmem:$0x1FE70] =	vst v48;
	v14 =	vbroadcast v6, $0xD;
	v7 =	vmul.f32 v59, v12;
	v12 =	vmax.f32 v57, v52  }
0x6f: {  	[tilespmem:$0x1FE20] =	vst v52;
	v61 =	vbroadcast v6, $0x8;
	v17 =	vmax.f32 v17, $0.0e+00;
	v52 =	vbroadcast v28, $0x3  }
0x70: {  	v18 =	vmax.f32 v18, $0.0e+00;
	[tilespmem:$0x1FF60] =	vst v60;
	v40 =	vmin.f32 v0, v60;
	v60 =	vbroadcast v6, $0x5  }
0x71: {  	v35 =	vmax.f32 v35, $0.0e+00;
	[tilespmem:$0x1FE40] =	vst v14;
	v14 =	vmax.f32 v57, v14;
	v48 =	vmax.f32 v20, $0.0e+00  }
0x72: {  	v20 =	vmul.f32 v54, v37;
	v25 =	vmul.f32 v25, v35;
	v36 =	vsub.f32 v36, v14  }
0x73: {  	[tilespmem:$0x1FF30] =	vst v63;
	v14 =	vmin.f32 v0, v63;
	v63 =	vbroadcast v1, $0x6;
	v42 =	vmax.f32 v57, v60  }
0x74: {  	[tilespmem:$0x1FF20] =	vst v51;
	v39 =	vsub.f32 v14, v58;
	v14 =	vmin.f32 v0, v51;
	v51 =	vbroadcast v6, $0x6  }
0x75: {  	v27 =	vsub.f32 v14, v12;
	v14 =	vmax.f32 v29, $0.0e+00;
	v12 =	vmax.f32 v32, $0.0e+00  }
0x76: {  	[tilespmem:$0x1FE50] =	vst v61;
	v29 =	vmax.f32 v57, v61;
	v59 =	vmin.f32 v0, v63;
	v61 =	vbroadcast v6, $0x7  }
0x77: {  	[tilespmem:$0x1FF70] =	vst v63;
	v63 =	vbroadcast v6, $0x4;
	v29 =	vsub.f32 v62, v29;
	v12 =	vmul.f32 v12, v10  }
0x78: {  	v14 =	vmul.f32 v14, v18;
	v10 =	vmax.f32 v33, $0.0e+00;
	v18 =	vmax.f32 v34, $0.0e+00  }
0x79: {  	v33 =	vmax.f32 v57, v50;
	v34 =	vmin.f32 v0, v49;
	v58 =	vmax.f32 v57, v51  }
0x7a: {  	[tilespmem:$0x1FE60] =	vst v50;
	v62 =	vbroadcast v1, $0x4;
	v50 =	vmax.f32 v38, $0.0e+00;
	v33 =	vsub.f32 v34, v33  }
0x7b: {  	v17 =	vmul.f32 v10, v17;
	v18 =	vmul.f32 v18, v48;
	v10 =	vadd.f32 v20, v52  }
0x7c: {  	[tilespmem:$0x1FBB0] =	vst v52;
	v32 =	vsub.f32 v59, v58;
	v52 =	vbroadcast v28, $0x2;
	v34 =	vmax.f32 v57, v61  }
0x7d: {  	[tilespmem:$0x1FEA0] =	vst v61;
	v58 =	vbroadcast v1, $0x5;
	v59 =	vmax.f32 v57, v63;
	v61 =	vbroadcast v28, $0x1  }
0x7e: {  	[tilespmem:$0x1FED0] =	vst v63;
	v63 =	vbroadcast v30, $0xF;
	v48 =	vmax.f32 v36, $0.0e+00;
	v24 =	vmul.f32 v24, v50  }
0x7f: {  	v34 =	vsub.f32 v40, v34;
	[tilespmem:$0x1F7B0] =	vst v62;
	v41 =	vmin.f32 v0, v62;
	v62 =	vbroadcast v28, $0x0  }
0x80: {  	[tilespmem:$0x1FF40] =	vst v49;
	v26 =	vmul.f32 v26, v48;
	v29 =	vmax.f32 v29, $0.0e+00;
	v10 =	vsub.f32 v10, v7  }
0x81: {  	[tilespmem:$0x1FE80] =	vst v60;
	v48 =	vbroadcast v30, $0x1;
	v40 =	vsub.f32 v41, v59;
	v41 =	vadd.f32 v20, v61  }
0x82: {  	[tilespmem:$0x1F7C0] =	vst v58;
	v43 =	vmin.f32 v0, v58;
	v58 =	vbroadcast v30, $0xD;
	v59 =	vbroadcast v30, $0xC  }
0x83: {  	[tilespmem:$0x1FC00] =	vst v61;
	v61 =	vbroadcast v1, $0x0;
	(erf) = vrcp.f32 v10;
	v10 =	vadd.f32 v20, v52  }
0x84: {  	[tilespmem:$0x1FB90] =	vst v52;
	v19 =	vmul.f32 v19, v29;
	v42 =	vsub.f32 v43, v42;
	v49 =	vadd.f32 v20, v62  }
0x85: {  	[tilespmem:$0x1FBE0] =	vst v62;
	v62 =	vbroadcast v6, $0x0;
	v43 =	vbroadcast v1, $0x2;
	v10 =	vsub.f32 v10, v12  }
0x86: {  	v52 =	vbroadcast v30, $0xE;
	[tilespmem:$0x1FC60] =	vst v58;
	v60 =	vadd.f32 v20, v58;
	v58 =	vbroadcast v30, $0x7  }
0x87: {  	v36 =	vsub.f32 v49, v17;
	(erf) = vrcp.f32 v10;
	v10 =	vsub.f32 v41, v14  }
0x88: {  	[tilespmem:$0x1FEE0] =	vst v62;
	v29 =	vmax.f32 v57, v62;
	v62 =	vbroadcast v30, $0x9;
	v41 =	vbroadcast v1, $0x1  }
0x89: {  	[tilespmem:$0x1FC40] =	vst v63;
	(erf) = vrcp.f32 v10;
	v10 =	vadd.f32 v20, v63;
	v63 =	vbroadcast v30, $0xB  }
0x8a: {  	v9 =	vmax.f32 v9, $0.0e+00;
	(erf) = vrcp.f32 v36;
	v36 =	vbroadcast v1, $0x3  }
0x8b: {  	[tilespmem:$0x1FE90] =	vst v51;
	v51 =	vsub.f32 v10, v18;
	v10 =	vmax.f32 v23, $0.0e+00;
	v23 =	vmax.f32 v27, $0.0e+00  }
0x8c: {  	v27 =	vmax.f32 v39, $0.0e+00;
	v10 =	vmul.f32 v10, v23;
	v23 =	vadd.f32 v20, v52  }
0x8d: {  	v39 =	vmax.f32 v42, $0.0e+00;
	v42 =	vbroadcast v6, $0x1;
	v21 =	vmul.f32 v21, v27  }
0x8e: {  	v27 =	vmax.f32 v33, $0.0e+00;
	v15 =	vmul.f32 v15, v39;
	v23 =	vsub.f32 v23, v25  }
0x8f: {  	v33 =	vmin.f32 v0, v61;
	(erf) = vrcp.f32 v51;
	v22 =	vmul.f32 v22, v27  }
0x90: {  	[tilespmem:$0x1F7D0] =	vst v61;
	v27 =	vadd.f32 v20, v59;
	(erf) = vrcp.f32 v23;
	v23 =	vsub.f32 v60, v26  }
0x91: {  	[tilespmem:$0x1FC20] =	vst v52;
	v61 =	vbroadcast v6, $0x2;
	v52 =	vbroadcast v30, $0x5;
	v29 =	vsub.f32 v33, v29  }
0x92: {  	(erf) = vrcp.f32 v23;
	v23 =	vsub.f32 v27, v24;
	v27 =	vadd.f32 v20, v63  }
0x93: {  	[tilespmem:$0x1FCA0] =	vst v63;
	v33 =	vmin.f32 v0, v41;
	v51 =	vbroadcast v30, $0x6;
	v63 =	vbroadcast v30, $0xA  }
0x94: {  	(erf) = vrcp.f32 v23;
	v23 =	vmax.f32 v34, $0.0e+00;
	v27 =	vsub.f32 v27, v10  }
0x95: {  	[tilespmem:$0x1FC80] =	vst v59;
	v59 =	vbroadcast v6, $0x3;
	v16 =	vmul.f32 v16, v23;
	v23 =	vadd.f32 v20, v63  }
0x96: {  	v60 =	vbroadcast v30, $0x8;
	(erf) = vrcp.f32 v27;
	v27 =	vmax.f32 v32, $0.0e+00  }
0x97: {  	v13 =	vmul.f32 v13, v27;
	v23 =	vsub.f32 v23, v21;
	v27 =	vadd.f32 v20, v62  }
0x98: {  	[tilespmem:$0x1FEF0] =	vst v42;
	v49 =	vmax.f32 v57, v61;
	v32 =	vmax.f32 v57, v42;
	v42 =	vbroadcast v30, $0x2  }
0x99: {  	(erf) = vrcp.f32 v23;
	v23 =	vsub.f32 v27, v22;
	v27 =	vadd.f32 v20, v60  }
0x9a: {  	[tilespmem:$0x1F7E0] =	vst v41;
	v32 =	vsub.f32 v33, v32;
	v33 =	vmin.f32 v0, v43;
	v41 =	vadd.f32 v20, v42  }
0x9b: {  	(erf) = vrcp.f32 v23;
	v23 =	vmax.f32 v40, $0.0e+00;
	v27 =	vsub.f32 v27, v19  }
0x9c: {  	v40 =	vbroadcast v30, $0x3;
	v8 =	vmul.f32 v8, v23;
	v23 =	vmax.f32 v29, $0.0e+00  }
0x9d: {  	v29 =	vadd.f32 v20, v51;
	v11 =	vmul.f32 v11, v23;
	v23 =	vadd.f32 v20, v58  }
0x9e: {  	(erf) = vrcp.f32 v27;
	v27 =	vmax.f32 v32, $0.0e+00;
	v32 =	vsub.f32 v33, v49  }
0x9f: {  	[tilespmem:$0x1F7F0] =	vst v43;
	v49 =	vbroadcast v30, $0x0;
	v43 =	vadd.f32 v20, v40;
	v23 =	vsub.f32 v23, v16  }
0xa0: {  	v9 =	vmul.f32 v9, v27;
	v50 =	vsub.f32 v29, v13;
	v27 =	vmax.f32 v32, $0.0e+00  }
0xa1: {  	v34 =	vpop (erf);
	v5 =	vmul.f32 v5, v27;
	(erf) = vrcp.f32 v23;
	v23 =	vadd.f32 v20, v52  }
0xa2: {  	v29 =	vpop (erf);
	v27 =	vmin.f32 v0, v36;
	(erf) = vrcp.f32 v50;
	v50 =	vbroadcast v30, $0x4  }
0xa3: {  	[tilespmem:$0x1F800] =	vst v36;
	v36 =	vadd.f32 v20, v48;
	v38 =	vsub.f32 v23, v15;
	v23 =	vmax.f32 v57, v59  }
0xa4: {  	v32 =	vpop (erf);
	v23 =	vsub.f32 v27, v23;
	v39 =	vadd.f32 v20, v50  }
0xa5: {  	v4 =	vmax.f32 v4, $0.0e+00;
	v33 =	vadd.f32 v20, v49;
	v27 =	vpop (erf);
	v20 =	vsub.f32 v36, v9  }
0xa6: {  	(erf) = vrcp.f32 v38;
	v35 =	vpop (erf);
	v23 =	vmax.f32 v23, $0.0e+00;
	v6 =	vsub.f32 v39, v8  }
0xa7: {  	v39 =	vsub.f32 v41, v5;
	v23 =	vmul.f32 v4, v23;
	v4 =	vsub.f32 v33, v11;
	v38 =	vpop (erf)  }
0xa8: {  	(erf) = vrcp.f32 v6;
	v36 =	vpop (erf)  }
0xa9: {  	(erf) = vrcp.f32 v4;
	v33 =	vpop (erf)  }
0xaa: {  	v6 =	vsub.f32 v43, v23;
	(erf) = vrcp.f32 v20;
	v20 =	vpop (erf)  }
0xab: {  	(erf) = vrcp.f32 v39;
	v39 =	vpop (erf)  }
0xac: {  	(erf) = vrcp.f32 v6;
	v41 =	vpop (erf)  }
0xad: {  	v43 =	vpop (erf)  }
0xae: {  	v12 =	vmul.f32 v29, v12;
	v14 =	vmul.f32 v32, v14;
	v29 =	vpop (erf)  }
0xaf: {  	v17 =	vmul.f32 v27, v17;
	v25 =	vmul.f32 v38, v25;
	v27 =	vpop (erf)  }
0xb0: {  	v4 =	vmul.f32 v34, v7;
	v26 =	vmul.f32 v36, v26;
	v36 =	vpop (erf)  }
0xb1: {  	v10 =	vmul.f32 v20, v10;
	v20 =	vmul.f32 v33, v24;
	v24 =	vpop (erf)  }
0xb2: {  	v21 =	vmul.f32 v39, v21;
	v6 =	vmul.f32 v41, v22;
	v22 =	vpop (erf)  }
0xb3: {  	v7 =	vmul.f32 v43, v19;
	v11 =	vmul.f32 v22, v11;
	v22 =	vpop (erf)  }
0xb4: {  	v16 =	vmul.f32 v29, v16;
	v9 =	vmul.f32 v22, v9;
	v19 =	vpop (erf)  }
0xb5: {  	v13 =	vmul.f32 v27, v13;
	v5 =	vmul.f32 v19, v5;
	v11 =	vmax.f32 v11, $0.0e+00;
	v19 =	vpop (erf)  }
0xb6: {  	vm1 =	vgt.f32 v9, v11;
	v9 =	vmax.f32 v11, v9;
	v11 =	vmul.f32 v19, v23  }
0xb7: {  	v8 =	vmul.f32 v24, v8;
	vm2 =	vgt.f32 v5, v9;
	v5 =	vmax.f32 v9, v5  }
0xb8: {  	v9 =	vmul.f32 v36, v15;
	vm3 =	vgt.f32 v11, v5;
	v5 =	vmax.f32 v5, v11  }
0xb9: {  	vm4 =	vgt.f32 v8, v5;
	v5 =	vmax.f32 v5, v8;
	v8 =	vimm.s32 $0x0  }
0xba: {  	v8 =	vsel vm1, $0x1, v8;
	vm1 =	vgt.f32 v9, v5;
	v5 =	vmax.f32 v5, v9  }
0xbb: {  	v8 =	vsel vm2, $0x2, v8;
	vm2 =	vgt.f32 v13, v5;
	v5 =	vmax.f32 v5, v13  }
0xbc: {  	v8 =	vsel vm3, $0x3, v8;
	vm3 =	vgt.f32 v16, v5;
	v5 =	vmax.f32 v5, v16  }
0xbd: {  	s28 =	sadd.s32 $0x10, s17;
	v8 =	vsel vm4, $0x4, v8;
	vm13 =	vgt.f32 v7, v5;
	v5 =	vmax.f32 v5, v7  }
0xbe: {  	v41 =	vor.u32 s28, v55;
	v38 =	vsel vm1, $0x5, v8;
	vm1 =	vgt.f32 v6, v5  }
0xbf: {  	v5 =	vmax.f32 v5, v6;
	v8 =	vmul.u32 $0xE39, v41;
	v39 =	vsel vm2, $0x6, v38  }
0xc0: {  	vm2 =	vgt.f32 v21, v5;
	v5 =	vmax.f32 v5, v21;
	v6 =	vsel vm3, $0x7, v39  }
0xc1: {  	vm3 =	vgt.f32 v10, v5;
	v5 =	vmax.f32 v5, v10;
	v6 =	vsel vm13, $0x8, v6  }
0xc2: {  	v8 =	vshra.s32 v8, $0x17;
	vm14 =	vgt.f32 v20, v5;
	v6 =	vsel vm1, $0x9, v6  }
0xc3: {  	v5 =	vmax.f32 v5, v20;
	v9 =	vmul.u32 $0xB, v8;
	v6 =	vsel vm2, $0xA, v6  }
0xc4: {  	vm1 =	vgt.f32 v26, v5;
	v5 =	vmax.f32 v5, v26;
	v6 =	vsel vm3, $0xB, v6  }
0xc5: {  	v18 =	vmul.f32 v35, v18;
	vm2 =	vgt.f32 v25, v5;
	v6 =	vsel vm14, $0xC, v6  }
0xc6: {  	v5 =	vmax.f32 v5, v25;
	v43 =	vshra.s32 v9, $0x5;
	v6 =	vsel vm1, $0xD, v6  }
0xc7: {  	vm3 =	vgt.f32 v18, v5;
	v5 =	vmax.f32 v5, v18;
	v6 =	vsel vm2, $0xE, v6  }
0xc8: {  	vm1 =	vgt.f32 v17, v5;
	v5 =	vmax.f32 v5, v17;
	v6 =	vsel vm3, $0xF, v6  }
0xc9: {  	vm2 =	vgt.f32 v14, v5;
	v5 =	vmax.f32 v5, v14;
	v6 =	vsel vm1, $0x10, v6  }
0xca: {  	vm1 =	vgt.f32 v12, v5;
	v5 =	vmax.f32 v5, v12;
	v6 =	vsel vm2, $0x11, v6  }
0xcb: {  	[tilespmem:$0x100] =	vst v1;
	v9 =	vmul.u32 $0xFFFFF700, v8;
	v1 =	vsel vm1, $0x12, v6;
	vm1 =	vgt.f32 v4, v5  }
0xcc: {  	[tilespmem:$0x120] =	vst v31;
	v1 =	vsel vm1, $0x13, v1  }
0xcd: {  	[tilespmem:$0x140] =	vst v30;
	v10 =	vmul.u32 $0xFFFFFFFD, v43;
	v7 =	vadd.s32 v41, v9  }
0xce: {  	[tilespmem:$0x130] =	vst v53;
	v9 =	vmul.u32 $0xAAB, v7  }
0xcf: {  	[tilespmem:$0x110] =	vst v3;
	v11 =	vimm.s32 $0x0;
	v3 =	vadd.s32 v8, v10;
	vm1 =	veq.s32 v43, $0x1  }
0xd0: {  	[tilespmem:$0x150] =	vst v28;
	v3 =	vshll.u32 v44, v3;
	v53 =	vshra.s32 v9, $0x11;
	v8 =	vsel vm1, $0x1, v11  }
0xd1: {  	v9 =	vmov s17;
	vm1 =	veq.s32 v43, $0x2;
	v8 =	vshll.u32 v3, v8;
	v10 =	vld.idx.msk [tilespmem:v1+s22+$0x0], $0xffff  }
0xd2: {  	v16 =	vcvt.s32.f32 v8;
	v8 =	vsel vm1, $0x1, v11;
	v11 =	vcvt.s32.f32 v53;
	v12 =	vld.idx.msk [tilespmem:v1+s19+$0x0], $0xffff  }
0xd3: {  	vm2 =	vlt.f32 v0, $7.680000000e+02;
	v6 =	vmul.u32 $0xFFFFFFD0, v53;
	v3 =	vshll.u32 v3, v8;
	v8 =	vld.idx.msk [tilespmem:v1+s20+$0x0], $0xffff  }
0xd4: {  	vm1 =	vlt.u32 v9, $0x5100;
	v0 =	vmul.f32 $1.600000000e+01, v11;
	v1 =	vld.idx.msk [tilespmem:v1+s21+$0x0], $0xffff;
	v9 =	vmul.f32 $5.000000000e-01, v16  }
0xd5: {  	v6 =	vadd.s32 v7, v6  }
0xd6: {  	v7 =	vcvt.s32.f32 v3;
	v31 =	vsub.f32 v0, v9;
	v0 =	vcvt.s32.f32 v6;
	_ =	sdelay $0x1  }
0xd7: {  	v3 =	vmul.f32 $5.000000000e-01, v7;
	v0 =	vmul.f32 $1.600000000e+01, v0  }
0xd8: {  	v30 =	vsub.f32 v37, v1;
	v1 =	vld [tilespmem:$0x1F820]  }
0xd9: {  	v37 =	vsub.f32 v0, v3;
	v0 =	vld [tilespmem:$0x1F810];
	_ =	sdelay $0x2  }
0xda: {  	v53 =	vadd.f32 v16, v31;
	_ =	sdelay $0x1  }
0xdb: {  	v1 =	vmin.f32 v53, v1;
	v0 =	vmax.f32 v31, v0  }
0xdc: {  	v19 =	vsub.f32 v1, v0;
	v0 =	vld [tilespmem:$0x1F830]  }
0xdd: {  	v1 =	vld [tilespmem:$0x1F840];
	_ =	sdelay $0x4  }
0xde: {  	v0 =	vmax.f32 v31, v0;
	v1 =	vmin.f32 v53, v1  }
0xdf: {  	v24 =	vsub.f32 v1, v0;
	v0 =	vld [tilespmem:$0x1F850]  }
0xe0: {  	v1 =	vld [tilespmem:$0x1F860];
	_ =	sdelay $0x4  }
0xe1: {  	v0 =	vmax.f32 v31, v0;
	v1 =	vmin.f32 v53, v1  }
0xe2: {  	v14 =	vsub.f32 v1, v0;
	v0 =	vld [tilespmem:$0x1F870]  }
0xe3: {  	v1 =	vld [tilespmem:$0x1F880];
	_ =	sdelay $0x4  }
0xe4: {  	v0 =	vmax.f32 v31, v0;
	v1 =	vmin.f32 v53, v1  }
0xe5: {  	v33 =	vsub.f32 v1, v0;
	v0 =	vld [tilespmem:$0x1F890]  }
0xe6: {  	v1 =	vld [tilespmem:$0x1F8A0];
	_ =	sdelay $0x4  }
0xe7: {  	v0 =	vmax.f32 v31, v0;
	v1 =	vmin.f32 v53, v1  }
0xe8: {  	v25 =	vsub.f32 v1, v0;
	v0 =	vld [tilespmem:$0x1F8B0]  }
0xe9: {  	v1 =	vld [tilespmem:$0x1F8C0];
	_ =	sdelay $0x4  }
0xea: {  	v0 =	vmax.f32 v31, v0;
	v1 =	vmin.f32 v53, v1  }
0xeb: {  	v15 =	vsub.f32 v1, v0;
	v0 =	vld [tilespmem:$0x1F8D0]  }
0xec: {  	v1 =	vld [tilespmem:$0x1F8E0];
	_ =	sdelay $0x4  }
0xed: {  	v0 =	vmax.f32 v31, v0;
	v1 =	vmin.f32 v53, v1  }
0xee: {  	v17 =	vsub.f32 v1, v0;
	v0 =	vld [tilespmem:$0x1F8F0]  }
0xef: {  	v1 =	vld [tilespmem:$0x1F900];
	_ =	sdelay $0x4  }
0xf0: {  	v0 =	vmax.f32 v31, v0;
	v1 =	vmin.f32 v53, v1  }
0xf1: {  	v34 =	vsub.f32 v1, v0;
	v0 =	vld [tilespmem:$0x1F910]  }
0xf2: {  	v1 =	vld [tilespmem:$0x1F920];
	_ =	sdelay $0x4  }
0xf3: {  	v0 =	vmax.f32 v31, v0;
	v1 =	vmin.f32 v53, v1  }
0xf4: {  	v20 =	vsub.f32 v1, v0;
	v0 =	vld [tilespmem:$0x1F930]  }
0xf5: {  	v1 =	vld [tilespmem:$0x1F940];
	_ =	sdelay $0x4  }
0xf6: {  	v0 =	vmax.f32 v31, v0;
	v1 =	vmin.f32 v53, v1  }
0xf7: {  	v26 =	vsub.f32 v1, v0;
	v0 =	vld [tilespmem:$0x1F950]  }
0xf8: {  	v1 =	vld [tilespmem:$0x1F960];
	_ =	sdelay $0x4  }
0xf9: {  	v0 =	vmax.f32 v31, v0;
	v1 =	vmin.f32 v53, v1  }
0xfa: {  	v13 =	vsub.f32 v1, v0;
	v0 =	vld [tilespmem:$0x1F970]  }
0xfb: {  	v1 =	vld [tilespmem:$0x1F980];
	_ =	sdelay $0x4  }
0xfc: {  	v0 =	vmax.f32 v31, v0;
	v1 =	vmin.f32 v53, v1  }
0xfd: {  	v23 =	vsub.f32 v1, v0;
	v0 =	vld [tilespmem:$0x1F990]  }
0xfe: {  	v1 =	vld [tilespmem:$0x1F9A0];
	_ =	sdelay $0x4  }
0xff: {  	v0 =	vmax.f32 v31, v0;
	v1 =	vmin.f32 v53, v1  }
0x100: {  	v0 =	vsub.f32 v1, v0  }
0x101: {  	v1 =	vld [tilespmem:$0x1F9D0]  }
0x102: {  	[tilespmem:$0x1F9B0] =	vst v0;
	v0 =	vld [tilespmem:$0x1F9C0];
	_ =	sdelay $0x4  }
0x103: {  	v1 =	vmin.f32 v53, v1;
	v0 =	vmax.f32 v31, v0  }
0x104: {  	v22 =	vsub.f32 v1, v0;
	v0 =	vld [tilespmem:$0x1F9E0]  }
0x105: {  	v1 =	vld [tilespmem:$0x1F9F0];
	_ =	sdelay $0x4  }
0x106: {  	v0 =	vmax.f32 v31, v0;
	v1 =	vmin.f32 v53, v1  }
0x107: {  	v0 =	vsub.f32 v1, v0  }
0x108: {  	v1 =	vld [tilespmem:$0x1FA20]  }
0x109: {  	[tilespmem:$0x1FA00] =	vst v0;
	v0 =	vld [tilespmem:$0x1FA10];
	_ =	sdelay $0x4  }
0x10a: {  	v1 =	vmin.f32 v53, v1;
	v0 =	vmax.f32 v31, v0  }
0x10b: {  	v9 =	vsub.f32 v1, v0;
	v0 =	vld [tilespmem:$0x1FA30]  }
0x10c: {  	v1 =	vld [tilespmem:$0x1FA40];
	_ =	sdelay $0x3  }
0x10d: {  	v32 =	vld [tilespmem:$0x1FA80]  }
0x10e: {  	v3 =	vld [tilespmem:$0x1FA70];
	v0 =	vmax.f32 v31, v0;
	v1 =	vmin.f32 v53, v1  }
0x10f: {  	v11 =	vsub.f32 v1, v0;
	v0 =	vld [tilespmem:$0x1FA50]  }
0x110: {  	v1 =	vld [tilespmem:$0x1FA60];
	_ =	sdelay $0x2  }
0x111: {  	vm3 =	vlt.f32 v2, $7.680000000e+02;
	v6 =	vmax.f32 v5, v4  }
0x112: {  	v2 =	vsub.f32 v54, v10;
	v10 =	vsub.f32 v57, v12;
	v4 =	vmin.f32 v53, v32  }
0x113: {  	v36 =	vld [tilespmem:$0x1FAC0];
	v3 =	vmin.f32 v53, v3;
	v0 =	vmax.f32 v31, v0;
	v1 =	vmax.f32 v31, v1  }
0x114: {  	v12 =	vsub.f32 v3, v0;
	v0 =	vsub.f32 v4, v1;
	v1 =	vld [tilespmem:$0x1FA90];
	_ =	sdelay $0x2  }
0x115: {  	v54 =	vadd.f32 v7, v37;
	_ =	sdelay $0x1  }
0x116: {  	v4 =	vmin.f32 v54, v36;
	v35 =	vmax.f32 v31, v1;
	v1 =	vmax.f32 v37, v45  }
0x117: {  	v43 =	vsub.f32 v4, v1;
	v1 =	vld [tilespmem:$0x1FAD0];
	_ =	sdelay $0x2  }
0x118: {  	v3 =	vld [tilespmem:$0x1FAB0]  }
0x119: {  	v39 =	vld [tilespmem:$0x1FB00]  }
0x11a: {  	v38 =	vmax.f32 v37, v1;
	v1 =	vld [tilespmem:$0x1FAE0];
	_ =	sdelay $0x2  }
0x11b: {  	v3 =	vmin.f32 v53, v3  }
0x11c: {  	vm5 =	vge.f32 v56, $0.0e+00;
	v32 =	vsub.f32 v3, v35;
	v3 =	vld [tilespmem:$0x1FAF0]  }
0x11d: {  	v28 =	vsub.f32 v56, v8;
	v56 =	vld [tilespmem:$0x1FB40];
	v4 =	vmin.f32 v54, v39;
	v1 =	vmax.f32 v37, v1  }
0x11e: {  	v44 =	vsub.f32 v4, v1;
	v1 =	vld [tilespmem:$0x1FB10];
	_ =	sdelay $0x2  }
0x11f: {  	v3 =	vmin.f32 v54, v3  }
0x120: {  	[tilespmem:$0x1FAA0] =	vst v45;
	v45 =	vsub.f32 v3, v38;
	v3 =	vmin.f32 v54, v47  }
0x121: {  	v4 =	vmin.f32 v54, v56;
	v41 =	vmax.f32 v37, v1;
	v1 =	vmax.f32 v37, v46  }
0x122: {  	[tilespmem:$0x1FB20] =	vst v46;
	v46 =	vsub.f32 v3, v41;
	v41 =	vsub.f32 v4, v1;
	v1 =	vld [tilespmem:$0x1FB50];
	_ =	sdelay $0x4  }
0x123: {  	v3 =	vmax.f32 v37, v1;
	v1 =	vld [tilespmem:$0x1FB60];
	_ =	sdelay $0x4  }
0x124: {  	v1 =	vmin.f32 v54, v1  }
0x125: {  	[tilespmem:$0x1FB30] =	vst v47;
	v47 =	vsub.f32 v1, v3;
	v1 =	vld [tilespmem:$0x1FB90];
	_ =	sdelay $0x2  }
0x126: {  	vm15 =	vge.f32 v57, $0.0e+00;
	v57 =	vmul.f32 v16, v7;
	_ =	sdelay $0x1  }
0x127: {  	v1 =	vadd.f32 v57, v1;
	_ =	sdelay $0x1  }
0x128: {  	[tilespmem:$0x1FBA0] =	vst v1;
	v1 =	vld [tilespmem:$0x1FBB0];
	_ =	sdelay $0x4  }
0x129: {  	v1 =	vadd.f32 v57, v1;
	_ =	sdelay $0x1  }
0x12a: {  	[tilespmem:$0x1FBC0] =	vst v1;
	v1 =	vld [tilespmem:$0x1FBE0];
	_ =	sdelay $0x4  }
0x12b: {  	v1 =	vadd.f32 v57, v1;
	_ =	sdelay $0x1  }
0x12c: {  	[tilespmem:$0x1FBF0] =	vst v1;
	v1 =	vld [tilespmem:$0x1FC00];
	_ =	sdelay $0x4  }
0x12d: {  	v1 =	vadd.f32 v57, v1;
	_ =	sdelay $0x1  }
0x12e: {  	[tilespmem:$0x1FC10] =	vst v1;
	v1 =	vld [tilespmem:$0x1FC20];
	_ =	sdelay $0x4  }
0x12f: {  	v1 =	vadd.f32 v57, v1;
	_ =	sdelay $0x1  }
0x130: {  	[tilespmem:$0x1FC30] =	vst v1;
	v1 =	vld [tilespmem:$0x1FC40];
	_ =	sdelay $0x4  }
0x131: {  	v1 =	vadd.f32 v57, v1;
	_ =	sdelay $0x1  }
0x132: {  	[tilespmem:$0x1FC50] =	vst v1;
	v1 =	vld [tilespmem:$0x1FC60];
	_ =	sdelay $0x4  }
0x133: {  	v1 =	vadd.f32 v57, v1;
	_ =	sdelay $0x1  }
0x134: {  	[tilespmem:$0x1FC70] =	vst v1;
	v1 =	vld [tilespmem:$0x1FC80];
	_ =	sdelay $0x2  }
0x135: {  	vm4 =	vmand vm15, vm5  }
0x136: {  	vm2 =	vmand vm4, vm2  }
0x137: {  	vm2 =	vmand vm3, vm2;
	v1 =	vadd.f32 v57, v1  }
0x138: {  	vm1 =	vmand vm1, vm2;
	vm2 =	vge.f32 v6, $6.999999880e-01  }
0x139: {  	vm2 =	vmand vm1, vm2;
	[tilespmem:$0x1FC90] =	vst v1;
	v1 =	vimm.f32 $-1.000000000e+00  }
0x13a: {  	v3 =	vsel vm2, $0x3F800000, v1;
	v1 =	vld [tilespmem:$0x1FCA0];
	_ =	sdelay $0x4  }
0x13b: {  	v1 =	vadd.f32 v57, v1;
	_ =	sdelay $0x1  }
0x13c: {  	[tilespmem:$0x1FCB0] =	vst v1;
	v1 =	vadd.f32 v57, v63;
	_ =	sdelay $0x1  }
0x13d: {  	[tilespmem:$0x1FCD0] =	vst v1;
	v1 =	vadd.f32 v57, v60;
	_ =	sdelay $0x1  }
0x13e: {  	[tilespmem:$0x1FCF0] =	vst v1;
	v1 =	vadd.f32 v57, v62;
	_ =	sdelay $0x1  }
0x13f: {  	[tilespmem:$0x1FD10] =	vst v1;
	v1 =	vadd.f32 v57, v51;
	_ =	sdelay $0x1  }
0x140: {  	[tilespmem:$0x1FD30] =	vst v1;
	v1 =	vadd.f32 v57, v58;
	_ =	sdelay $0x1  }
0x141: {  	[tilespmem:$0x1FD50] =	vst v1;
	v1 =	vadd.f32 v57, v50;
	_ =	sdelay $0x1  }
0x142: {  	[tilespmem:$0x1FD70] =	vst v1;
	v1 =	vadd.f32 v57, v52;
	_ =	sdelay $0x1  }
0x143: {  	[tilespmem:$0x1FD90] =	vst v1;
	v1 =	vadd.f32 v57, v42;
	_ =	sdelay $0x1  }
0x144: {  	[tilespmem:$0x1FDB0] =	vst v1;
	v1 =	vadd.f32 v57, v40;
	_ =	sdelay $0x1  }
0x145: {  	[tilespmem:$0x1FDD0] =	vst v1;
	v1 =	vadd.f32 v57, v48;
	_ =	sdelay $0x1  }
0x146: {  	[tilespmem:$0x1FDF0] =	vst v1;
	v1 =	vadd.f32 v57, v49;
	_ =	sdelay $0x1  }
0x147: {  	[tilespmem:$0x1FE10] =	vst v1;
	v1 =	vld [tilespmem:$0x1FE20];
	_ =	sdelay $0x4  }
0x148: {  	[tilespmem:$0x1FDE0] =	vst v48;
	v48 =	vmax.f32 v37, v1;
	v1 =	vld [tilespmem:$0x1FE30];
	_ =	sdelay $0x2  }
0x149: {  	v10 =	vmul.f32 $6.250000000e-02, v10;
	_ =	sdelay $0x1  }
0x14a: {  	[tilespmem:$0x1FBD0] =	vst v6;
	vm3 =	vle.f32 v6, $3.000000120e-01;
	v6 =	vnsel vm1, $0x0, v10;
	v10 =	vmax.f32 v37, v1;
	v1 =	vld [tilespmem:$0x1FE40];
	_ =	sdelay $0x2  }
0x14b: {  	v30 =	vmul.f32 $6.250000000e-02, v30;
	_ =	sdelay $0x1  }
0x14c: {  	v35 =	vnsel vm1, $0x0, v30;
	v30 =	vmax.f32 v37, v1;
	v1 =	vld [tilespmem:$0x1FE50];
	_ =	sdelay $0x4  }
0x14d: {  	[tilespmem:$0x1FE00] =	vst v49;
	v49 =	vmax.f32 v37, v1;
	v1 =	vld [tilespmem:$0x1FE60];
	_ =	sdelay $0x4  }
0x14e: {  	[tilespmem:$0x1FD60] =	vst v50;
	v50 =	vmax.f32 v37, v1;
	v1 =	vld [tilespmem:$0x1FE70];
	_ =	sdelay $0x4  }
0x14f: {  	v56 =	vmax.f32 v37, v1;
	v1 =	vld [tilespmem:$0x1FE80];
	_ =	sdelay $0x4  }
0x150: {  	[tilespmem:$0x1FDA0] =	vst v42;
	v42 =	vmax.f32 v37, v1;
	v1 =	vld [tilespmem:$0x1FE90];
	_ =	sdelay $0x4  }
0x151: {  	[tilespmem:$0x1FD20] =	vst v51;
	v51 =	vmax.f32 v37, v1;
	v1 =	vld [tilespmem:$0x1FEA0];
	_ =	sdelay $0x4  }
0x152: {  	[tilespmem:$0x1FD80] =	vst v52;
	v52 =	vmax.f32 v37, v1;
	v1 =	vld [tilespmem:$0x1FED0];
	_ =	sdelay $0x2  }
0x153: {  	v28 =	vmul.f32 $6.250000000e-02, v28;
	_ =	sdelay $0x1  }
0x154: {  	[tilespmem:$0x1FB80] =	vst v7;
	v7 =	vnsel vm1, $0x0, v28;
	v28 =	vmax.f32 v37, v1;
	v1 =	vld [tilespmem:$0x1FEE0];
	_ =	sdelay $0x4  }
0x155: {  	v38 =	vmax.f32 v37, v1;
	v1 =	vld [tilespmem:$0x1FEF0];
	_ =	sdelay $0x4  }
0x156: {  	v36 =	vmax.f32 v37, v1;
	v1 =	vld [tilespmem:$0x1FF00];
	_ =	sdelay $0x4  }
0x157: {  	v57 =	vmin.f32 v54, v1;
	v1 =	vld [tilespmem:$0x1FF10];
	_ =	sdelay $0x4  }
0x158: {  	[tilespmem:$0x1FEC0] =	vst v59;
	v39 =	vmax.f32 v37, v59;
	v59 =	vmin.f32 v54, v1;
	v1 =	vld [tilespmem:$0x1FF20];
	_ =	sdelay $0x4  }
0x159: {  	[tilespmem:$0x1FD40] =	vst v58;
	v58 =	vmin.f32 v54, v1;
	v1 =	vld [tilespmem:$0x1FF30];
	_ =	sdelay $0x3  }
0x15a: {  	[tilespmem:$0x1FEB0] =	vst v61  }
0x15b: {  	[tilespmem:$0x1FDC0] =	vst v40;
	v40 =	vmax.f32 v37, v61;
	v61 =	vmin.f32 v54, v1;
	v1 =	vld [tilespmem:$0x1FF40];
	_ =	sdelay $0x4  }
0x15c: {  	[tilespmem:$0x1FCE0] =	vst v60;
	v60 =	vmin.f32 v54, v1;
	v1 =	vld [tilespmem:$0x1FF50];
	_ =	sdelay $0x4  }
0x15d: {  	[tilespmem:$0x1FCC0] =	vst v63;
	v63 =	vmin.f32 v54, v1;
	v1 =	vld [tilespmem:$0x1FF60];
	_ =	sdelay $0x2  }
0x15e: {  	v2 =	vmul.f32 $6.250000000e-02, v2  }
0x15f: {  	[tilespmem:$0x1FD00] =	vst v62  }
0x160: {  	s25 =	simm.s32 $0x0;
	[tilespmem:$0x1FB70] =	vst v16;
	v2 =	vnsel vm1, $0x0, v2;
	v62 =	vmin.f32 v54, v1;
	v1 =	vld [tilespmem:$0x1FF70]  }
0x161: {  	[tilespmem:s25+$0xC30] =	vst v2  }
0x162: {  	[tilespmem:s25+$0x480] =	vst v6  }
0x163: {  	vm3 =	vmand vm1, vm3;
	[tilespmem:s25+$0x710] =	vst v7  }
0x164: {  	s26 =	simm.s32 $0x40;
	[tilespmem:s25+$0x9A0] =	vst v35;
	v5 =	vsel vm3, $0x0, v3  }
0x165: {  	s30 =	simm.s32 $0x80;
	s29 =	smov.u32 s28;
	[tilespmem:s25+$0x180] =	vst v5;
	s25 =	simm.s32 $0x0;
	v2 =	vmin.f32 v54, v1  }
.LBB2_2:
0x166: {  	v1 =	vld [tilespmem:$0x1F7C0];
	_ =	sdelay $0x4  }
0x167: {  	v3 =	vmin.f32 v54, v1;
	v1 =	vld [tilespmem:$0x1F7B0];
	_ =	sdelay $0x4  }
0x168: {  	v5 =	vmin.f32 v54, v1;
	v1 =	vld [tilespmem:$0x1F800];
	_ =	sdelay $0x4  }
0x169: {  	v56 =	vsub.f32 v61, v56;
	v61 =	vmin.f32 v54, v1;
	v1 =	vld [tilespmem:$0x1F7F0];
	_ =	sdelay $0x3  }
0x16a: {  	v27 =	vmax.f32 v19, $0.0e+00;
	v19 =	vmax.f32 v0, $0.0e+00;
	v0 =	vld [tilespmem:$0x1FBC0]  }
0x16b: {  	v6 =	vmin.f32 v54, v1;
	v1 =	vld [tilespmem:$0x1F7E0]  }
0x16c: {  	v50 =	vsub.f32 v60, v50;
	v60 =	vmax.f32 v45, $0.0e+00  }
0x16d: {  	v27 =	vmul.f32 v27, v60;
	_ =	sdelay $0x1  }
0x16e: {  	v18 =	vmax.f32 v12, $0.0e+00;
	v12 =	vsub.f32 v0, v27;
	v0 =	vld [tilespmem:$0x1FBA0]  }
0x16f: {  	v35 =	vmin.f32 v54, v1;
	v1 =	vld [tilespmem:$0x1F7D0]  }
0x170: {  	v10 =	vsub.f32 v59, v10;
	v29 =	vmax.f32 v14, $0.0e+00;
	v59 =	vmax.f32 v43, $0.0e+00  }
0x171: {  	v29 =	vmul.f32 v29, v59;
	_ =	sdelay $0x1  }
0x172: {  	v21 =	vmax.f32 v17, $0.0e+00;
	v17 =	vmax.f32 v11, $0.0e+00;
	v11 =	vsub.f32 v0, v29;
	v0 =	vld [tilespmem:$0x1FC10]  }
0x173: {  	v30 =	vsub.f32 v57, v30;
	v57 =	vmin.f32 v54, v1;
	v1 =	vld [tilespmem:$0x1FA00]  }
0x174: {  	v24 =	vmax.f32 v24, $0.0e+00;
	v46 =	vmax.f32 v46, $0.0e+00  }
0x175: {  	v24 =	vmul.f32 v24, v46;
	_ =	sdelay $0x1  }
0x176: {  	v16 =	vmax.f32 v9, $0.0e+00;
	v9 =	vsub.f32 v0, v24;
	v0 =	vld [tilespmem:$0x1FBF0]  }
0x177: {  	v14 =	vmax.f32 v1, $0.0e+00;
	v1 =	vld [tilespmem:$0x1F9B0]  }
0x178: {  	v33 =	vmax.f32 v33, $0.0e+00;
	v44 =	vmax.f32 v44, $0.0e+00  }
0x179: {  	v33 =	vmul.f32 v33, v44  }
0x17a: {  	(erf) = vrcp.f32 v12  }
0x17b: {  	(erf) = vrcp.f32 v11;
	v0 =	vsub.f32 v0, v33;
	v36 =	vsub.f32 v35, v36  }
0x17c: {  	v35 =	vmax.f32 v15, $0.0e+00;
	v15 =	vmax.f32 v13, $0.0e+00;
	v13 =	vmax.f32 v1, $0.0e+00;
	v1 =	vld [tilespmem:$0x1FC50]  }
0x17d: {  	v48 =	vsub.f32 v58, v48;
	v4 =	vld [tilespmem:$0x1FC30];
	(erf) = vrcp.f32 v9  }
0x17e: {  	v39 =	vsub.f32 v61, v39;
	v61 =	vmax.f32 v47, $0.0e+00;
	(erf) = vrcp.f32 v0;
	v0 =	vld [tilespmem:$0x1FC70]  }
0x17f: {  	v25 =	vmax.f32 v25, $0.0e+00;
	v41 =	vmax.f32 v41, $0.0e+00;
	v35 =	vmul.f32 v35, v61  }
0x180: {  	v34 =	vmax.f32 v34, $0.0e+00;
	v30 =	vmax.f32 v30, $0.0e+00;
	v12 =	vmul.f32 v25, v41  }
0x181: {  	v49 =	vsub.f32 v63, v49;
	v11 =	vmul.f32 v34, v30;
	v1 =	vsub.f32 v1, v35  }
0x182: {  	v2 =	vsub.f32 v2, v51;
	v8 =	vsub.f32 v4, v12  }
0x183: {  	v7 =	vsub.f32 v62, v52;
	v45 =	vld [tilespmem:$0x1FC90];
	v0 =	vsub.f32 v0, v11;
	(erf) = vrcp.f32 v1  }
0x184: {  	v20 =	vmax.f32 v20, $0.0e+00;
	v26 =	vmax.f32 v26, $0.0e+00;
	v46 =	vld [tilespmem:$0x1FCB0];
	(erf) = vrcp.f32 v8  }
0x185: {  	v23 =	vmax.f32 v23, $0.0e+00;
	v10 =	vmax.f32 v10, $0.0e+00;
	(erf) = vrcp.f32 v0;
	v0 =	vld [tilespmem:$0x1FCD0]  }
0x186: {  	v62 =	vmax.f32 v50, $0.0e+00;
	v48 =	vmax.f32 v48, $0.0e+00;
	v9 =	vmul.f32 v21, v10  }
0x187: {  	v63 =	vmax.f32 v56, $0.0e+00;
	v10 =	vmul.f32 v26, v48;
	v40 =	vsub.f32 v6, v40;
	v6 =	vld [tilespmem:$0x1FD10]  }
0x188: {  	v28 =	vsub.f32 v5, v28;
	v5 =	vsub.f32 v45, v9;
	v1 =	vmul.f32 v20, v63  }
0x189: {  	v2 =	vmax.f32 v2, $0.0e+00;
	v51 =	vmax.f32 v7, $0.0e+00;
	v4 =	vsub.f32 v46, v10  }
0x18a: {  	v7 =	vmul.f32 v23, v62;
	(erf) = vrcp.f32 v5;
	v0 =	vsub.f32 v0, v1  }
0x18b: {  	v49 =	vmax.f32 v49, $0.0e+00;
	v48 =	vmul.f32 v13, v2;
	v2 =	vld [tilespmem:$0x1FCF0];
	(erf) = vrcp.f32 v4  }
0x18c: {  	v8 =	vmul.f32 v15, v49;
	v15 =	vsub.f32 v6, v7;
	(erf) = vrcp.f32 v0;
	v0 =	vld [tilespmem:$0x1FD50];
	_ =	sdelay $0x1  }
0x18d: {  	v22 =	vmax.f32 v22, $0.0e+00;
	v13 =	vpop (erf);
	(erf) = vrcp.f32 v15;
	v15 =	vld [tilespmem:$0x1FD30]  }
0x18e: {  	v47 =	vmul.f32 v22, v51  }
0x18f: {  	v3 =	vsub.f32 v3, v42;
	v2 =	vsub.f32 v2, v8  }
0x190: {  	v0 =	vsub.f32 v0, v47  }
0x191: {  	v3 =	vmax.f32 v3, $0.0e+00;
	v49 =	vpop (erf);
	(erf) = vrcp.f32 v2;
	v2 =	vld [tilespmem:$0x1FD90]  }
0x192: {  	v3 =	vmul.f32 v16, v3;
	v16 =	vpop (erf);
	v22 =	vsub.f32 v15, v48;
	(erf) = vrcp.f32 v0;
	v0 =	vld [tilespmem:$0x1FD70];
	_ =	sdelay $0x1  }
0x193: {  	v28 =	vmax.f32 v28, $0.0e+00;
	v38 =	vsub.f32 v57, v38;
	v20 =	vpop (erf);
	(erf) = vrcp.f32 v22;
	v22 =	vld [tilespmem:$0x1FE10]  }
0x194: {  	v14 =	vmul.f32 v14, v28  }
0x195: {  	v38 =	vmax.f32 v38, $0.0e+00;
	v2 =	vsub.f32 v2, v3  }
0x196: {  	v19 =	vmul.f32 v19, v38;
	v0 =	vsub.f32 v0, v14  }
0x197: {  	v15 =	vpop (erf);
	(erf) = vrcp.f32 v2;
	v2 =	vld [tilespmem:$0x1FDF0]  }
0x198: {  	v23 =	vpop (erf);
	v28 =	vsub.f32 v22, v19;
	(erf) = vrcp.f32 v0;
	v0 =	vld [tilespmem:$0x1FDB0]  }
0x199: {  	v32 =	vmax.f32 v32, $0.0e+00  }
0x19a: {  	v40 =	vmax.f32 v40, $0.0e+00;
	v36 =	vmax.f32 v36, $0.0e+00;
	v25 =	vpop (erf);
	(erf) = vrcp.f32 v28;
	v28 =	vld [tilespmem:$0x1FDD0]  }
0x19b: {  	v39 =	vmax.f32 v39, $0.0e+00;
	v17 =	vmul.f32 v17, v40;
	v21 =	vmul.f32 v32, v36  }
0x19c: {  	v18 =	vmul.f32 v18, v39  }
0x19d: {  	v6 =	vmul.f32 v49, v29;
	v2 =	vsub.f32 v2, v21;
	v50 =	vsub.f32 v0, v17;
	v0 =	vld [tilespmem:$0x1FBD0]  }
0x19e: {  	v16 =	vmul.f32 v16, v24;
	v20 =	vmul.f32 v20, v33;
	v22 =	vpop (erf)  }
0x19f: {  	v15 =	vmul.f32 v15, v35;
	v30 =	vpop (erf);
	(erf) = vrcp.f32 v2;
	v28 =	vsub.f32 v28, v18  }
0x1a0: {  	v12 =	vmul.f32 v23, v12;
	v26 =	vpop (erf);
	(erf) = vrcp.f32 v50  }
0x1a1: {  	s28 =	sadd.s32 $0x10, s28;
	v52 =	vimm.s32 $0x0;
	v2 =	vmul.f32 v13, v27;
	v13 =	vpop (erf);
	(erf) = vrcp.f32 v28  }
0x1a2: {  	v11 =	vmul.f32 v25, v11;
	v24 =	vpop (erf);
	vm2 =	vgt.f32 v0, $6.999999880e-01;
	v0 =	vor.u32 s28, v55  }
0x1a3: {  	v9 =	vmul.f32 v22, v9;
	v10 =	vmul.f32 v30, v10;
	v55 =	vpop (erf);
	v51 =	vmul.u32 $0xE39, v0  }
0x1a4: {  	v58 =	vimm.s32 $0x20;
	v1 =	vmul.f32 v26, v1;
	v7 =	vmul.f32 v13, v7;
	v23 =	vpop (erf)  }
0x1a5: {  	v8 =	vmul.f32 v24, v8;
	vm1 =	vmand vm1, vm2;
	v22 =	vpop (erf);
	v28 =	vshra.s32 v51, $0x17  }
0x1a6: {  	v5 =	vmul.f32 v55, v47;
	v27 =	vsel vm1, $0x1, v52;
	v13 =	vpop (erf);
	v29 =	vmul.u32 $0xB, v28  }
0x1a7: {  	v4 =	vmul.f32 v23, v48;
	v3 =	vmul.f32 v22, v3;
	v56 =	vmul.u32 $0xFFFFF700, v28;
	v24 =	vpop (erf)  }
0x1a8: {  	v13 =	vmul.f32 v13, v14;
	v19 =	vmul.f32 v24, v19;
	v23 =	vpop (erf);
	v25 =	vshra.s32 v29, $0x5  }
0x1a9: {  	v21 =	vmul.f32 v23, v21;
	v22 =	vpop (erf);
	vm2 =	veq.s32 v25, $0x2;
	vm1 =	veq.s32 v25, $0x1  }
0x1aa: {  	v19 =	vmax.f32 v19, $0.0e+00;
	v17 =	vmul.f32 v22, v17;
	v14 =	vpop (erf);
	v24 =	vsel vm2, $0x1, v52  }
0x1ab: {  	vm2 =	vgt.f32 v21, v19;
	v19 =	vmax.f32 v19, v21;
	v14 =	vmul.f32 v14, v18  }
0x1ac: {  	v21 =	vsel vm2, $0x1, v52;
	vm2 =	vgt.f32 v17, v19;
	v17 =	vmax.f32 v19, v17  }
0x1ad: {  	v19 =	vsel vm2, $0x2, v21;
	vm2 =	vgt.f32 v14, v17;
	v14 =	vmax.f32 v17, v14  }
0x1ae: {  	v17 =	vsel vm2, $0x3, v19;
	vm2 =	vgt.f32 v13, v14;
	v13 =	vmax.f32 v14, v13  }
0x1af: {  	v14 =	vsel vm2, $0x4, v17;
	vm2 =	vgt.f32 v3, v13;
	v3 =	vmax.f32 v13, v3  }
0x1b0: {  	v13 =	vsel vm2, $0x5, v14;
	vm2 =	vgt.f32 v4, v3;
	v3 =	vmax.f32 v3, v4  }
0x1b1: {  	v57 =	vsel vm2, $0x6, v13;
	vm2 =	vgt.f32 v5, v3;
	v3 =	vmax.f32 v3, v5  }
0x1b2: {  	v4 =	vsel vm2, $0x7, v57;
	vm2 =	vgt.f32 v8, v3;
	v3 =	vmax.f32 v3, v8  }
0x1b3: {  	v4 =	vsel vm2, $0x8, v4;
	vm2 =	vgt.f32 v7, v3;
	v3 =	vmax.f32 v3, v7  }
0x1b4: {  	v4 =	vsel vm2, $0x9, v4;
	vm2 =	vgt.f32 v1, v3;
	v1 =	vmax.f32 v3, v1  }
0x1b5: {  	v3 =	vsel vm2, $0xA, v4;
	vm2 =	vgt.f32 v10, v1;
	v1 =	vmax.f32 v1, v10  }
0x1b6: {  	v3 =	vsel vm2, $0xB, v3;
	vm2 =	vgt.f32 v9, v1;
	v1 =	vmax.f32 v1, v9  }
0x1b7: {  	v3 =	vsel vm2, $0xC, v3;
	vm2 =	vgt.f32 v11, v1;
	v1 =	vmax.f32 v1, v11  }
0x1b8: {  	v3 =	vsel vm2, $0xD, v3;
	vm2 =	vgt.f32 v12, v1;
	v1 =	vmax.f32 v1, v12  }
0x1b9: {  	v3 =	vsel vm2, $0xE, v3;
	vm2 =	vgt.f32 v15, v1;
	v1 =	vmax.f32 v1, v15  }
0x1ba: {  	v3 =	vsel vm2, $0xF, v3;
	vm2 =	vgt.f32 v20, v1;
	v1 =	vmax.f32 v1, v20  }
0x1bb: {  	v25 =	vmul.u32 $0xFFFFFFFD, v25;
	v3 =	vsel vm2, $0x10, v3;
	vm2 =	vgt.f32 v16, v1  }
0x1bc: {  	v10 =	vadd.s32 v0, v56;
	v1 =	vmax.f32 v1, v16;
	v3 =	vsel vm2, $0x11, v3  }
0x1bd: {  	vm2 =	vgt.f32 v6, v1;
	v6 =	vmax.f32 v1, v6;
	v1 =	vadd.s32 v28, v25  }
0x1be: {  	v59 =	vsel vm1, $0x1, v52;
	v0 =	vmul.u32 $0xAAB, v10;
	v1 =	vshll.u32 v58, v1  }
0x1bf: {  	v60 =	vshll.u32 v1, v24;
	v1 =	vshll.u32 v1, v59  }
0x1c0: {  	v0 =	vshra.s32 v0, $0x11;
	v4 =	vcvt.s32.f32 v1;
	v1 =	vmov s29  }
0x1c1: {  	v16 =	vmul.u32 $0xFFFFFFD0, v0;
	vm1 =	vlt.u32 v1, $0x5100;
	v1 =	vcvt.s32.f32 v0;
	v0 =	vld [tilespmem:$0x1FBE0]  }
0x1c2: {  	v13 =	vcvt.s32.f32 v60;
	_ =	sdelay $0x1  }
0x1c3: {  	v14 =	vmul.f32 v4, v13;
	_ =	sdelay $0x1  }
0x1c4: {  	v0 =	vadd.f32 v14, v0;
	_ =	sdelay $0x1  }
0x1c5: {  	[tilespmem:$0x1FBF0] =	vst v0;
	v0 =	vld [tilespmem:$0x1FC00];
	_ =	sdelay $0x4  }
0x1c6: {  	v0 =	vadd.f32 v14, v0;
	_ =	sdelay $0x1  }
0x1c7: {  	[tilespmem:$0x1FC10] =	vst v0;
	v0 =	vld [tilespmem:$0x1FC20];
	_ =	sdelay $0x4  }
0x1c8: {  	v0 =	vadd.f32 v14, v0;
	_ =	sdelay $0x1  }
0x1c9: {  	[tilespmem:$0x1FC30] =	vst v0;
	v0 =	vld [tilespmem:$0x1FC40];
	_ =	sdelay $0x4  }
0x1ca: {  	v0 =	vadd.f32 v14, v0;
	_ =	sdelay $0x1  }
0x1cb: {  	[tilespmem:$0x1FC50] =	vst v0;
	v0 =	vld [tilespmem:$0x1FC60];
	_ =	sdelay $0x4  }
0x1cc: {  	v0 =	vadd.f32 v14, v0;
	_ =	sdelay $0x1  }
0x1cd: {  	v3 =	vsel vm2, $0x12, v3;
	vm2 =	vgt.f32 v2, v6;
	[tilespmem:$0x1FC70] =	vst v0;
	v0 =	vld [tilespmem:$0x1FC80]  }
0x1ce: {  	v3 =	vsel vm2, $0x13, v3;
	_ =	sdelay $0x3  }
0x1cf: {  	v0 =	vadd.f32 v14, v0  }
0x1d0: {  	v15 =	vld.idx.msk [tilespmem:v3+s22+$0x0], $0xffff  }
0x1d1: {  	[tilespmem:$0x1FC90] =	vst v0;
	v0 =	vld [tilespmem:$0x1FB70];
	_ =	sdelay $0x4  }
0x1d2: {  	v15 =	vsub.f32 v0, v15;
	v0 =	vld [tilespmem:$0x1FCA0];
	_ =	sdelay $0x4  }
0x1d3: {  	v0 =	vadd.f32 v14, v0;
	_ =	sdelay $0x1  }
0x1d4: {  	[tilespmem:$0x1FCB0] =	vst v0;
	v0 =	vld [tilespmem:$0x1FCC0]  }
0x1d5: {  	(xrf0) =	vadd.scan.msk.s32 $0xffff, v27  }
0x1d6: {  	vm3 =	vge.f32 v31, $0.0e+00;
	vm2 =	vge.f32 v37, $0.0e+00  }
0x1d7: {  	vm2 =	vmand vm2, vm3;
	vm3 =	vlt.f32 v54, $7.680000000e+02  }
0x1d8: {  	vm2 =	vmand vm2, vm3;
	vm3 =	vlt.f32 v53, $7.680000000e+02  }
0x1d9: {  	v63 =	vmax.f32 v6, v2;
	vm2 =	vmand vm3, vm2;
	v0 =	vadd.f32 v14, v0  }
0x1da: {  	vm1 =	vmand vm1, vm2;
	vm2 =	vge.f32 v63, $6.999999880e-01  }
0x1db: {  	v18, _, _ =	vpop (xrf0);
	vm2 =	vmand vm1, vm2;
	[tilespmem:$0x1FCD0] =	vst v0;
	v0 =	vimm.f32 $-1.000000000e+00  }
0x1dc: {  	(v2sf) =	vpush v18, $0xF;
	v18 =	vsel vm2, $0x3F800000, v0;
	v0 =	vld [tilespmem:$0x1FCE0];
	_ =	sdelay $0x4  }
0x1dd: {  	v0 =	vadd.f32 v14, v0;
	_ =	sdelay $0x1  }
0x1de: {  	[tilespmem:$0x1FCF0] =	vst v0;
	v0 =	vld [tilespmem:$0x1FD00];
	_ =	sdelay $0x4  }
0x1df: {  	v0 =	vadd.f32 v14, v0;
	_ =	sdelay $0x1  }
0x1e0: {  	[tilespmem:$0x1FD10] =	vst v0;
	v0 =	vld [tilespmem:$0x1FD20];
	_ =	sdelay $0x4  }
0x1e1: {  	v0 =	vadd.f32 v14, v0;
	_ =	sdelay $0x1  }
0x1e2: {  	[tilespmem:$0x1FD30] =	vst v0;
	v0 =	vld [tilespmem:$0x1FD40];
	_ =	sdelay $0x4  }
0x1e3: {  	v0 =	vadd.f32 v14, v0;
	_ =	sdelay $0x1  }
0x1e4: {  	[tilespmem:$0x1FD50] =	vst v0;
	v0 =	vld [tilespmem:$0x1FD60];
	_ =	sdelay $0x4  }
0x1e5: {  	v0 =	vadd.f32 v14, v0;
	_ =	sdelay $0x1  }
0x1e6: {  	[tilespmem:$0x1FD70] =	vst v0;
	v0 =	vld [tilespmem:$0x1FD80];
	_ =	sdelay $0x4  }
0x1e7: {  	v0 =	vadd.f32 v14, v0;
	_ =	sdelay $0x1  }
0x1e8: {  	[tilespmem:$0x1FD90] =	vst v0;
	v0 =	vld [tilespmem:$0x1FDA0];
	_ =	sdelay $0x4  }
0x1e9: {  	v0 =	vadd.f32 v14, v0;
	_ =	sdelay $0x1  }
0x1ea: {  	[tilespmem:$0x1FDB0] =	vst v0;
	v0 =	vld [tilespmem:$0x1FDC0];
	_ =	sdelay $0x4  }
0x1eb: {  	v0 =	vadd.f32 v14, v0;
	_ =	sdelay $0x1  }
0x1ec: {  	[tilespmem:$0x1FDD0] =	vst v0;
	v0 =	vld [tilespmem:$0x1FDE0];
	_ =	sdelay $0x4  }
0x1ed: {  	v0 =	vadd.f32 v14, v0;
	_ =	sdelay $0x1  }
0x1ee: {  	[tilespmem:$0x1FDF0] =	vst v0;
	v0 =	vld [tilespmem:$0x1FE00];
	_ =	sdelay $0x3  }
0x1ef: {  	v19 =	vld.idx.msk [tilespmem:v3+s20+$0x0], $0xffff  }
0x1f0: {  	v2 =	vmul.f32 $6.250000000e-02, v15;
	v15 =	vld.idx.msk [tilespmem:v3+s19+$0x0], $0xffff;
	v0 =	vadd.f32 v14, v0  }
0x1f1: {  	v3 =	vld.idx.msk [tilespmem:v3+s21+$0x0], $0xffff  }
0x1f2: {  	[tilespmem:$0x1FE10] =	vst v0;
	v0 =	vld [tilespmem:$0x1FB80];
	_ =	sdelay $0x3  }
0x1f3: {  	s31 =	sshra.s32 s26, $0x2;
	vm3 =	vle.f32 v63, $3.000000120e-01;
	v2 =	vnsel vm1, $0x0, v2  }
0x1f4: {  	v17 =	vmul.f32 $1.600000000e+01, v1;
	v1 =	vmovc v4;
	[tilespmem:s31+$0xC30] =	vst v2;
	v2 =	vadd.s32 v10, v16;
	v3 =	vsub.f32 v0, v3;
	v0 =	vld [tilespmem:$0x1F810]  }
0x1f5: {  	v10 =	vmul.f32 $5.000000000e-01, v1;
	v2 =	vcvt.s32.f32 v2;
	vm2 =	vmand vm1, vm3  }
0x1f6: {  	v16 =	vmul.f32 $5.000000000e-01, v13;
	v18 =	vsel vm2, $0x0, v18  }
0x1f7: {  	v61 =	vld [tilespmem:$0x1FB90];
	v2 =	vmul.f32 $1.600000000e+01, v2;
	[tilespmem:s31+$0x180] =	vst v18;
	v18 =	vsub.f32 v31, v19;
	v31 =	vsub.f32 v17, v10  }
0x1f8: {  	v62 =	vld [tilespmem:$0x1FBB0]  }
0x1f9: {  	v15 =	vsub.f32 v37, v15;
	v37 =	vsub.f32 v2, v16;
	v2 =	vmax.f32 v31, v0;
	v0 =	vld [tilespmem:$0x1F850];
	_ =	sdelay $0x2  }
0x1fa: {  	v5 =	vadd.f32 v14, v61;
	_ =	sdelay $0x1  }
0x1fb: {  	[tilespmem:$0x1FBA0] =	vst v5;
	v5 =	vadd.f32 v14, v62;
	v14 =	vmax.f32 v31, v0;
	v0 =	vld [tilespmem:$0x1F870];
	_ =	sdelay $0x4  }
0x1fc: {  	v10 =	vmul.f32 $6.250000000e-02, v15;
	v15 =	vmax.f32 v31, v0;
	v0 =	vld [tilespmem:$0x1F830];
	_ =	sdelay $0x4  }
0x1fd: {  	v16 =	vmax.f32 v31, v0;
	v0 =	vld [tilespmem:$0x1F890];
	_ =	sdelay $0x4  }
0x1fe: {  	v17 =	vmax.f32 v31, v0;
	v0 =	vld [tilespmem:$0x1F8B0];
	_ =	sdelay $0x4  }
0x1ff: {  	v8 =	vmov v13;
	v13 =	vmul.f32 $6.250000000e-02, v18;
	v18 =	vmax.f32 v31, v0;
	v0 =	vld [tilespmem:$0x1F930];
	_ =	sdelay $0x3  }
0x200: {  	v13 =	vnsel vm1, $0x0, v13  }
0x201: {  	[tilespmem:s31+$0x710] =	vst v13;
	v13 =	vmax.f32 v31, v0;
	v0 =	vld [tilespmem:$0x1F8D0];
	_ =	sdelay $0x4  }
0x202: {  	v19 =	vmax.f32 v31, v0;
	v0 =	vld [tilespmem:$0x1F8F0];
	_ =	sdelay $0x4  }
0x203: {  	v20 =	vmax.f32 v31, v0;
	v0 =	vld [tilespmem:$0x1F950];
	_ =	sdelay $0x1  }
0x204: {  	v3 =	vmul.f32 $6.250000000e-02, v3;
	_ =	sdelay $0x1  }
0x205: {  	v3 =	vnsel vm1, $0x0, v3  }
0x206: {  	[tilespmem:s31+$0x9A0] =	vst v3;
	v3 =	vmax.f32 v31, v0;
	v0 =	vld [tilespmem:$0x1F970];
	_ =	sdelay $0x4  }
0x207: {  	v22 =	vmax.f32 v31, v0;
	v0 =	vld [tilespmem:$0x1F910];
	_ =	sdelay $0x4  }
0x208: {  	v23 =	vmax.f32 v31, v0;
	v0 =	vld [tilespmem:$0x1FA10];
	_ =	sdelay $0x4  }
0x209: {  	v32 =	vmax.f32 v31, v0;
	v0 =	vld [tilespmem:$0x1F990];
	_ =	sdelay $0x4  }
0x20a: {  	v41 =	vmax.f32 v31, v0;
	v0 =	vld [tilespmem:$0x1F9C0];
	_ =	sdelay $0x4  }
0x20b: {  	v43 =	vmax.f32 v31, v0;
	v0 =	vld [tilespmem:$0x1FA30];
	_ =	sdelay $0x4  }
0x20c: {  	v44 =	vmax.f32 v31, v0;
	v0 =	vld [tilespmem:$0x1FA50];
	_ =	sdelay $0x4  }
0x20d: {  	v45 =	vmax.f32 v31, v0;
	v0 =	vld [tilespmem:$0x1F9E0];
	_ =	sdelay $0x4  }
0x20e: {  	v46 =	vmax.f32 v31, v0;
	v0 =	vld [tilespmem:$0x1FA60];
	_ =	sdelay $0x4  }
0x20f: {  	v47 =	vmax.f32 v31, v0;
	v0 =	vld [tilespmem:$0x1FA90];
	_ =	sdelay $0x4  }
0x210: {  	v60 =	vmax.f32 v31, v0;
	v0 =	vld [tilespmem:$0x1FB10];
	_ =	sdelay $0x4  }
0x211: {  	v0 =	vmax.f32 v37, v0  }
0x212: {  	[tilespmem:$0x1F7A0] =	vst v0;
	v0 =	vld [tilespmem:$0x1FAA0];
	_ =	sdelay $0x4  }
0x213: {  	v62 =	vmax.f32 v37, v0;
	v0 =	vld [tilespmem:$0x1FAD0];
	_ =	sdelay $0x4  }
0x214: {  	[tilespmem:$0x1FBC0] =	vst v5;
	v5 =	vmax.f32 v37, v0;
	v0 =	vld [tilespmem:$0x1FB20];
	_ =	sdelay $0x4  }
0x215: {  	v6 =	vmax.f32 v37, v0;
	v0 =	vld [tilespmem:$0x1FB50];
	_ =	sdelay $0x4  }
0x216: {  	v7 =	vmax.f32 v37, v0;
	v0 =	vld [tilespmem:$0x1FAE0];
	_ =	sdelay $0x4  }
0x217: {  	v55 =	vmax.f32 v37, v0;
	v0 =	vld [tilespmem:$0x1FE20];
	_ =	sdelay $0x4  }
0x218: {  	v48 =	vmax.f32 v37, v0;
	v0 =	vld [tilespmem:$0x1FE30];
	_ =	sdelay $0x3  }
0x219: {  	v10 =	vnsel vm1, $0x0, v10  }
0x21a: {  	[tilespmem:s31+$0x480] =	vst v10;
	v10 =	vmax.f32 v37, v0;
	v0 =	vld [tilespmem:$0x1FE40];
	_ =	sdelay $0x4  }
0x21b: {  	v30 =	vmax.f32 v37, v0;
	v0 =	vld [tilespmem:$0x1FE50];
	_ =	sdelay $0x4  }
0x21c: {  	v49 =	vmax.f32 v37, v0;
	v0 =	vld [tilespmem:$0x1FE60];
	_ =	sdelay $0x4  }
0x21d: {  	v50 =	vmax.f32 v37, v0;
	v0 =	vld [tilespmem:$0x1FE70];
	_ =	sdelay $0x4  }
0x21e: {  	v56 =	vmax.f32 v37, v0;
	v0 =	vld [tilespmem:$0x1FE80];
	_ =	sdelay $0x4  }
0x21f: {  	v42 =	vmax.f32 v37, v0;
	v0 =	vld [tilespmem:$0x1FE90];
	_ =	sdelay $0x4  }
0x220: {  	v51 =	vmax.f32 v37, v0;
	v0 =	vld [tilespmem:$0x1FEA0];
	_ =	sdelay $0x4  }
0x221: {  	v52 =	vmax.f32 v37, v0;
	v0 =	vld [tilespmem:$0x1FEB0];
	_ =	sdelay $0x4  }
0x222: {  	v40 =	vmax.f32 v37, v0;
	v0 =	vld [tilespmem:$0x1FEC0];
	_ =	sdelay $0x4  }
0x223: {  	v39 =	vmax.f32 v37, v0;
	v0 =	vld [tilespmem:$0x1FED0];
	_ =	sdelay $0x4  }
0x224: {  	v28 =	vmax.f32 v37, v0;
	v0 =	vld [tilespmem:$0x1FEE0];
	_ =	sdelay $0x4  }
0x225: {  	v38 =	vmax.f32 v37, v0;
	v0 =	vld [tilespmem:$0x1FEF0];
	_ =	sdelay $0x4  }
0x226: {  	v36 =	vmax.f32 v37, v0;
	v0 =	vld [tilespmem:$0x1F840];
	_ =	sdelay $0x2  }
0x227: {  	v53 =	vadd.f32 v1, v31;
	_ =	sdelay $0x1  }
0x228: {  	v21 =	vmin.f32 v53, v0;
	v0 =	vld [tilespmem:$0x1F860];
	_ =	sdelay $0x4  }
0x229: {  	v25 =	vmin.f32 v53, v0;
	v0 =	vld [tilespmem:$0x1F820];
	_ =	sdelay $0x4  }
0x22a: {  	v24 =	vmin.f32 v53, v0;
	v0 =	vld [tilespmem:$0x1F8A0];
	_ =	sdelay $0x4  }
0x22b: {  	v26 =	vmin.f32 v53, v0;
	v0 =	vld [tilespmem:$0x1F8C0];
	_ =	sdelay $0x4  }
0x22c: {  	v34 =	vmin.f32 v53, v0;
	v0 =	vld [tilespmem:$0x1F880];
	_ =	sdelay $0x4  }
0x22d: {  	v33 =	vmin.f32 v53, v0;
	v0 =	vld [tilespmem:$0x1F940];
	_ =	sdelay $0x4  }
0x22e: {  	v57 =	vmin.f32 v53, v0;
	v0 =	vld [tilespmem:$0x1F8E0];
	_ =	sdelay $0x4  }
0x22f: {  	v58 =	vmin.f32 v53, v0;
	v0 =	vld [tilespmem:$0x1F900];
	_ =	sdelay $0x4  }
0x230: {  	v59 =	vmin.f32 v53, v0;
	v0 =	vld [tilespmem:$0x1F960];
	_ =	sdelay $0x4  }
0x231: {  	v61 =	vmin.f32 v53, v0;
	v0 =	vld [tilespmem:$0x1F980];
	_ =	sdelay $0x2  }
0x232: {  	v4 =	vld [tilespmem:$0x1FAB0]  }
0x233: {  	v33 =	vsub.f32 v33, v15;
	v15 =	vld [tilespmem:$0x1FB30]  }
0x234: {  	[tilespmem:$0x1FBD0] =	vst v63;
	v63 =	vmin.f32 v53, v0;
	v0 =	vld [tilespmem:$0x1F920];
	_ =	sdelay $0x1  }
0x235: {  	v54 =	vadd.f32 v8, v37  }
0x236: {  	v9 =	vld [tilespmem:$0x1F9D0];
	v35 =	vmin.f32 v53, v4  }
0x237: {  	v4 =	vsub.f32 v24, v2;
	v24 =	vsub.f32 v21, v16;
	v21 =	vmin.f32 v54, v15;
	v15 =	vld [tilespmem:$0x1FAC0]  }
0x238: {  	[tilespmem:$0x1FB80] =	vst v8;
	v8 =	vmin.f32 v53, v0;
	v0 =	vld [tilespmem:$0x1FA20];
	_ =	sdelay $0x2  }
0x239: {  	v9 =	vmin.f32 v53, v9  }
0x23a: {  	v16 =	vmin.f32 v54, v15;
	v15 =	vsub.f32 v34, v18;
	v34 =	vsub.f32 v59, v20  }
0x23b: {  	[tilespmem:$0x1FB70] =	vst v1;
	v20 =	vsub.f32 v8, v23;
	v23 =	vsub.f32 v63, v22;
	v1 =	vmin.f32 v53, v0;
	v0 =	vld [tilespmem:$0x1F9A0]  }
0x23c: {  	v22 =	vsub.f32 v9, v43;
	v9 =	vsub.f32 v1, v32;
	v1 =	vld [tilespmem:$0x1FF40];
	_ =	sdelay $0x3  }
0x23d: {  	v0 =	vmin.f32 v53, v0  }
0x23e: {  	v32 =	vsub.f32 v35, v60;
	v0 =	vsub.f32 v0, v41;
	v60 =	vmin.f32 v54, v1;
	v1 =	vld [tilespmem:$0x1FF50]  }
0x23f: {  	v27 =	vld [tilespmem:$0x1F9F0]  }
0x240: {  	[tilespmem:$0x1F9B0] =	vst v0;
	v0 =	vld [tilespmem:$0x1FF10]  }
0x241: {  	v29 =	vld [tilespmem:$0x1FA80]  }
0x242: {  	v11 =	vld [tilespmem:$0x1FA40]  }
0x243: {  	v63 =	vmin.f32 v54, v1;
	v1 =	vld [tilespmem:$0x1FF60]  }
0x244: {  	v27 =	vmin.f32 v53, v27;
	v14 =	vsub.f32 v25, v14;
	v25 =	vsub.f32 v26, v17;
	v17 =	vld [tilespmem:$0x1FB00]  }
0x245: {  	v12 =	vld [tilespmem:$0x1FA70];
	v59 =	vmin.f32 v54, v0;
	v0 =	vsub.f32 v27, v46  }
0x246: {  	v2 =	vld [tilespmem:$0x1FAF0]  }
0x247: {  	[tilespmem:$0x1FA00] =	vst v0;
	v0 =	vld [tilespmem:$0x1FF20]  }
0x248: {  	v43 =	vsub.f32 v16, v62;
	v62 =	vmin.f32 v54, v1;
	v1 =	vld [tilespmem:$0x1F7A0]  }
0x249: {  	v18 =	vmin.f32 v54, v17;
	v17 =	vsub.f32 v58, v19;
	v19 =	vld [tilespmem:$0x1FB60]  }
0x24a: {  	v26 =	vsub.f32 v57, v13;
	v13 =	vsub.f32 v61, v3;
	v3 =	vld [tilespmem:$0x1FF00]  }
0x24b: {  	v8 =	vld [tilespmem:$0x1FB40]  }
0x24c: {  	v58 =	vmin.f32 v54, v0;
	v0 =	vld [tilespmem:$0x1FF30]  }
0x24d: {  	p1 =	sne.s32 s30, $0xA00;
	v11 =	vmin.f32 v53, v11;
	v12 =	vmin.f32 v53, v12;
	v46 =	vsub.f32 v21, v1;
	v1 =	vld [tilespmem:$0x1FF70]  }
.Ltmp0:
0x24e: {  	v29 =	vmin.f32 v53, v29;
	v11 =	vsub.f32 v11, v44;
	v2 =	vmin.f32 v54, v2;
	(pc) =	sbr.rel @p1 .LBB2_2-.Ltmp0, $4  }
0x24f: {  	v12 =	vsub.f32 v12, v45;
	v45 =	vsub.f32 v2, v5;
	v19 =	vmin.f32 v54, v19  }
0x250: {  	v44 =	vsub.f32 v18, v55;
	v55 =	vlaneseq.u32;
	v8 =	vmin.f32 v54, v8  }
0x251: {  	s26 =	smov.u32 s30;
	s1 =	spop (v2sf);
	v57 =	vmin.f32 v54, v3;
	v41 =	vsub.f32 v8, v6;
	v61 =	vmin.f32 v54, v0  }
0x252: {  	s30 =	sadd.s32 $0x40, s30;
	s25 =	sadd.s32 s25, s1;
	s29 =	smov.u32 s28;
	v0 =	vsub.f32 v29, v47;
	v47 =	vsub.f32 v19, v7;
	v19 =	vmovc v4;
	v2 =	vmin.f32 v54, v1  }
0x253: {  	v3 =	vsub.f32 v59, v10;
	v4 =	vsub.f32 v57, v30  }
0x254: {  	v5 =	vsub.f32 v61, v56;
	v6 =	vsub.f32 v58, v48  }
0x255: {  	v7 =	vsub.f32 v63, v49;
	v8 =	vsub.f32 v60, v50  }
0x256: {  	v10 =	vsub.f32 v2, v51;
	v16 =	vsub.f32 v62, v52;
	v35 =	vmax.f32 v19, $0.0e+00  }
0x257: {  	v45 =	vmax.f32 v45, $0.0e+00;
	v48 =	vmax.f32 v14, $0.0e+00;
	v49 =	vmax.f32 v43, $0.0e+00  }
0x258: {  	v1 =	vld [tilespmem:$0x1F7B0];
	v50 =	vmax.f32 v24, $0.0e+00;
	v51 =	vmax.f32 v46, $0.0e+00;
	v52 =	vmax.f32 v33, $0.0e+00  }
0x259: {  	v56 =	vmax.f32 v44, $0.0e+00;
	v57 =	vmax.f32 v15, $0.0e+00;
	v60 =	vld [tilespmem:$0x1FBC0];
	v61 =	vmax.f32 v25, $0.0e+00  }
0x25a: {  	v62 =	vmax.f32 v41, $0.0e+00;
	v63 =	vld [tilespmem:$0x1FBA0];
	v25 =	vmax.f32 v34, $0.0e+00;
	v17 =	vmax.f32 v17, $0.0e+00  }
0x25b: {  	v34 =	vmax.f32 v26, $0.0e+00;
	v20 =	vmax.f32 v20, $0.0e+00;
	v13 =	vmax.f32 v13, $0.0e+00  }
0x25c: {  	v46 =	vmax.f32 v22, $0.0e+00;
	v9 =	vmax.f32 v9, $0.0e+00;
	v19 =	vmul.f32 v35, v45  }
0x25d: {  	v59 =	vld [tilespmem:$0x1F7C0];
	v11 =	vmax.f32 v11, $0.0e+00;
	v12 =	vmax.f32 v12, $0.0e+00;
	v14 =	vmul.f32 v48, v49  }
0x25e: {  	v30 =	vld [tilespmem:$0x1FC10];
	v21 =	vmul.f32 v50, v51;
	v1 =	vmin.f32 v54, v1;
	v2 =	vsub.f32 v60, v19  }
0x25f: {  	v33 =	vld [tilespmem:$0x1FBF0];
	v24 =	vmul.f32 v52, v56;
	v18 =	vsub.f32 v1, v28;
	v28 =	vsub.f32 v63, v14  }
0x260: {  	v41 =	vld [tilespmem:$0x1FC30];
	v58 =	vmax.f32 v47, $0.0e+00;
	v52 =	vmax.f32 v32, $0.0e+00;
	(erf) = vrcp.f32 v2  }
0x261: {  	v0 =	vmax.f32 v0, $0.0e+00;
	v27 =	vmul.f32 v57, v58;
	(erf) = vrcp.f32 v28;
	v28 =	vld [tilespmem:$0x1F7F0]  }
0x262: {  	v47 =	vld [tilespmem:$0x1F7E0];
	v4 =	vmax.f32 v4, $0.0e+00;
	v3 =	vmax.f32 v3, $0.0e+00;
	v6 =	vmax.f32 v6, $0.0e+00  }
0x263: {  	v49 =	vld [tilespmem:$0x1F9B0];
	v5 =	vmax.f32 v5, $0.0e+00;
	v8 =	vmax.f32 v8, $0.0e+00;
	v7 =	vmax.f32 v7, $0.0e+00  }
0x264: {  	v35 =	vld [tilespmem:$0x1F800];
	v16 =	vmax.f32 v16, $0.0e+00;
	v3 =	vmul.f32 v17, v3;
	v6 =	vmul.f32 v34, v6  }
0x265: {  	v45 =	vld [tilespmem:$0x1FC90];
	v10 =	vmax.f32 v10, $0.0e+00;
	v5 =	vmul.f32 v20, v5;
	v7 =	vmul.f32 v13, v7  }
0x266: {  	v58 =	vld [tilespmem:$0x1FCF0];
	v13 =	vmul.f32 v46, v16;
	v2 =	vmul.f32 v25, v4;
	v4 =	vmin.f32 v54, v28  }
0x267: {  	v15 =	vsub.f32 v30, v21;
	v1 =	vmin.f32 v54, v59;
	v4 =	vsub.f32 v4, v40;
	v40 =	vld [tilespmem:$0x1FC50]  }
0x268: {  	v44 =	vld [tilespmem:$0x1FC70];
	v16 =	vmin.f32 v54, v47;
	v22 =	vmax.f32 v49, $0.0e+00;
	v29 =	vsub.f32 v1, v42  }
0x269: {  	v43 =	vld [tilespmem:$0x1F7D0];
	v1 =	vmul.f32 v61, v62;
	v25 =	vsub.f32 v33, v24;
	v42 =	vmax.f32 v23, $0.0e+00  }
0x26a: {  	v48 =	vld [tilespmem:$0x1FCB0];
	v23 =	vsub.f32 v45, v3;
	v16 =	vsub.f32 v16, v36;
	v10 =	vmul.f32 v22, v10  }
0x26b: {  	v50 =	vld [tilespmem:$0x1FCD0];
	v26 =	vsub.f32 v58, v7;
	v8 =	vmul.f32 v42, v8;
	v18 =	vmax.f32 v18, $0.0e+00  }
0x26c: {  	v57 =	vld [tilespmem:$0x1FD10];
	(erf) = vrcp.f32 v15;
	v15 =	vmin.f32 v54, v35;
	v17 =	vsub.f32 v40, v27  }
0x26d: {  	v60 =	vld [tilespmem:$0x1FD50];
	v20 =	vsub.f32 v44, v2;
	(erf) = vrcp.f32 v25;
	v25 =	vsub.f32 v41, v1  }
0x26e: {  	v56 =	vmax.f32 v29, $0.0e+00;
	v16 =	vmax.f32 v16, $0.0e+00;
	(erf) = vrcp.f32 v17  }
0x26f: {  	v51 =	vld [tilespmem:$0x1FA00];
	v15 =	vsub.f32 v15, v39;
	v9 =	vmul.f32 v9, v56;
	(erf) = vrcp.f32 v25  }
0x270: {  	v62 =	vld [tilespmem:$0x1FD30];
	v17 =	vmin.f32 v54, v43;
	(erf) = vrcp.f32 v20;
	v20 =	vsub.f32 v48, v6  }
0x271: {  	v17 =	vsub.f32 v17, v38;
	v38 =	vld [tilespmem:$0x1FD90];
	(erf) = vrcp.f32 v23;
	v23 =	vsub.f32 v50, v5  }
0x272: {  	v39 =	vld [tilespmem:$0x1FD70];
	v28 =	vsub.f32 v60, v13;
	v25 =	vsub.f32 v57, v8;
	(erf) = vrcp.f32 v20  }
0x273: {  	v16 =	vmul.f32 v52, v16;
	v41 =	vld [tilespmem:$0x1FE10];
	v15 =	vmax.f32 v15, $0.0e+00;
	v59 =	vpop (erf);
	(erf) = vrcp.f32 v23  }
0x274: {  	v61 =	vpop (erf);
	v43 =	vld [tilespmem:$0x1FDF0];
	v17 =	vmax.f32 v17, $0.0e+00;
	v20 =	vmax.f32 v51, $0.0e+00;
	(erf) = vrcp.f32 v25  }
0x275: {  	v45 =	vld [tilespmem:$0x1FDB0];
	v63 =	vpop (erf);
	v18 =	vmul.f32 v20, v18;
	v20 =	vsub.f32 v62, v10;
	(erf) = vrcp.f32 v26  }
0x276: {  	v47 =	vld [tilespmem:$0x1FDD0];
	v0 =	vmul.f32 v0, v17;
	v17 =	vsub.f32 v38, v9;
	(erf) = vrcp.f32 v28;
	v28 =	vpop (erf)  }
0x277: {  	v4 =	vmax.f32 v4, $0.0e+00;
	v22 =	vsub.f32 v39, v18;
	(erf) = vrcp.f32 v20;
	v40 =	vpop (erf)  }
0x278: {  	v4 =	vmul.f32 v11, v4;
	v29 =	vsub.f32 v41, v0;
	(erf) = vrcp.f32 v17;
	v42 =	vpop (erf)  }
0x279: {  	v12 =	vmul.f32 v12, v15;
	v17 =	vsub.f32 v43, v16;
	(erf) = vrcp.f32 v22;
	v44 =	vpop (erf)  }
0x27a: {  	v22 =	vsub.f32 v45, v4;
	(erf) = vrcp.f32 v29;
	v46 =	vpop (erf)  }
0x27b: {  	v30 =	vsub.f32 v47, v12;
	(erf) = vrcp.f32 v17;
	v48 =	vpop (erf)  }
0x27c: {  	(erf) = vrcp.f32 v22;
	v49 =	vpop (erf)  }
0x27d: {  	(erf) = vrcp.f32 v30;
	v50 =	vpop (erf)  }
0x27e: {  	v51 =	vpop (erf)  }
0x27f: {  	v60 =	vld [tilespmem:$0x1FBD0];
	v52 =	vpop (erf)  }
0x280: {  	v56 =	vpop (erf)  }
0x281: {  	v35 =	vpop (erf)  }
0x282: {  	vm12 =	vge.f32 v31, $0.0e+00;
	vm13 =	vlt.f32 v54, $7.680000000e+02;
	v57 =	vpop (erf)  }
0x283: {  	vm14 =	vlt.f32 v53, $7.680000000e+02;
	v32 =	vimm.s32 $0x0;
	v19 =	vmul.f32 v59, v19;
	v58 =	vpop (erf)  }
0x284: {  	vm2 =	vgt.f32 v60, $6.999999880e-01;
	v14 =	vmul.f32 v61, v14;
	v0 =	vmul.f32 v58, v0;
	v59 =	vpop (erf)  }
0x285: {  	v21 =	vmul.f32 v63, v21;
	vm2 =	vmand vm1, vm2;
	v16 =	vmul.f32 v59, v16;
	v61 =	vpop (erf)  }
0x286: {  	v3 =	vmul.f32 v46, v3;
	v0 =	vmax.f32 v0, $0.0e+00;
	v4 =	vmul.f32 v61, v4;
	v62 =	vpop (erf)  }
0x287: {  	vm3 =	vgt.f32 v16, v0;
	v0 =	vmax.f32 v0, v16;
	v12 =	vmul.f32 v62, v12  }
0x288: {  	v63 =	vmul.f32 v57, v18;
	vm4 =	vgt.f32 v4, v0;
	v0 =	vmax.f32 v0, v4  }
0x289: {  	v18 =	vmul.f32 v35, v9;
	vm5 =	vgt.f32 v12, v0;
	v0 =	vmax.f32 v0, v12  }
0x28a: {  	v23 =	vmul.f32 v56, v10;
	vm6 =	vgt.f32 v63, v0;
	v0 =	vmax.f32 v0, v63  }
0x28b: {  	v25 =	vmul.f32 v52, v13;
	vm7 =	vgt.f32 v18, v0;
	v0 =	vmax.f32 v0, v18  }
0x28c: {  	v26 =	vmul.f32 v51, v7;
	vm8 =	vgt.f32 v23, v0;
	v0 =	vmax.f32 v0, v23  }
0x28d: {  	v30 =	vmul.f32 v50, v8;
	vm9 =	vgt.f32 v25, v0;
	v0 =	vmax.f32 v0, v25  }
0x28e: {  	v5 =	vmul.f32 v49, v5;
	vm10 =	vgt.f32 v26, v0;
	v0 =	vmax.f32 v0, v26  }
0x28f: {  	v6 =	vmul.f32 v48, v6;
	vm11 =	vgt.f32 v30, v0;
	v0 =	vmax.f32 v0, v30  }
0x290: {  	v33 =	vsel vm3, $0x1, v32;
	vm3 =	vgt.f32 v5, v0;
	v0 =	vmax.f32 v0, v5  }
0x291: {  	vm1 =	vge.f32 v37, $0.0e+00;
	v2 =	vmul.f32 v44, v2;
	v5 =	vmax.f32 v0, v6  }
0x292: {  	v1 =	vmul.f32 v42, v1;
	v4 =	vsel vm4, $0x2, v33;
	v34 =	vmax.f32 v5, v3  }
0x293: {  	v35 =	vmul.f32 v40, v27;
	v4 =	vsel vm5, $0x3, v4;
	v36 =	vmax.f32 v34, v2  }
0x294: {  	v38 =	vmul.f32 v28, v24;
	v4 =	vsel vm6, $0x4, v4;
	v11 =	vmax.f32 v36, v1  }
0x295: {  	vm1 =	vmand vm1, vm12;
	v4 =	vsel vm7, $0x5, v4;
	v39 =	vmax.f32 v11, v35  }
0x296: {  	vm1 =	vmand vm1, vm13;
	v4 =	vsel vm8, $0x6, v4;
	v40 =	vmax.f32 v39, v38  }
0x297: {  	vm1 =	vmand vm14, vm1;
	v4 =	vsel vm9, $0x7, v4;
	v41 =	vmax.f32 v40, v21  }
0x298: {  	v43 =	vmov s29;
	v4 =	vsel vm10, $0x8, v4;
	v42 =	vmax.f32 v41, v14  }
0x299: {  	vm15 =	vlt.u32 v43, $0x5100;
	v4 =	vsel vm11, $0x9, v4;
	v44 =	vmax.f32 v42, v19  }
0x29a: {  	vm1 =	vmand vm15, vm1;
	v4 =	vsel vm3, $0xA, v4;
	vm3 =	vgt.f32 v44, $6.999999880e-01  }
0x29b: {  	v45 =	vsel vm2, $0x1, v32;
	vm10 =	vgt.f32 v6, v0;
	vm2 =	vmand vm1, vm3  }
0x29c: {  	(xrf0) =	vadd.scan.msk.s32 $0xffff, v45;
	vm11 =	vgt.f32 v3, v5;
	v4 =	vsel vm10, $0xB, v4;
	v47 =	vsel vm2, $0x1, v32  }
0x29d: {  	v46 =	vsel vm11, $0xC, v4;
	vm3 =	vgt.f32 v2, v34;
	(xrf0) =	vadd.scan.msk.s32 $0xffff, v47  }
0x29e: {  	vm2 =	vgt.f32 v1, v36;
	v48 =	vsel vm3, $0xD, v46  }
0x29f: {  	vm3 =	vgt.f32 v35, v11;
	v1 =	vsel vm2, $0xE, v48  }
0x2a0: {  	vm2 =	vgt.f32 v38, v39;
	v49 =	vsel vm3, $0xF, v1  }
0x2a1: {  	vm3 =	vgt.f32 v21, v40;
	v0 =	vsel vm2, $0x10, v49  }
0x2a2: {  	v50, _, _ =	vpop (xrf0);
	vm2 =	vgt.f32 v14, v41;
	v0 =	vsel vm3, $0x11, v0  }
0x2a3: {  	(v2sf) =	vpush v50, $0xF;
	v0 =	vsel vm2, $0x12, v0;
	vm2 =	vgt.f32 v19, v42;
	v51, _, _ =	vpop (xrf0)  }
0x2a4: {  	v0 =	vsel vm2, $0x13, v0;
	(v2sf) =	vpush v51, $0xF;
	_ =	sdelay $0x2  }
0x2a5: {  	v56 =	vld [tilespmem:$0x1FB70]  }
0x2a6: {  	v57 =	vld [tilespmem:$0x1FB80]  }
0x2a7: {  	v52 =	vld.idx.msk [tilespmem:v0+s22+$0x0], $0xffff  }
0x2a8: {  	v53 =	vld.idx.msk [tilespmem:v0+s19+$0x0], $0xffff  }
0x2a9: {  	v54 =	vld.idx.msk [tilespmem:v0+s20+$0x0], $0xffff  }
0x2aa: {  	v0 =	vld.idx.msk [tilespmem:v0+s21+$0x0], $0xffff  }
0x2ab: {  	vm2 =	vge.f32 v44, $6.999999880e-01  }
0x2ac: {  	v58 =	vimm.f32 $-1.000000000e+00;
	vm2 =	vmand vm1, vm2;
	v1 =	vsub.f32 v56, v52  }
0x2ad: {  	vm3 =	vle.f32 v44, $3.000000120e-01;
	v4 =	vsel vm2, $0x3F800000, v58;
	v2 =	vsub.f32 v37, v53  }
0x2ae: {  	vm2 =	vmand vm1, vm3;
	v3 =	vsub.f32 v31, v54;
	v1 =	vmul.f32 $6.250000000e-02, v1  }
0x2af: {  	s1 =	sshra.s32 s26, $0x2;
	v59 =	vsel vm2, $0x0, v4;
	v0 =	vsub.f32 v57, v0;
	v2 =	vmul.f32 $6.250000000e-02, v2  }
0x2b0: {  	s30 =	spop (v2sf);
	[tilespmem:s1+$0x180] =	vst v59;
	v3 =	vmul.f32 $6.250000000e-02, v3;
	v1 =	vnsel vm1, $0x0, v1  }
0x2b1: {  	s25 =	sadd.s32 s25, s30;
	v0 =	vmul.f32 $6.250000000e-02, v0;
	v60 =	vnsel vm1, $0x0, v2;
	[tilespmem:s1+$0xC30] =	vst v1;
	s31 =	spop (v2sf)  }
0x2b2: {  	v61 =	vnsel vm1, $0x0, v3;
	[tilespmem:s1+$0x480] =	vst v60;
	s25 =	sadd.s32 s25, s31  }
0x2b3: {  	v0 =	vnsel vm1, $0x0, v0;
	[tilespmem:s1+$0x710] =	vst v61;
	v62 =	vmov s25  }
0x2b4: {  	[tilespmem:s1+$0x9A0] =	vst v0;
	v63 =	vnsel vm0, $0x0, v62  }
0x2b5: {  	s1 =	simm.s32 @p0 $0x0;
	s25 =	simm.s32 @p0 $0x180;
	[tilespmem:$0xF00] =	vst v63  }
0x2b6: {  	[hbm4b:s10+s1] =	stream.linear.scatter @p0 [tilespmem:s25], [sflag:$0x1], $0x190, $0x38;
	[tilespmem:$0xF80] =	vst v63  }
0x2b7: {  	s25 =	simm.s32 @p0 $0x480  }
0x2b8: {  	[hbm4b:s11+s1] =	stream.linear.scatter @p0 [tilespmem:s25], [sflag:$0x1], $0x190, $0x38;
	[tilespmem:$0xF80] =	vst v63  }
0x2b9: {  	s25 =	simm.s32 @p0 $0x710  }
0x2ba: {  	[hbm4b:s12+s1] =	stream.linear.scatter @p0 [tilespmem:s25], [sflag:$0x1], $0x190, $0x38;
	[tilespmem:$0xF80] =	vst v63  }
0x2bb: {  	s25 =	simm.s32 @p0 $0x9A0  }
0x2bc: {  	[hbm4b:s13+s1] =	stream.linear.scatter @p0 [tilespmem:s25], [sflag:$0x1], $0x190, $0x38;
	[tilespmem:$0xF80] =	vst v63  }
0x2bd: {  	s25 =	simm.s32 @p0 $0xC30  }
0x2be: {  	[hbm4b:s14+s1] =	stream.linear.scatter @p0 [tilespmem:s25], [sflag:$0x1], $0x190, $0x38;
	[tilespmem:$0xF80] =	vst v63  }
0x2bf: {  	s25 =	simm.s32 @p0 $0xF00  }
0x2c0: {  	[hbm4b:s15+s1] =	stream.linear.scatter @p0 [tilespmem:s25], [sflag:$0x1], $0x10, $0x38;
	[tilespmem:$0xF80] =	vst v63  }
0x2c1: {  	s1 =	simm.s32 @p0 $0x1  }
0x2c2: {  	_ =	swait.ge @p0 [sflag:s1], $0x190  }
0x2c3: {  	[sflag:s1] =	ssyncset.done @p0 $0x0  }
0x2c4: {  	[sflag:s1] =	ssyncadd.s32 @p0 $0xFFFFFE70  }
0x2c5: {  	_ =	swait.ge @p0 [sflag:s1], $0x190  }
0x2c6: {  	[sflag:s1] =	ssyncset.done @p0 $0x0  }
0x2c7: {  	[sflag:s1] =	ssyncadd.s32 @p0 $0xFFFFFE70  }
0x2c8: {  	_ =	swait.ge @p0 [sflag:s1], $0x190  }
0x2c9: {  	[sflag:s1] =	ssyncset.done @p0 $0x0  }
0x2ca: {  	[sflag:s1] =	ssyncadd.s32 @p0 $0xFFFFFE70  }
0x2cb: {  	_ =	swait.ge @p0 [sflag:s1], $0x190  }
0x2cc: {  	[sflag:s1] =	ssyncset.done @p0 $0x0  }
0x2cd: {  	[sflag:s1] =	ssyncadd.s32 @p0 $0xFFFFFE70  }
0x2ce: {  	_ =	swait.ge @p0 [sflag:s1], $0x190  }
0x2cf: {  	[sflag:s1] =	ssyncset.done @p0 $0x0  }
0x2d0: {  	s25 =	simm.s32 @!p0 $0x180;
	[sflag:s1] =	ssyncadd.s32 @p0 $0xFFFFFE70;
	s1 =	simm.s32 @!p0 $0x0  }
0x2d1: {  	[hbm4b:s4+s1] =	stream.linear.scatter @!p0 [tilespmem:s25], [sflag:$0x1], $0x290, $0x38;
	[tilespmem:$0xF80] =	vst v63  }
0x2d2: {  	s25 =	simm.s32 @!p0 $0x480  }
0x2d3: {  	[hbm4b:s5+s1] =	stream.linear.scatter @!p0 [tilespmem:s25], [sflag:$0x1], $0x290, $0x38;
	[tilespmem:$0xF80] =	vst v63  }
0x2d4: {  	s25 =	simm.s32 @!p0 $0x710  }
0x2d5: {  	[hbm4b:s6+s1] =	stream.linear.scatter @!p0 [tilespmem:s25], [sflag:$0x1], $0x290, $0x38;
	[tilespmem:$0xF80] =	vst v63  }
0x2d6: {  	s25 =	simm.s32 @!p0 $0x9A0  }
0x2d7: {  	[hbm4b:s7+s1] =	stream.linear.scatter @!p0 [tilespmem:s25], [sflag:$0x1], $0x290, $0x38;
	[tilespmem:$0xF80] =	vst v63  }
0x2d8: {  	s25 =	simm.s32 @!p0 $0xC30  }
0x2d9: {  	[hbm4b:s8+s1] =	stream.linear.scatter @!p0 [tilespmem:s25], [sflag:$0x1], $0x290, $0x38;
	[tilespmem:$0xF80] =	vst v63  }
0x2da: {  	s25 =	simm.s32 @!p0 $0xF00  }
0x2db: {  	[hbm4b:s9+s1] =	stream.linear.scatter @!p0 [tilespmem:s25], [sflag:$0x1], $0x10, $0x38;
	[tilespmem:$0xF80] =	vst v63  }
0x2dc: {  	s1 =	simm.s32 @!p0 $0x1  }
0x2dd: {  	_ =	swait.ge @!p0 [sflag:s1], $0x290  }
0x2de: {  	[sflag:s1] =	ssyncset.done @!p0 $0x0  }
0x2df: {  	[sflag:s1] =	ssyncadd.s32 @!p0 $0xFFFFFD70  }
0x2e0: {  	_ =	swait.ge @!p0 [sflag:s1], $0x290  }
0x2e1: {  	[sflag:s1] =	ssyncset.done @!p0 $0x0  }
0x2e2: {  	[sflag:s1] =	ssyncadd.s32 @!p0 $0xFFFFFD70  }
0x2e3: {  	_ =	swait.ge @!p0 [sflag:s1], $0x290  }
0x2e4: {  	[sflag:s1] =	ssyncset.done @!p0 $0x0  }
0x2e5: {  	[sflag:s1] =	ssyncadd.s32 @!p0 $0xFFFFFD70  }
0x2e6: {  	_ =	swait.ge @!p0 [sflag:s1], $0x290  }
0x2e7: {  	[sflag:s1] =	ssyncset.done @!p0 $0x0  }
0x2e8: {  	s24 =	sadd.s32 $0x1, s24;
	[sflag:s1] =	ssyncadd.s32 @!p0 $0xFFFFFD70  }
0x2e9: {  	p1 =	sne.s32 s24, s16;
	_ =	swait.ge @!p0 [sflag:s1], $0x290  }
.Ltmp1:
0x2ea: {  	[sflag:s1] =	ssyncset.done @!p0 $0x0;
	(pc) =	sbr.rel @p1 .LBB2_1-.Ltmp1, $4  }
0x2eb: {  	[sflag:s1] =	ssyncadd.s32 @!p0 $0xFFFFFD70  }
0x2ec: {  	_ =	swait.ge [sflag:s23], $0x10  }
0x2ed: {  	[sflag:s23] =	ssyncset.done $0x0  }
0x2ee: {  	v44 =	vimm.s32 $0x20;
	[sflag:s23] =	ssyncadd.s32 $0xFFFFFFF0  }
0x2ef: {  	_ =	sfence.sel $0x180000  }
0x2f0: {  	[bflag:$0x0] =	sbarrier.arrive $0xFFFF  }
0x2f1: {  	_ =	strace $0x90000047  }
0x2f2: {  	[bflag:$0x2] =	sbarrier.arrive $0xFFFF  }
0x2f3: {  	p0 =	sne.s32 s0, $0x0;
	s0 =	rddreg [dreg:$0x3]  }
0x2f4: {  	s0 =	sadd.s32 @!p0 $0x100000, s0  }
0x2f5: {  	[sflag:s0] =	ssyncadd.tile.s32 @!p0 $0x1;
	_ =	shalt  }
.Lfunc_end2:
_tile_overlayer_lowered:
.L_overlay_start_2:
0x2f6: {  	(tag) =	ssettag $0x2  }
0x2f7: {  	s0 =	rddreg [dreg:$0x0];
	s2 =	stileid.u32  }
0x2f8: {  	s1 =	rddreg [dreg:$0x1];
	p0 =	sne.s32 s2, $0x0  }
0x2f9: {  	s3 =	rddreg [dreg:$0x2];
	[bflag:$0x3] =	sbarrier.arrive $0xFFFF;
	s2 =	simm.s32 @!p0 $0x1C02  }
0x2fa: {  	[timem:s3], [sflag:s2] =	dma.local @!p0 [hbm:s0], s1  }
0x2fb: {  	s0 =	simm.s32 @!p0 $0x2  }
0x2fc: {  	_ =	swait.ge @!p0 [sflag:s0], s1  }
0x2fd: {  	s1 =	ssub.s32 @!p0 $0x0, s1;
	[sflag:s0] =	ssyncset.done @!p0 $0x0  }
0x2fe: {  	[sflag:s0] =	ssyncadd.s32 @!p0 s1  }
0x2ff: {  	[bflag:$0x3] =	sbarrier.arrive $0xFFFF  }
0x300: {  	_ =	shalt  }

</sc_bundles>
